<compile_context>
chip_gen: v7x
topology: tpu7x:2x2x1
jax: 0.10.2.dev20260603
libtpu: 0.0.44.dev20260713+nightly
codegen_flags: <defaults>
</compile_context>

<pallas_src>
import functools

import jax
import jax.numpy as jnp
from jax import lax
from jax.experimental import pallas as pl
from jax.experimental.pallas import tpu as pltpu
from jax.experimental.pallas import tpu_sc as plsc

DIM = 64
SCALE = 8.0
LANES = 16
CHUNK = 256
MAXPOS = 200



VOCAB_BLOCK = 2048


@functools.lru_cache(maxsize=None)
def _linearize_table(vocab: int, dim: int):
    nb = (vocab + VOCAB_BLOCK - 1) // VOCAB_BLOCK

    def body(wt_ref, out_ref):
        t = jnp.transpose(wt_ref[...], (1, 0))
        t3 = t.reshape(VOCAB_BLOCK // 2, 2, dim)
        out_ref[...] = jnp.concatenate([t3[:, 0, :], t3[:, 1, :]], axis=1)

    return pl.pallas_call(
        body,
        grid=(nb,),
        in_specs=[pl.BlockSpec((dim, VOCAB_BLOCK), lambda i: (0, i))],
        out_specs=pl.BlockSpec((VOCAB_BLOCK // 2, 2 * dim), lambda i: (i, 0)),
        out_shape=jax.ShapeDtypeStruct((vocab // 2, 2 * dim), jnp.float32),
    )


@functools.lru_cache(maxsize=None)
def _build(n_rows: int):
    info = plsc.get_sparse_core_info()
    nw = info.num_cores * info.num_subcores
    rows_per_w = n_rows // nw
    n_chunks = rows_per_w // CHUNK
    assert rows_per_w % CHUNK == 0 and n_chunks >= 4 and (n_chunks - 4) % 4 == 0

    mesh = plsc.VectorSubcoreMesh(core_axis_name="c", subcore_axis_name="s")

    @functools.partial(
        pl.kernel,
        mesh=mesh,
        compiler_params=pltpu.CompilerParams(use_tc_tiling_on_sc=False),
        out_type=jax.ShapeDtypeStruct((n_rows, 2 * DIM), jnp.float32),
        scratch_types=(
            [pltpu.VMEM((rows_per_w,), jnp.int32)] * 2
            + [pltpu.VMEM((CHUNK, DIM), jnp.float32)] * 4
            + [pltpu.SemaphoreType.DMA] * 12
        ),
    )
    def emb(w_word, w_pos, iw_hbm, ip_hbm, out_hbm, iw_v, ip_v, *rest):
        wid = lax.axis_index("s") * info.num_cores + lax.axis_index("c")
        base = wid * rows_per_w
        pltpu.sync_copy(iw_hbm.at[pl.ds(base, rows_per_w)], iw_v)
        pltpu.sync_copy(ip_hbm.at[pl.ds(base, rows_per_w)], ip_v)

        bufv, semv = rest[:4], rest[4:]
        bufs = tuple(
            (bufv[i], semv[3 * i], semv[3 * i + 1], semv[3 * i + 2]) for i in range(4)
        )

        def issue_word(c, slot):
            bw, sw, _, _ = slot
            pltpu.async_copy(w_word.at[iw_v.at[pl.ds(c * CHUNK, CHUNK)]], bw, sw)

        def wait_word(slot):
            bw, sw, _, _ = slot
            pltpu.make_async_copy(w_word.at[iw_v.at[pl.ds(0, CHUNK)]], bw, sw).wait()

        def scale(slot):
            bw = slot[0]

            def row_body(r, carry):
                for k in range(4):
                    ri = r * 4 + k
                    for j in range(DIM // LANES):
                        s = pl.ds(j * LANES, LANES)
                        bw[ri, s] = bw[ri, s] * SCALE
                return carry

            lax.fori_loop(0, CHUNK // 4, row_body, 0, unroll=False)

        def issue_posadd(c, slot):
            bw, _, sp, _ = slot
            pltpu.async_copy(
                w_pos.at[ip_v.at[pl.ds(c * CHUNK, CHUNK)]], bw, sp, add=True
            )

        def wait_posadd(slot):
            bw, _, sp, _ = slot
            pltpu.make_async_copy(w_pos.at[ip_v.at[pl.ds(0, CHUNK)]], bw, sp).wait()

        def write(c, slot):
            bw, _, _, so = slot
            pltpu.async_copy(bw, out_hbm.at[pl.ds(base + c * CHUNK, CHUNK), pl.ds(0, DIM)], so)

        def wait_write(slot):
            bw, _, _, so = slot
            pltpu.make_async_copy(bw, out_hbm.at[pl.ds(base, CHUNK), pl.ds(0, DIM)], so).wait()

        issue_word(0, bufs[0])
        issue_word(1, bufs[1])
        for c in (0, 1):
            if c > 0:
                wait_posadd(bufs[c - 1])
                write(c - 1, bufs[c - 1])
            issue_word(c + 2, bufs[c + 2])
            wait_word(bufs[c])
            scale(bufs[c])
            issue_posadd(c, bufs[c])

        def group(g, carry):
            for k in range(4):
                c = 2 + 4 * g + k
                prev = bufs[(1 + k) % 4]
                nxt = bufs[k % 4]
                cur = bufs[(2 + k) % 4]
                wait_posadd(prev)
                write(c - 1, prev)
                wait_write(nxt)
                issue_word(c + 2, nxt)
                wait_word(cur)
                scale(cur)
                issue_posadd(c, cur)
            return carry

        lax.fori_loop(0, (n_chunks - 4) // 4, group, 0, unroll=False)
        for c in (n_chunks - 2, n_chunks - 1):
            prev, cur = bufs[(c - 1) % 4], bufs[c % 4]
            wait_posadd(prev)
            write(c - 1, prev)
            wait_word(cur)
            scale(cur)
            issue_posadd(c, cur)
        last = bufs[(n_chunks - 1) % 4]
        wait_posadd(last)
        write(n_chunks - 1, last)
        for b in range(4):
            wait_write(bufs[b])

    return emb


def kernel(src_word, src_pos, W_word, W_pos):
    B, L = src_word.shape
    n = B * L
    nw = 32
    iw = src_word.reshape(-1).astype(jnp.int32)
    ip = src_pos.reshape(-1).astype(jnp.int32)
    w_pos_rep = jnp.tile(W_pos, (nw, 1))
    ip = ip + (jnp.arange(n, dtype=jnp.int32) // (n // nw)) * MAXPOS
    V = W_word.shape[0]
    w_lin = _linearize_table(V, DIM)(W_word.T).reshape(V, DIM)
    out = _build(n)(w_lin, w_pos_rep, iw, ip)
    return out[:, :DIM].reshape(B, L, DIM)

# --- scband reference (transcript-rebuilt; emitter-appended) ---
"""Pipeline reference for scband-prepare-decoder-48713519071745 (READ-ONLY COPY).

The authoritative reference and input builder live on the scoring server;
editing this copy changes nothing except your own understanding.
"""

import jax, jax.numpy as jnp
import numpy as np

VOCAB = 1000000
MAXLEN = 200
DIM = 64
B = 4096
L = 200
BOS = 0


def setup_inputs(seed: int = 0) -> dict:
    key = jax.random.key(seed)
    k1, k2, k3, k4 = jax.random.split(key, 4)
    src_word = jax.random.randint(k1, (B, L), 0, VOCAB, dtype=jnp.int64)
    src_pos = jax.random.randint(k2, (B, L), 0, MAXLEN, dtype=jnp.int64)
    W_word = jax.random.normal(k3, (VOCAB, DIM), dtype=jnp.float32) * 0.02
    # padding_idx=bos_idx zeroes that embedding row (torch nn.Embedding padding_idx semantics)
    W_word = W_word.at[BOS].set(0.0)
    W_pos = jax.random.normal(k4, (MAXLEN, DIM), dtype=jnp.float32) * 0.02
    return {"src_word": src_word, "src_pos": src_pos, "W_word": W_word, "W_pos": W_pos}


def reference(src_word, src_pos, W_word, W_pos):
    # src_word = src_word.to(int64); squeeze(-1) is a no-op for [B, L] inputs
    src_word = src_word.astype(jnp.int64)
    src_word_emb = jnp.take(W_word, src_word, axis=0)
    src_word_emb = src_word_emb * (DIM ** 0.5)
    src_pos_enc = jnp.take(W_pos, src_pos, axis=0)
    # note: original calls src_pos_enc.detach() without assignment -> no-op
    enc_input = src_word_emb + src_pos_enc
    # dropout_rate == 0 -> identity
    return enc_input

if __name__ == "__main__":
    import jax
    _d = setup_inputs()
    print(jax.jit(kernel)(*tuple(_d.values())))

</pallas_src>

<mosaic_0001>
#map = affine_map<(d0, d1) -> (0, 0)>
#map1 = affine_map<(d0, d1) -> (0)>
module attributes {stable_mosaic.version = 14 : i64} {
  func.func @emb(%arg0: i32, %arg1: i32, %arg2: memref<1000000x64xf32, #tpu.memory_space<hbm>>, %arg3: memref<6400x64xf32, #tpu.memory_space<hbm>>, %arg4: memref<819200xi32, #tpu.memory_space<hbm>>, %arg5: memref<819200xi32, #tpu.memory_space<hbm>>, %arg6: memref<819200x128xf32, #tpu.memory_space<hbm>>, %arg7: memref<25600xi32, #tpu.memory_space<vmem>>, %arg8: memref<25600xi32, #tpu.memory_space<vmem>>, %arg9: memref<256x64xf32, #tpu.memory_space<vmem>>, %arg10: memref<256x64xf32, #tpu.memory_space<vmem>>, %arg11: memref<256x64xf32, #tpu.memory_space<vmem>>, %arg12: memref<256x64xf32, #tpu.memory_space<vmem>>, %arg13: memref<!tpu.dma_semaphore, #tpu.memory_space<semaphore_mem>>, %arg14: memref<!tpu.dma_semaphore, #tpu.memory_space<semaphore_mem>>, %arg15: memref<!tpu.dma_semaphore, #tpu.memory_space<semaphore_mem>>, %arg16: memref<!tpu.dma_semaphore, #tpu.memory_space<semaphore_mem>>, %arg17: memref<!tpu.dma_semaphore, #tpu.memory_space<semaphore_mem>>, %arg18: memref<!tpu.dma_semaphore, #tpu.memory_space<semaphore_mem>>, %arg19: memref<!tpu.dma_semaphore, #tpu.memory_space<semaphore_mem>>, %arg20: memref<!tpu.dma_semaphore, #tpu.memory_space<semaphore_mem>>, %arg21: memref<!tpu.dma_semaphore, #tpu.memory_space<semaphore_mem>>, %arg22: memref<!tpu.dma_semaphore, #tpu.memory_space<semaphore_mem>>, %arg23: memref<!tpu.dma_semaphore, #tpu.memory_space<semaphore_mem>>, %arg24: memref<!tpu.dma_semaphore, #tpu.memory_space<semaphore_mem>>) attributes {dimension_semantics = [#tpu.dimension_semantics<core_parallel>, #tpu.dimension_semantics<subcore_parallel>], iteration_bounds = array<i64: 2, 16>, scalar_prefetch = 0 : i64, scratch_operands = 18 : i64, tpu.core_type = #tpu.core_type<sc_vector_subcore>, window_params = [{transform_indices = #map}, {transform_indices = #map}, {transform_indices = #map1}, {transform_indices = #map1}, {transform_indices = #map}]} {
    %mul3A = arith.constant 2 : i32
    %mul3A_0 = arith.muli %arg1, %mul3A : i32
    %add3A = arith.addi %mul3A_0, %arg0 : i32
    %mul3A_1 = arith.constant 25600 : i32
    %mul3A_2 = arith.muli %add3A, %mul3A_1 : i32
    "tpu.region"() ({
      %run_scoped3A = tpu.sem_alloc : memref<!tpu.dma_semaphore, #tpu.memory_space<semaphore_mem>>
      %dma_start3A_150 = tpu.memref_slice %arg4[%mul3A_2] : memref<819200xi32, #tpu.memory_space<hbm>> -> memref<25600xi32, #tpu.memory_space<hbm>>
      %dma_start3A_151 = tpu.memref_slice %arg4[%mul3A_2] : memref<819200xi32, #tpu.memory_space<hbm>> -> memref<25600xi32, #tpu.memory_space<hbm>>
      tpu.enqueue_dma source(%dma_start3A_151 : memref<25600xi32, #tpu.memory_space<hbm>>) target(%arg7 : memref<25600xi32, #tpu.memory_space<vmem>>) target_semaphore(%run_scoped3A : memref<!tpu.dma_semaphore, #tpu.memory_space<semaphore_mem>>)
      %dma_wait3A_152 = tpu.memref_slice %arg4[%mul3A_2] : memref<819200xi32, #tpu.memory_space<hbm>> -> memref<25600xi32, #tpu.memory_space<hbm>>
      %dma_wait3A_153 = tpu.memref_slice %arg4[%mul3A_2] : memref<819200xi32, #tpu.memory_space<hbm>> -> memref<25600xi32, #tpu.memory_space<hbm>>
      tpu.wait_dma2 semaphore(%run_scoped3A : memref<!tpu.dma_semaphore, #tpu.memory_space<semaphore_mem>>) src(%dma_wait3A_153 : memref<25600xi32, #tpu.memory_space<hbm>>) dst(%arg7 : memref<25600xi32, #tpu.memory_space<vmem>>)
      tpu.yield
    }) : () -> ()
    "tpu.region"() ({
      %run_scoped3A = tpu.sem_alloc : memref<!tpu.dma_semaphore, #tpu.memory_space<semaphore_mem>>
      %dma_start3A_150 = tpu.memref_slice %arg5[%mul3A_2] : memref<819200xi32, #tpu.memory_space<hbm>> -> memref<25600xi32, #tpu.memory_space<hbm>>
      %dma_start3A_151 = tpu.memref_slice %arg5[%mul3A_2] : memref<819200xi32, #tpu.memory_space<hbm>> -> memref<25600xi32, #tpu.memory_space<hbm>>
      tpu.enqueue_dma source(%dma_start3A_151 : memref<25600xi32, #tpu.memory_space<hbm>>) target(%arg8 : memref<25600xi32, #tpu.memory_space<vmem>>) target_semaphore(%run_scoped3A : memref<!tpu.dma_semaphore, #tpu.memory_space<semaphore_mem>>)
      %dma_wait3A_152 = tpu.memref_slice %arg5[%mul3A_2] : memref<819200xi32, #tpu.memory_space<hbm>> -> memref<25600xi32, #tpu.memory_space<hbm>>
      %dma_wait3A_153 = tpu.memref_slice %arg5[%mul3A_2] : memref<819200xi32, #tpu.memory_space<hbm>> -> memref<25600xi32, #tpu.memory_space<hbm>>
      tpu.wait_dma2 semaphore(%run_scoped3A : memref<!tpu.dma_semaphore, #tpu.memory_space<semaphore_mem>>) src(%dma_wait3A_153 : memref<25600xi32, #tpu.memory_space<hbm>>) dst(%arg8 : memref<25600xi32, #tpu.memory_space<vmem>>)
      tpu.yield
    }) : () -> ()
    %dma_start3A = arith.constant 0 : i32
    %dma_start3A_3 = tpu.memref_slice %arg7[%dma_start3A] : memref<25600xi32, #tpu.memory_space<vmem>> -> memref<256xi32, #tpu.memory_space<vmem>>
    %dma_start3A_4 = arith.constant 0 : i32
    %dma_start3A_5 = arith.constant 0 : i32
    %dma_start3A_6 = tpu.memref_slice %arg2[%dma_start3A_4, %dma_start3A_5] : memref<1000000x64xf32, #tpu.memory_space<hbm>> -> memref<1000000x64xf32, #tpu.memory_space<hbm>>
    tpu.enqueue_indirect_dma source(%dma_start3A_6 : memref<1000000x64xf32, #tpu.memory_space<hbm>>) target(%arg9 : memref<256x64xf32, #tpu.memory_space<vmem>>) offsets(%dma_start3A_3 : memref<256xi32, #tpu.memory_space<vmem>>) semaphore(%arg13 : memref<!tpu.dma_semaphore, #tpu.memory_space<semaphore_mem>>)
    %dma_start3A_7 = arith.constant 256 : i32
    %dma_start3A_8 = tpu.memref_slice %arg7[%dma_start3A_7] : memref<25600xi32, #tpu.memory_space<vmem>> -> memref<256xi32, #tpu.memory_space<vmem>>
    %dma_start3A_9 = arith.constant 0 : i32
    %dma_start3A_10 = arith.constant 0 : i32
    %dma_start3A_11 = tpu.memref_slice %arg2[%dma_start3A_9, %dma_start3A_10] : memref<1000000x64xf32, #tpu.memory_space<hbm>> -> memref<1000000x64xf32, #tpu.memory_space<hbm>>
    tpu.enqueue_indirect_dma source(%dma_start3A_11 : memref<1000000x64xf32, #tpu.memory_space<hbm>>) target(%arg10 : memref<256x64xf32, #tpu.memory_space<vmem>>) offsets(%dma_start3A_8 : memref<256xi32, #tpu.memory_space<vmem>>) semaphore(%arg16 : memref<!tpu.dma_semaphore, #tpu.memory_space<semaphore_mem>>)
    %dma_start3A_12 = arith.constant 512 : i32
    %dma_start3A_13 = tpu.memref_slice %arg7[%dma_start3A_12] : memref<25600xi32, #tpu.memory_space<vmem>> -> memref<256xi32, #tpu.memory_space<vmem>>
    %dma_start3A_14 = arith.constant 0 : i32
    %dma_start3A_15 = arith.constant 0 : i32
    %dma_start3A_16 = tpu.memref_slice %arg2[%dma_start3A_14, %dma_start3A_15] : memref<1000000x64xf32, #tpu.memory_space<hbm>> -> memref<1000000x64xf32, #tpu.memory_space<hbm>>
    tpu.enqueue_indirect_dma source(%dma_start3A_16 : memref<1000000x64xf32, #tpu.memory_space<hbm>>) target(%arg11 : memref<256x64xf32, #tpu.memory_space<vmem>>) offsets(%dma_start3A_13 : memref<256xi32, #tpu.memory_space<vmem>>) semaphore(%arg19 : memref<!tpu.dma_semaphore, #tpu.memory_space<semaphore_mem>>)
    %dma_wait3A = arith.constant 0 : i32
    %dma_wait3A_17 = tpu.memref_slice %arg7[%dma_wait3A] : memref<25600xi32, #tpu.memory_space<vmem>> -> memref<256xi32, #tpu.memory_space<vmem>>
    %dma_wait3A_18 = arith.constant 0 : i32
    %dma_wait3A_19 = arith.constant 0 : i32
    %dma_wait3A_20 = tpu.memref_slice %arg2[%dma_wait3A_18, %dma_wait3A_19] : memref<1000000x64xf32, #tpu.memory_space<hbm>> -> memref<1000000x64xf32, #tpu.memory_space<hbm>>
    tpu.wait_indirect_dma semaphore(%arg13 : memref<!tpu.dma_semaphore, #tpu.memory_space<semaphore_mem>>) src(%dma_wait3A_20 : memref<1000000x64xf32, #tpu.memory_space<hbm>>) dst(%arg9 : memref<256x64xf32, #tpu.memory_space<vmem>>)
    %scan3A = arith.constant 0 : i32
    %scan3A_21 = arith.constant 0 : i32
    %scan3A_22 = arith.constant 64 : i32
    %scan3A_23 = arith.addi %scan3A_21, %scan3A_22 : i32
    %scan3A_24 = arith.constant 1 : i32
    scf.for %scan3A_150 = %scan3A_21 to %scan3A_23 step %scan3A_24  : i32 {
      %mul3A_151 = arith.constant 4 : i32
      %mul3A_152 = arith.muli %scan3A_150, %mul3A_151 : i32
      %add3A_153 = arith.constant 0 : i32
      %add3A_154 = arith.addi %mul3A_152, %add3A_153 : i32
      %get3A = arith.index_cast %add3A_154 : i32 to index
      %get3A_155 = arith.constant 0 : index
      %get3A_156 = tpu.vector_load %arg9[%get3A, %get3A_155] {strides = array<i32>} : memref<256x64xf32, #tpu.memory_space<vmem>>, vector<1x16xf32>,
      %get3A_157 = vector.shape_cast %get3A_156 : vector<1x16xf32> to vector<16xf32>
      %mul3A_158 = arith.constant 8.000000e+00 : f32
      %mul3A_159 = vector.broadcast %mul3A_158 : f32 to vector<16xf32>
      %mul3A_160 = arith.mulf %get3A_157, %mul3A_159 : vector<16xf32>
      %swap3A = arith.index_cast %add3A_154 : i32 to index
      %swap3A_161 = arith.constant 0 : index
      %swap3A_162 = tpu.vector_load %arg9[%swap3A, %swap3A_161] {strides = array<i32>} : memref<256x64xf32, #tpu.memory_space<vmem>>, vector<1x16xf32>,
      %swap3A_163 = vector.shape_cast %swap3A_162 : vector<1x16xf32> to vector<16xf32>
      %swap3A_164 = vector.shape_cast %mul3A_160 : vector<16xf32> to vector<1x16xf32>
      tpu.vector_store %arg9[%swap3A, %swap3A_161], %swap3A_164 {strides = array<i32>} : memref<256x64xf32, #tpu.memory_space<vmem>>, vector<1x16xf32>,
      %get3A_165 = arith.index_cast %add3A_154 : i32 to index
      %get3A_166 = arith.constant 16 : index
      %get3A_167 = tpu.vector_load %arg9[%get3A_165, %get3A_166] {strides = array<i32>} : memref<256x64xf32, #tpu.memory_space<vmem>>, vector<1x16xf32>,
      %get3A_168 = vector.shape_cast %get3A_167 : vector<1x16xf32> to vector<16xf32>
      %mul3A_169 = arith.constant 8.000000e+00 : f32
      %mul3A_170 = vector.broadcast %mul3A_169 : f32 to vector<16xf32>
      %mul3A_171 = arith.mulf %get3A_168, %mul3A_170 : vector<16xf32>
      %swap3A_172 = arith.index_cast %add3A_154 : i32 to index
      %swap3A_173 = arith.constant 16 : index
      %swap3A_174 = tpu.vector_load %arg9[%swap3A_172, %swap3A_173] {strides = array<i32>} : memref<256x64xf32, #tpu.memory_space<vmem>>, vector<1x16xf32>,
      %swap3A_175 = vector.shape_cast %swap3A_174 : vector<1x16xf32> to vector<16xf32>
      %swap3A_176 = vector.shape_cast %mul3A_171 : vector<16xf32> to vector<1x16xf32>
      tpu.vector_store %arg9[%swap3A_172, %swap3A_173], %swap3A_176 {strides = array<i32>} : memref<256x64xf32, #tpu.memory_space<vmem>>, vector<1x16xf32>,
      %get3A_177 = arith.index_cast %add3A_154 : i32 to index
      %get3A_178 = arith.constant 32 : index
      %get3A_179 = tpu.vector_load %arg9[%get3A_177, %get3A_178] {strides = array<i32>} : memref<256x64xf32, #tpu.memory_space<vmem>>, vector<1x16xf32>,
      %get3A_180 = vector.shape_cast %get3A_179 : vector<1x16xf32> to vector<16xf32>
      %mul3A_181 = arith.constant 8.000000e+00 : f32
      %mul3A_182 = vector.broadcast %mul3A_181 : f32 to vector<16xf32>
      %mul3A_183 = arith.mulf %get3A_180, %mul3A_182 : vector<16xf32>
      %swap3A_184 = arith.index_cast %add3A_154 : i32 to index
      %swap3A_185 = arith.constant 32 : index
      %swap3A_186 = tpu.vector_load %arg9[%swap3A_184, %swap3A_185] {strides = array<i32>} : memref<256x64xf32, #tpu.memory_space<vmem>>, vector<1x16xf32>,
      %swap3A_187 = vector.shape_cast %swap3A_186 : vector<1x16xf32> to vector<16xf32>
      %swap3A_188 = vector.shape_cast %mul3A_183 : vector<16xf32> to vector<1x16xf32>
      tpu.vector_store %arg9[%swap3A_184, %swap3A_185], %swap3A_188 {strides = array<i32>} : memref<256x64xf32, #tpu.memory_space<vmem>>, vector<1x16xf32>,
      %get3A_189 = arith.index_cast %add3A_154 : i32 to index
      %get3A_190 = arith.constant 48 : index
      %get3A_191 = tpu.vector_load %arg9[%get3A_189, %get3A_190] {strides = array<i32>} : memref<256x64xf32, #tpu.memory_space<vmem>>, vector<1x16xf32>,
      %get3A_192 = vector.shape_cast %get3A_191 : vector<1x16xf32> to vector<16xf32>
      %mul3A_193 = arith.constant 8.000000e+00 : f32
      %mul3A_194 = vector.broadcast %mul3A_193 : f32 to vector<16xf32>
      %mul3A_195 = arith.mulf %get3A_192, %mul3A_194 : vector<16xf32>
      %swap3A_196 = arith.index_cast %add3A_154 : i32 to index
      %swap3A_197 = arith.constant 48 : index
      %swap3A_198 = tpu.vector_load %arg9[%swap3A_196, %swap3A_197] {strides = array<i32>} : memref<256x64xf32, #tpu.memory_space<vmem>>, vector<1x16xf32>,
      %swap3A_199 = vector.shape_cast %swap3A_198 : vector<1x16xf32> to vector<16xf32>
      %swap3A_200 = vector.shape_cast %mul3A_195 : vector<16xf32> to vector<1x16xf32>
      tpu.vector_store %arg9[%swap3A_196, %swap3A_197], %swap3A_200 {strides = array<i32>} : memref<256x64xf32, #tpu.memory_space<vmem>>, vector<1x16xf32>,
      %mul3A_201 = arith.constant 4 : i32
      %mul3A_202 = arith.muli %scan3A_150, %mul3A_201 : i32
      %add3A_203 = arith.constant 1 : i32
      %add3A_204 = arith.addi %mul3A_202, %add3A_203 : i32
      %get3A_205 = arith.index_cast %add3A_204 : i32 to index
      %get3A_206 = arith.constant 0 : index
      %get3A_207 = tpu.vector_load %arg9[%get3A_205, %get3A_206] {strides = array<i32>} : memref<256x64xf32, #tpu.memory_space<vmem>>, vector<1x16xf32>,
      %get3A_208 = vector.shape_cast %get3A_207 : vector<1x16xf32> to vector<16xf32>
      %mul3A_209 = arith.constant 8.000000e+00 : f32
      %mul3A_210 = vector.broadcast %mul3A_209 : f32 to vector<16xf32>
      %mul3A_211 = arith.mulf %get3A_208, %mul3A_210 : vector<16xf32>
      %swap3A_212 = arith.index_cast %add3A_204 : i32 to index
      %swap3A_213 = arith.constant 0 : index
      %swap3A_214 = tpu.vector_load %arg9[%swap3A_212, %swap3A_213] {strides = array<i32>} : memref<256x64xf32, #tpu.memory_space<vmem>>, vector<1x16xf32>,
      %swap3A_215 = vector.shape_cast %swap3A_214 : vector<1x16xf32> to vector<16xf32>
      %swap3A_216 = vector.shape_cast %mul3A_211 : vector<16xf32> to vector<1x16xf32>
      tpu.vector_store %arg9[%swap3A_212, %swap3A_213], %swap3A_216 {strides = array<i32>} : memref<256x64xf32, #tpu.memory_space<vmem>>, vector<1x16xf32>,
      %get3A_217 = arith.index_cast %add3A_204 : i32 to index
      %get3A_218 = arith.constant 16 : index
      %get3A_219 = tpu.vector_load %arg9[%get3A_217, %get3A_218] {strides = array<i32>} : memref<256x64xf32, #tpu.memory_space<vmem>>, vector<1x16xf32>,
      %get3A_220 = vector.shape_cast %get3A_219 : vector<1x16xf32> to vector<16xf32>
      %mul3A_221 = arith.constant 8.000000e+00 : f32
      %mul3A_222 = vector.broadcast %mul3A_221 : f32 to vector<16xf32>
      %mul3A_223 = arith.mulf %get3A_220, %mul3A_222 : vector<16xf32>
      %swap3A_224 = arith.index_cast %add3A_204 : i32 to index
      %swap3A_225 = arith.constant 16 : index
      %swap3A_226 = tpu.vector_load %arg9[%swap3A_224, %swap3A_225] {strides = array<i32>} : memref<256x64xf32, #tpu.memory_space<vmem>>, vector<1x16xf32>,
      %swap3A_227 = vector.shape_cast %swap3A_226 : vector<1x16xf32> to vector<16xf32>
      %swap3A_228 = vector.shape_cast %mul3A_223 : vector<16xf32> to vector<1x16xf32>
      tpu.vector_store %arg9[%swap3A_224, %swap3A_225], %swap3A_228 {strides = array<i32>} : memref<256x64xf32, #tpu.memory_space<vmem>>, vector<1x16xf32>,
      %get3A_229 = arith.index_cast %add3A_204 : i32 to index
      %get3A_230 = arith.constant 32 : index
      %get3A_231 = tpu.vector_load %arg9[%get3A_229, %get3A_230] {strides = array<i32>} : memref<256x64xf32, #tpu.memory_space<vmem>>, vector<1x16xf32>,
      %get3A_232 = vector.shape_cast %get3A_231 : vector<1x16xf32> to vector<16xf32>
      %mul3A_233 = arith.constant 8.000000e+00 : f32
      %mul3A_234 = vector.broadcast %mul3A_233 : f32 to vector<16xf32>
      %mul3A_235 = arith.mulf %get3A_232, %mul3A_234 : vector<16xf32>
      %swap3A_236 = arith.index_cast %add3A_204 : i32 to index
      %swap3A_237 = arith.constant 32 : index
      %swap3A_238 = tpu.vector_load %arg9[%swap3A_236, %swap3A_237] {strides = array<i32>} : memref<256x64xf32, #tpu.memory_space<vmem>>, vector<1x16xf32>,
      %swap3A_239 = vector.shape_cast %swap3A_238 : vector<1x16xf32> to vector<16xf32>
      %swap3A_240 = vector.shape_cast %mul3A_235 : vector<16xf32> to vector<1x16xf32>
      tpu.vector_store %arg9[%swap3A_236, %swap3A_237], %swap3A_240 {strides = array<i32>} : memref<256x64xf32, #tpu.memory_space<vmem>>, vector<1x16xf32>,
      %get3A_241 = arith.index_cast %add3A_204 : i32 to index
      %get3A_242 = arith.constant 48 : index
      %get3A_243 = tpu.vector_load %arg9[%get3A_241, %get3A_242] {strides = array<i32>} : memref<256x64xf32, #tpu.memory_space<vmem>>, vector<1x16xf32>,
      %get3A_244 = vector.shape_cast %get3A_243 : vector<1x16xf32> to vector<16xf32>
      %mul3A_245 = arith.constant 8.000000e+00 : f32
      %mul3A_246 = vector.broadcast %mul3A_245 : f32 to vector<16xf32>
      %mul3A_247 = arith.mulf %get3A_244, %mul3A_246 : vector<16xf32>
      %swap3A_248 = arith.index_cast %add3A_204 : i32 to index
      %swap3A_249 = arith.constant 48 : index
      %swap3A_250 = tpu.vector_load %arg9[%swap3A_248, %swap3A_249] {strides = array<i32>} : memref<256x64xf32, #tpu.memory_space<vmem>>, vector<1x16xf32>,
      %swap3A_251 = vector.shape_cast %swap3A_250 : vector<1x16xf32> to vector<16xf32>
      %swap3A_252 = vector.shape_cast %mul3A_247 : vector<16xf32> to vector<1x16xf32>
      tpu.vector_store %arg9[%swap3A_248, %swap3A_249], %swap3A_252 {strides = array<i32>} : memref<256x64xf32, #tpu.memory_space<vmem>>, vector<1x16xf32>,
      %mul3A_253 = arith.constant 4 : i32
      %mul3A_254 = arith.muli %scan3A_150, %mul3A_253 : i32
      %add3A_255 = arith.constant 2 : i32
      %add3A_256 = arith.addi %mul3A_254, %add3A_255 : i32
      %get3A_257 = arith.index_cast %add3A_256 : i32 to index
      %get3A_258 = arith.constant 0 : index
      %get3A_259 = tpu.vector_load %arg9[%get3A_257, %get3A_258] {strides = array<i32>} : memref<256x64xf32, #tpu.memory_space<vmem>>, vector<1x16xf32>,
      %get3A_260 = vector.shape_cast %get3A_259 : vector<1x16xf32> to vector<16xf32>
      %mul3A_261 = arith.constant 8.000000e+00 : f32
      %mul3A_262 = vector.broadcast %mul3A_261 : f32 to vector<16xf32>
      %mul3A_263 = arith.mulf %get3A_260, %mul3A_262 : vector<16xf32>
      %swap3A_264 = arith.index_cast %add3A_256 : i32 to index
      %swap3A_265 = arith.constant 0 : index
      %swap3A_266 = tpu.vector_load %arg9[%swap3A_264, %swap3A_265] {strides = array<i32>} : memref<256x64xf32, #tpu.memory_space<vmem>>, vector<1x16xf32>,
      %swap3A_267 = vector.shape_cast %swap3A_266 : vector<1x16xf32> to vector<16xf32>
      %swap3A_268 = vector.shape_cast %mul3A_263 : vector<16xf32> to vector<1x16xf32>
      tpu.vector_store %arg9[%swap3A_264, %swap3A_265], %swap3A_268 {strides = array<i32>} : memref<256x64xf32, #tpu.memory_space<vmem>>, vector<1x16xf32>,
      %get3A_269 = arith.index_cast %add3A_256 : i32 to index
      %get3A_270 = arith.constant 16 : index
      %get3A_271 = tpu.vector_load %arg9[%get3A_269, %get3A_270] {strides = array<i32>} : memref<256x64xf32, #tpu.memory_space<vmem>>, vector<1x16xf32>,
      %get3A_272 = vector.shape_cast %get3A_271 : vector<1x16xf32> to vector<16xf32>
      %mul3A_273 = arith.constant 8.000000e+00 : f32
      %mul3A_274 = vector.broadcast %mul3A_273 : f32 to vector<16xf32>
      %mul3A_275 = arith.mulf %get3A_272, %mul3A_274 : vector<16xf32>
      %swap3A_276 = arith.index_cast %add3A_256 : i32 to index
      %swap3A_277 = arith.constant 16 : index
      %swap3A_278 = tpu.vector_load %arg9[%swap3A_276, %swap3A_277] {strides = array<i32>} : memref<256x64xf32, #tpu.memory_space<vmem>>, vector<1x16xf32>,
      %swap3A_279 = vector.shape_cast %swap3A_278 : vector<1x16xf32> to vector<16xf32>
      %swap3A_280 = vector.shape_cast %mul3A_275 : vector<16xf32> to vector<1x16xf32>
      tpu.vector_store %arg9[%swap3A_276, %swap3A_277], %swap3A_280 {strides = array<i32>} : memref<256x64xf32, #tpu.memory_space<vmem>>, vector<1x16xf32>,
      %get3A_281 = arith.index_cast %add3A_256 : i32 to index
      %get3A_282 = arith.constant 32 : index
      %get3A_283 = tpu.vector_load %arg9[%get3A_281, %get3A_282] {strides = array<i32>} : memref<256x64xf32, #tpu.memory_space<vmem>>, vector<1x16xf32>,
      %get3A_284 = vector.shape_cast %get3A_283 : vector<1x16xf32> to vector<16xf32>
      %mul3A_285 = arith.constant 8.000000e+00 : f32
      %mul3A_286 = vector.broadcast %mul3A_285 : f32 to vector<16xf32>
      %mul3A_287 = arith.mulf %get3A_284, %mul3A_286 : vector<16xf32>
      %swap3A_288 = arith.index_cast %add3A_256 : i32 to index
      %swap3A_289 = arith.constant 32 : index
      %swap3A_290 = tpu.vector_load %arg9[%swap3A_288, %swap3A_289] {strides = array<i32>} : memref<256x64xf32, #tpu.memory_space<vmem>>, vector<1x16xf32>,
      %swap3A_291 = vector.shape_cast %swap3A_290 : vector<1x16xf32> to vector<16xf32>
      %swap3A_292 = vector.shape_cast %mul3A_287 : vector<16xf32> to vector<1x16xf32>
      tpu.vector_store %arg9[%swap3A_288, %swap3A_289], %swap3A_292 {strides = array<i32>} : memref<256x64xf32, #tpu.memory_space<vmem>>, vector<1x16xf32>,
      %get3A_293 = arith.index_cast %add3A_256 : i32 to index
      %get3A_294 = arith.constant 48 : index
      %get3A_295 = tpu.vector_load %arg9[%get3A_293, %get3A_294] {strides = array<i32>} : memref<256x64xf32, #tpu.memory_space<vmem>>, vector<1x16xf32>,
      %get3A_296 = vector.shape_cast %get3A_295 : vector<1x16xf32> to vector<16xf32>
      %mul3A_297 = arith.constant 8.000000e+00 : f32
      %mul3A_298 = vector.broadcast %mul3A_297 : f32 to vector<16xf32>
      %mul3A_299 = arith.mulf %get3A_296, %mul3A_298 : vector<16xf32>
      %swap3A_300 = arith.index_cast %add3A_256 : i32 to index
      %swap3A_301 = arith.constant 48 : index
      %swap3A_302 = tpu.vector_load %arg9[%swap3A_300, %swap3A_301] {strides = array<i32>} : memref<256x64xf32, #tpu.memory_space<vmem>>, vector<1x16xf32>,
      %swap3A_303 = vector.shape_cast %swap3A_302 : vector<1x16xf32> to vector<16xf32>
      %swap3A_304 = vector.shape_cast %mul3A_299 : vector<16xf32> to vector<1x16xf32>
      tpu.vector_store %arg9[%swap3A_300, %swap3A_301], %swap3A_304 {strides = array<i32>} : memref<256x64xf32, #tpu.memory_space<vmem>>, vector<1x16xf32>,
      %mul3A_305 = arith.constant 4 : i32
      %mul3A_306 = arith.muli %scan3A_150, %mul3A_305 : i32
      %add3A_307 = arith.constant 3 : i32
      %add3A_308 = arith.addi %mul3A_306, %add3A_307 : i32
      %get3A_309 = arith.index_cast %add3A_308 : i32 to index
      %get3A_310 = arith.constant 0 : index
      %get3A_311 = tpu.vector_load %arg9[%get3A_309, %get3A_310] {strides = array<i32>} : memref<256x64xf32, #tpu.memory_space<vmem>>, vector<1x16xf32>,
      %get3A_312 = vector.shape_cast %get3A_311 : vector<1x16xf32> to vector<16xf32>
      %mul3A_313 = arith.constant 8.000000e+00 : f32
      %mul3A_314 = vector.broadcast %mul3A_313 : f32 to vector<16xf32>
      %mul3A_315 = arith.mulf %get3A_312, %mul3A_314 : vector<16xf32>
      %swap3A_316 = arith.index_cast %add3A_308 : i32 to index
      %swap3A_317 = arith.constant 0 : index
      %swap3A_318 = tpu.vector_load %arg9[%swap3A_316, %swap3A_317] {strides = array<i32>} : memref<256x64xf32, #tpu.memory_space<vmem>>, vector<1x16xf32>,
      %swap3A_319 = vector.shape_cast %swap3A_318 : vector<1x16xf32> to vector<16xf32>
      %swap3A_320 = vector.shape_cast %mul3A_315 : vector<16xf32> to vector<1x16xf32>
      tpu.vector_store %arg9[%swap3A_316, %swap3A_317], %swap3A_320 {strides = array<i32>} : memref<256x64xf32, #tpu.memory_space<vmem>>, vector<1x16xf32>,
      %get3A_321 = arith.index_cast %add3A_308 : i32 to index
      %get3A_322 = arith.constant 16 : index
      %get3A_323 = tpu.vector_load %arg9[%get3A_321, %get3A_322] {strides = array<i32>} : memref<256x64xf32, #tpu.memory_space<vmem>>, vector<1x16xf32>,
      %get3A_324 = vector.shape_cast %get3A_323 : vector<1x16xf32> to vector<16xf32>
      %mul3A_325 = arith.constant 8.000000e+00 : f32
      %mul3A_326 = vector.broadcast %mul3A_325 : f32 to vector<16xf32>
      %mul3A_327 = arith.mulf %get3A_324, %mul3A_326 : vector<16xf32>
      %swap3A_328 = arith.index_cast %add3A_308 : i32 to index
      %swap3A_329 = arith.constant 16 : index
      %swap3A_330 = tpu.vector_load %arg9[%swap3A_328, %swap3A_329] {strides = array<i32>} : memref<256x64xf32, #tpu.memory_space<vmem>>, vector<1x16xf32>,
      %swap3A_331 = vector.shape_cast %swap3A_330 : vector<1x16xf32> to vector<16xf32>
      %swap3A_332 = vector.shape_cast %mul3A_327 : vector<16xf32> to vector<1x16xf32>
      tpu.vector_store %arg9[%swap3A_328, %swap3A_329], %swap3A_332 {strides = array<i32>} : memref<256x64xf32, #tpu.memory_space<vmem>>, vector<1x16xf32>,
      %get3A_333 = arith.index_cast %add3A_308 : i32 to index
      %get3A_334 = arith.constant 32 : index
      %get3A_335 = tpu.vector_load %arg9[%get3A_333, %get3A_334] {strides = array<i32>} : memref<256x64xf32, #tpu.memory_space<vmem>>, vector<1x16xf32>,
      %get3A_336 = vector.shape_cast %get3A_335 : vector<1x16xf32> to vector<16xf32>
      %mul3A_337 = arith.constant 8.000000e+00 : f32
      %mul3A_338 = vector.broadcast %mul3A_337 : f32 to vector<16xf32>
      %mul3A_339 = arith.mulf %get3A_336, %mul3A_338 : vector<16xf32>
      %swap3A_340 = arith.index_cast %add3A_308 : i32 to index
      %swap3A_341 = arith.constant 32 : index
      %swap3A_342 = tpu.vector_load %arg9[%swap3A_340, %swap3A_341] {strides = array<i32>} : memref<256x64xf32, #tpu.memory_space<vmem>>, vector<1x16xf32>,
      %swap3A_343 = vector.shape_cast %swap3A_342 : vector<1x16xf32> to vector<16xf32>
      %swap3A_344 = vector.shape_cast %mul3A_339 : vector<16xf32> to vector<1x16xf32>
      tpu.vector_store %arg9[%swap3A_340, %swap3A_341], %swap3A_344 {strides = array<i32>} : memref<256x64xf32, #tpu.memory_space<vmem>>, vector<1x16xf32>,
      %get3A_345 = arith.index_cast %add3A_308 : i32 to index
      %get3A_346 = arith.constant 48 : index
      %get3A_347 = tpu.vector_load %arg9[%get3A_345, %get3A_346] {strides = array<i32>} : memref<256x64xf32, #tpu.memory_space<vmem>>, vector<1x16xf32>,
      %get3A_348 = vector.shape_cast %get3A_347 : vector<1x16xf32> to vector<16xf32>
      %mul3A_349 = arith.constant 8.000000e+00 : f32
      %mul3A_350 = vector.broadcast %mul3A_349 : f32 to vector<16xf32>
      %mul3A_351 = arith.mulf %get3A_348, %mul3A_350 : vector<16xf32>
      %swap3A_352 = arith.index_cast %add3A_308 : i32 to index
      %swap3A_353 = arith.constant 48 : index
      %swap3A_354 = tpu.vector_load %arg9[%swap3A_352, %swap3A_353] {strides = array<i32>} : memref<256x64xf32, #tpu.memory_space<vmem>>, vector<1x16xf32>,
      %swap3A_355 = vector.shape_cast %swap3A_354 : vector<1x16xf32> to vector<16xf32>
      %swap3A_356 = vector.shape_cast %mul3A_351 : vector<16xf32> to vector<1x16xf32>
      tpu.vector_store %arg9[%swap3A_352, %swap3A_353], %swap3A_356 {strides = array<i32>} : memref<256x64xf32, #tpu.memory_space<vmem>>, vector<1x16xf32>,
    }
    %scan3A_25 = arith.constant 64 : i32
    %dma_start3A_26 = arith.constant 0 : i32
    %dma_start3A_27 = tpu.memref_slice %arg8[%dma_start3A_26] : memref<25600xi32, #tpu.memory_space<vmem>> -> memref<256xi32, #tpu.memory_space<vmem>>
    %dma_start3A_28 = arith.constant 0 : i32
    %dma_start3A_29 = arith.constant 0 : i32
    %dma_start3A_30 = tpu.memref_slice %arg3[%dma_start3A_28, %dma_start3A_29] : memref<6400x64xf32, #tpu.memory_space<hbm>> -> memref<6400x64xf32, #tpu.memory_space<hbm>>
    tpu.enqueue_indirect_dma source(%dma_start3A_30 : memref<6400x64xf32, #tpu.memory_space<hbm>>) target(%arg9 : memref<256x64xf32, #tpu.memory_space<vmem>>) offsets(%dma_start3A_27 : memref<256xi32, #tpu.memory_space<vmem>>) semaphore(%arg14 : memref<!tpu.dma_semaphore, #tpu.memory_space<semaphore_mem>>) {add = true}
    %dma_wait3A_31 = arith.constant 0 : i32
    %dma_wait3A_32 = tpu.memref_slice %arg8[%dma_wait3A_31] : memref<25600xi32, #tpu.memory_space<vmem>> -> memref<256xi32, #tpu.memory_space<vmem>>
    %dma_wait3A_33 = arith.constant 0 : i32
    %dma_wait3A_34 = arith.constant 0 : i32
    %dma_wait3A_35 = tpu.memref_slice %arg3[%dma_wait3A_33, %dma_wait3A_34] : memref<6400x64xf32, #tpu.memory_space<hbm>> -> memref<6400x64xf32, #tpu.memory_space<hbm>>
    tpu.wait_indirect_dma semaphore(%arg14 : memref<!tpu.dma_semaphore, #tpu.memory_space<semaphore_mem>>) src(%dma_wait3A_35 : memref<6400x64xf32, #tpu.memory_space<hbm>>) dst(%arg9 : memref<256x64xf32, #tpu.memory_space<vmem>>)
    %add3A_36 = arith.constant 0 : i32
    %add3A_37 = arith.addi %mul3A_2, %add3A_36 : i32
    %dma_start3A_38 = arith.constant 0 : i32
    %dma_start3A_39 = tpu.memref_slice %arg6[%add3A_37, %dma_start3A_38] : memref<819200x128xf32, #tpu.memory_space<hbm>> -> memref<256x64xf32, #tpu.memory_space<hbm>>
    %dma_start3A_40 = arith.constant 0 : i32
    %dma_start3A_41 = tpu.memref_slice %arg6[%add3A_37, %dma_start3A_40] : memref<819200x128xf32, #tpu.memory_space<hbm>> -> memref<256x64xf32, #tpu.memory_space<hbm>>
    tpu.enqueue_dma source(%arg9 : memref<256x64xf32, #tpu.memory_space<vmem>>) target(%dma_start3A_41 : memref<256x64xf32, #tpu.memory_space<hbm>>) target_semaphore(%arg15 : memref<!tpu.dma_semaphore, #tpu.memory_space<semaphore_mem>>)
    %dma_start3A_42 = arith.constant 768 : i32
    %dma_start3A_43 = tpu.memref_slice %arg7[%dma_start3A_42] : memref<25600xi32, #tpu.memory_space<vmem>> -> memref<256xi32, #tpu.memory_space<vmem>>
    %dma_start3A_44 = arith.constant 0 : i32
    %dma_start3A_45 = arith.constant 0 : i32
    %dma_start3A_46 = tpu.memref_slice %arg2[%dma_start3A_44, %dma_start3A_45] : memref<1000000x64xf32, #tpu.memory_space<hbm>> -> memref<1000000x64xf32, #tpu.memory_space<hbm>>
    tpu.enqueue_indirect_dma source(%dma_start3A_46 : memref<1000000x64xf32, #tpu.memory_space<hbm>>) target(%arg12 : memref<256x64xf32, #tpu.memory_space<vmem>>) offsets(%dma_start3A_43 : memref<256xi32, #tpu.memory_space<vmem>>) semaphore(%arg22 : memref<!tpu.dma_semaphore, #tpu.memory_space<semaphore_mem>>)
    %dma_wait3A_47 = arith.constant 0 : i32
    %dma_wait3A_48 = tpu.memref_slice %arg7[%dma_wait3A_47] : memref<25600xi32, #tpu.memory_space<vmem>> -> memref<256xi32, #tpu.memory_space<vmem>>
    %dma_wait3A_49 = arith.constant 0 : i32
    %dma_wait3A_50 = arith.constant 0 : i32
    %dma_wait3A_51 = tpu.memref_slice %arg2[%dma_wait3A_49, %dma_wait3A_50] : memref<1000000x64xf32, #tpu.memory_space<hbm>> -> memref<1000000x64xf32, #tpu.memory_space<hbm>>
    tpu.wait_indirect_dma semaphore(%arg16 : memref<!tpu.dma_semaphore, #tpu.memory_space<semaphore_mem>>) src(%dma_wait3A_51 : memref<1000000x64xf32, #tpu.memory_space<hbm>>) dst(%arg10 : memref<256x64xf32, #tpu.memory_space<vmem>>)
    %scan3A_52 = arith.constant 0 : i32
    %scan3A_53 = arith.constant 0 : i32
    %scan3A_54 = arith.constant 64 : i32
    %scan3A_55 = arith.addi %scan3A_53, %scan3A_54 : i32
    %scan3A_56 = arith.constant 1 : i32
    scf.for %scan3A_150 = %scan3A_53 to %scan3A_55 step %scan3A_56  : i32 {
      %mul3A_151 = arith.constant 4 : i32
      %mul3A_152 = arith.muli %scan3A_150, %mul3A_151 : i32
      %add3A_153 = arith.constant 0 : i32
      %add3A_154 = arith.addi %mul3A_152, %add3A_153 : i32
      %get3A = arith.index_cast %add3A_154 : i32 to index
      %get3A_155 = arith.constant 0 : index
      %get3A_156 = tpu.vector_load %arg10[%get3A, %get3A_155] {strides = array<i32>} : memref<256x64xf32, #tpu.memory_space<vmem>>, vector<1x16xf32>,
      %get3A_157 = vector.shape_cast %get3A_156 : vector<1x16xf32> to vector<16xf32>
      %mul3A_158 = arith.constant 8.000000e+00 : f32
      %mul3A_159 = vector.broadcast %mul3A_158 : f32 to vector<16xf32>
      %mul3A_160 = arith.mulf %get3A_157, %mul3A_159 : vector<16xf32>
      %swap3A = arith.index_cast %add3A_154 : i32 to index
      %swap3A_161 = arith.constant 0 : index
      %swap3A_162 = tpu.vector_load %arg10[%swap3A, %swap3A_161] {strides = array<i32>} : memref<256x64xf32, #tpu.memory_space<vmem>>, vector<1x16xf32>,
      %swap3A_163 = vector.shape_cast %swap3A_162 : vector<1x16xf32> to vector<16xf32>
      %swap3A_164 = vector.shape_cast %mul3A_160 : vector<16xf32> to vector<1x16xf32>
      tpu.vector_store %arg10[%swap3A, %swap3A_161], %swap3A_164 {strides = array<i32>} : memref<256x64xf32, #tpu.memory_space<vmem>>, vector<1x16xf32>,
      %get3A_165 = arith.index_cast %add3A_154 : i32 to index
      %get3A_166 = arith.constant 16 : index
      %get3A_167 = tpu.vector_load %arg10[%get3A_165, %get3A_166] {strides = array<i32>} : memref<256x64xf32, #tpu.memory_space<vmem>>, vector<1x16xf32>,
      %get3A_168 = vector.shape_cast %get3A_167 : vector<1x16xf32> to vector<16xf32>
      %mul3A_169 = arith.constant 8.000000e+00 : f32
      %mul3A_170 = vector.broadcast %mul3A_169 : f32 to vector<16xf32>
      %mul3A_171 = arith.mulf %get3A_168, %mul3A_170 : vector<16xf32>
      %swap3A_172 = arith.index_cast %add3A_154 : i32 to index
      %swap3A_173 = arith.constant 16 : index
      %swap3A_174 = tpu.vector_load %arg10[%swap3A_172, %swap3A_173] {strides = array<i32>} : memref<256x64xf32, #tpu.memory_space<vmem>>, vector<1x16xf32>,
      %swap3A_175 = vector.shape_cast %swap3A_174 : vector<1x16xf32> to vector<16xf32>
      %swap3A_176 = vector.shape_cast %mul3A_171 : vector<16xf32> to vector<1x16xf32>
      tpu.vector_store %arg10[%swap3A_172, %swap3A_173], %swap3A_176 {strides = array<i32>} : memref<256x64xf32, #tpu.memory_space<vmem>>, vector<1x16xf32>,
      %get3A_177 = arith.index_cast %add3A_154 : i32 to index
      %get3A_178 = arith.constant 32 : index
      %get3A_179 = tpu.vector_load %arg10[%get3A_177, %get3A_178] {strides = array<i32>} : memref<256x64xf32, #tpu.memory_space<vmem>>, vector<1x16xf32>,
      %get3A_180 = vector.shape_cast %get3A_179 : vector<1x16xf32> to vector<16xf32>
      %mul3A_181 = arith.constant 8.000000e+00 : f32
      %mul3A_182 = vector.broadcast %mul3A_181 : f32 to vector<16xf32>
      %mul3A_183 = arith.mulf %get3A_180, %mul3A_182 : vector<16xf32>
      %swap3A_184 = arith.index_cast %add3A_154 : i32 to index
      %swap3A_185 = arith.constant 32 : index
      %swap3A_186 = tpu.vector_load %arg10[%swap3A_184, %swap3A_185] {strides = array<i32>} : memref<256x64xf32, #tpu.memory_space<vmem>>, vector<1x16xf32>,
      %swap3A_187 = vector.shape_cast %swap3A_186 : vector<1x16xf32> to vector<16xf32>
      %swap3A_188 = vector.shape_cast %mul3A_183 : vector<16xf32> to vector<1x16xf32>
      tpu.vector_store %arg10[%swap3A_184, %swap3A_185], %swap3A_188 {strides = array<i32>} : memref<256x64xf32, #tpu.memory_space<vmem>>, vector<1x16xf32>,
      %get3A_189 = arith.index_cast %add3A_154 : i32 to index
      %get3A_190 = arith.constant 48 : index
      %get3A_191 = tpu.vector_load %arg10[%get3A_189, %get3A_190] {strides = array<i32>} : memref<256x64xf32, #tpu.memory_space<vmem>>, vector<1x16xf32>,
      %get3A_192 = vector.shape_cast %get3A_191 : vector<1x16xf32> to vector<16xf32>
      %mul3A_193 = arith.constant 8.000000e+00 : f32
      %mul3A_194 = vector.broadcast %mul3A_193 : f32 to vector<16xf32>
      %mul3A_195 = arith.mulf %get3A_192, %mul3A_194 : vector<16xf32>
      %swap3A_196 = arith.index_cast %add3A_154 : i32 to index
      %swap3A_197 = arith.constant 48 : index
      %swap3A_198 = tpu.vector_load %arg10[%swap3A_196, %swap3A_197] {strides = array<i32>} : memref<256x64xf32, #tpu.memory_space<vmem>>, vector<1x16xf32>,
      %swap3A_199 = vector.shape_cast %swap3A_198 : vector<1x16xf32> to vector<16xf32>
      %swap3A_200 = vector.shape_cast %mul3A_195 : vector<16xf32> to vector<1x16xf32>
      tpu.vector_store %arg10[%swap3A_196, %swap3A_197], %swap3A_200 {strides = array<i32>} : memref<256x64xf32, #tpu.memory_space<vmem>>, vector<1x16xf32>,
      %mul3A_201 = arith.constant 4 : i32
      %mul3A_202 = arith.muli %scan3A_150, %mul3A_201 : i32
      %add3A_203 = arith.constant 1 : i32
      %add3A_204 = arith.addi %mul3A_202, %add3A_203 : i32
      %get3A_205 = arith.index_cast %add3A_204 : i32 to index
      %get3A_206 = arith.constant 0 : index
      %get3A_207 = tpu.vector_load %arg10[%get3A_205, %get3A_206] {strides = array<i32>} : memref<256x64xf32, #tpu.memory_space<vmem>>, vector<1x16xf32>,
      %get3A_208 = vector.shape_cast %get3A_207 : vector<1x16xf32> to vector<16xf32>
      %mul3A_209 = arith.constant 8.000000e+00 : f32
      %mul3A_210 = vector.broadcast %mul3A_209 : f32 to vector<16xf32>
      %mul3A_211 = arith.mulf %get3A_208, %mul3A_210 : vector<16xf32>
      %swap3A_212 = arith.index_cast %add3A_204 : i32 to index
      %swap3A_213 = arith.constant 0 : index
      %swap3A_214 = tpu.vector_load %arg10[%swap3A_212, %swap3A_213] {strides = array<i32>} : memref<256x64xf32, #tpu.memory_space<vmem>>, vector<1x16xf32>,
      %swap3A_215 = vector.shape_cast %swap3A_214 : vector<1x16xf32> to vector<16xf32>
      %swap3A_216 = vector.shape_cast %mul3A_211 : vector<16xf32> to vector<1x16xf32>
      tpu.vector_store %arg10[%swap3A_212, %swap3A_213], %swap3A_216 {strides = array<i32>} : memref<256x64xf32, #tpu.memory_space<vmem>>, vector<1x16xf32>,
      %get3A_217 = arith.index_cast %add3A_204 : i32 to index
      %get3A_218 = arith.constant 16 : index
      %get3A_219 = tpu.vector_load %arg10[%get3A_217, %get3A_218] {strides = array<i32>} : memref<256x64xf32, #tpu.memory_space<vmem>>, vector<1x16xf32>,
      %get3A_220 = vector.shape_cast %get3A_219 : vector<1x16xf32> to vector<16xf32>
      %mul3A_221 = arith.constant 8.000000e+00 : f32
      %mul3A_222 = vector.broadcast %mul3A_221 : f32 to vector<16xf32>
      %mul3A_223 = arith.mulf %get3A_220, %mul3A_222 : vector<16xf32>
      %swap3A_224 = arith.index_cast %add3A_204 : i32 to index
      %swap3A_225 = arith.constant 16 : index
      %swap3A_226 = tpu.vector_load %arg10[%swap3A_224, %swap3A_225] {strides = array<i32>} : memref<256x64xf32, #tpu.memory_space<vmem>>, vector<1x16xf32>,
      %swap3A_227 = vector.shape_cast %swap3A_226 : vector<1x16xf32> to vector<16xf32>
      %swap3A_228 = vector.shape_cast %mul3A_223 : vector<16xf32> to vector<1x16xf32>
      tpu.vector_store %arg10[%swap3A_224, %swap3A_225], %swap3A_228 {strides = array<i32>} : memref<256x64xf32, #tpu.memory_space<vmem>>, vector<1x16xf32>,
      %get3A_229 = arith.index_cast %add3A_204 : i32 to index
      %get3A_230 = arith.constant 32 : index
      %get3A_231 = tpu.vector_load %arg10[%get3A_229, %get3A_230] {strides = array<i32>} : memref<256x64xf32, #tpu.memory_space<vmem>>, vector<1x16xf32>,
      %get3A_232 = vector.shape_cast %get3A_231 : vector<1x16xf32> to vector<16xf32>
      %mul3A_233 = arith.constant 8.000000e+00 : f32
      %mul3A_234 = vector.broadcast %mul3A_233 : f32 to vector<16xf32>
      %mul3A_235 = arith.mulf %get3A_232, %mul3A_234 : vector<16xf32>
      %swap3A_236 = arith.index_cast %add3A_204 : i32 to index
      %swap3A_237 = arith.constant 32 : index
      %swap3A_238 = tpu.vector_load %arg10[%swap3A_236, %swap3A_237] {strides = array<i32>} : memref<256x64xf32, #tpu.memory_space<vmem>>, vector<1x16xf32>,
      %swap3A_239 = vector.shape_cast %swap3A_238 : vector<1x16xf32> to vector<16xf32>
      %swap3A_240 = vector.shape_cast %mul3A_235 : vector<16xf32> to vector<1x16xf32>
      tpu.vector_store %arg10[%swap3A_236, %swap3A_237], %swap3A_240 {strides = array<i32>} : memref<256x64xf32, #tpu.memory_space<vmem>>, vector<1x16xf32>,
      %get3A_241 = arith.index_cast %add3A_204 : i32 to index
      %get3A_242 = arith.constant 48 : index
      %get3A_243 = tpu.vector_load %arg10[%get3A_241, %get3A_242] {strides = array<i32>} : memref<256x64xf32, #tpu.memory_space<vmem>>, vector<1x16xf32>,
      %get3A_244 = vector.shape_cast %get3A_243 : vector<1x16xf32> to vector<16xf32>
      %mul3A_245 = arith.constant 8.000000e+00 : f32
      %mul3A_246 = vector.broadcast %mul3A_245 : f32 to vector<16xf32>
      %mul3A_247 = arith.mulf %get3A_244, %mul3A_246 : vector<16xf32>
      %swap3A_248 = arith.index_cast %add3A_204 : i32 to index
      %swap3A_249 = arith.constant 48 : index
      %swap3A_250 = tpu.vector_load %arg10[%swap3A_248, %swap3A_249] {strides = array<i32>} : memref<256x64xf32, #tpu.memory_space<vmem>>, vector<1x16xf32>,
      %swap3A_251 = vector.shape_cast %swap3A_250 : vector<1x16xf32> to vector<16xf32>
      %swap3A_252 = vector.shape_cast %mul3A_247 : vector<16xf32> to vector<1x16xf32>
      tpu.vector_store %arg10[%swap3A_248, %swap3A_249], %swap3A_252 {strides = array<i32>} : memref<256x64xf32, #tpu.memory_space<vmem>>, vector<1x16xf32>,
      %mul3A_253 = arith.constant 4 : i32
      %mul3A_254 = arith.muli %scan3A_150, %mul3A_253 : i32
      %add3A_255 = arith.constant 2 : i32
      %add3A_256 = arith.addi %mul3A_254, %add3A_255 : i32
      %get3A_257 = arith.index_cast %add3A_256 : i32 to index
      %get3A_258 = arith.constant 0 : index
      %get3A_259 = tpu.vector_load %arg10[%get3A_257, %get3A_258] {strides = array<i32>} : memref<256x64xf32, #tpu.memory_space<vmem>>, vector<1x16xf32>,
      %get3A_260 = vector.shape_cast %get3A_259 : vector<1x16xf32> to vector<16xf32>
      %mul3A_261 = arith.constant 8.000000e+00 : f32
      %mul3A_262 = vector.broadcast %mul3A_261 : f32 to vector<16xf32>
      %mul3A_263 = arith.mulf %get3A_260, %mul3A_262 : vector<16xf32>
      %swap3A_264 = arith.index_cast %add3A_256 : i32 to index
      %swap3A_265 = arith.constant 0 : index
      %swap3A_266 = tpu.vector_load %arg10[%swap3A_264, %swap3A_265] {strides = array<i32>} : memref<256x64xf32, #tpu.memory_space<vmem>>, vector<1x16xf32>,
      %swap3A_267 = vector.shape_cast %swap3A_266 : vector<1x16xf32> to vector<16xf32>
      %swap3A_268 = vector.shape_cast %mul3A_263 : vector<16xf32> to vector<1x16xf32>
      tpu.vector_store %arg10[%swap3A_264, %swap3A_265], %swap3A_268 {strides = array<i32>} : memref<256x64xf32, #tpu.memory_space<vmem>>, vector<1x16xf32>,
      %get3A_269 = arith.index_cast %add3A_256 : i32 to index
      %get3A_270 = arith.constant 16 : index
      %get3A_271 = tpu.vector_load %arg10[%get3A_269, %get3A_270] {strides = array<i32>} : memref<256x64xf32, #tpu.memory_space<vmem>>, vector<1x16xf32>,
      %get3A_272 = vector.shape_cast %get3A_271 : vector<1x16xf32> to vector<16xf32>
      %mul3A_273 = arith.constant 8.000000e+00 : f32
      %mul3A_274 = vector.broadcast %mul3A_273 : f32 to vector<16xf32>
      %mul3A_275 = arith.mulf %get3A_272, %mul3A_274 : vector<16xf32>
      %swap3A_276 = arith.index_cast %add3A_256 : i32 to index
      %swap3A_277 = arith.constant 16 : index
      %swap3A_278 = tpu.vector_load %arg10[%swap3A_276, %swap3A_277] {strides = array<i32>} : memref<256x64xf32, #tpu.memory_space<vmem>>, vector<1x16xf32>,
      %swap3A_279 = vector.shape_cast %swap3A_278 : vector<1x16xf32> to vector<16xf32>
      %swap3A_280 = vector.shape_cast %mul3A_275 : vector<16xf32> to vector<1x16xf32>
      tpu.vector_store %arg10[%swap3A_276, %swap3A_277], %swap3A_280 {strides = array<i32>} : memref<256x64xf32, #tpu.memory_space<vmem>>, vector<1x16xf32>,
      %get3A_281 = arith.index_cast %add3A_256 : i32 to index
      %get3A_282 = arith.constant 32 : index
      %get3A_283 = tpu.vector_load %arg10[%get3A_281, %get3A_282] {strides = array<i32>} : memref<256x64xf32, #tpu.memory_space<vmem>>, vector<1x16xf32>,
      %get3A_284 = vector.shape_cast %get3A_283 : vector<1x16xf32> to vector<16xf32>
      %mul3A_285 = arith.constant 8.000000e+00 : f32
      %mul3A_286 = vector.broadcast %mul3A_285 : f32 to vector<16xf32>
      %mul3A_287 = arith.mulf %get3A_284, %mul3A_286 : vector<16xf32>
      %swap3A_288 = arith.index_cast %add3A_256 : i32 to index
      %swap3A_289 = arith.constant 32 : index
      %swap3A_290 = tpu.vector_load %arg10[%swap3A_288, %swap3A_289] {strides = array<i32>} : memref<256x64xf32, #tpu.memory_space<vmem>>, vector<1x16xf32>,
      %swap3A_291 = vector.shape_cast %swap3A_290 : vector<1x16xf32> to vector<16xf32>
      %swap3A_292 = vector.shape_cast %mul3A_287 : vector<16xf32> to vector<1x16xf32>
      tpu.vector_store %arg10[%swap3A_288, %swap3A_289], %swap3A_292 {strides = array<i32>} : memref<256x64xf32, #tpu.memory_space<vmem>>, vector<1x16xf32>,
      %get3A_293 = arith.index_cast %add3A_256 : i32 to index
      %get3A_294 = arith.constant 48 : index
      %get3A_295 = tpu.vector_load %arg10[%get3A_293, %get3A_294] {strides = array<i32>} : memref<256x64xf32, #tpu.memory_space<vmem>>, vector<1x16xf32>,
      %get3A_296 = vector.shape_cast %get3A_295 : vector<1x16xf32> to vector<16xf32>
      %mul3A_297 = arith.constant 8.000000e+00 : f32
      %mul3A_298 = vector.broadcast %mul3A_297 : f32 to vector<16xf32>
      %mul3A_299 = arith.mulf %get3A_296, %mul3A_298 : vector<16xf32>
      %swap3A_300 = arith.index_cast %add3A_256 : i32 to index
      %swap3A_301 = arith.constant 48 : index
      %swap3A_302 = tpu.vector_load %arg10[%swap3A_300, %swap3A_301] {strides = array<i32>} : memref<256x64xf32, #tpu.memory_space<vmem>>, vector<1x16xf32>,
      %swap3A_303 = vector.shape_cast %swap3A_302 : vector<1x16xf32> to vector<16xf32>
      %swap3A_304 = vector.shape_cast %mul3A_299 : vector<16xf32> to vector<1x16xf32>
      tpu.vector_store %arg10[%swap3A_300, %swap3A_301], %swap3A_304 {strides = array<i32>} : memref<256x64xf32, #tpu.memory_space<vmem>>, vector<1x16xf32>,
      %mul3A_305 = arith.constant 4 : i32
      %mul3A_306 = arith.muli %scan3A_150, %mul3A_305 : i32
      %add3A_307 = arith.constant 3 : i32
      %add3A_308 = arith.addi %mul3A_306, %add3A_307 : i32
      %get3A_309 = arith.index_cast %add3A_308 : i32 to index
      %get3A_310 = arith.constant 0 : index
      %get3A_311 = tpu.vector_load %arg10[%get3A_309, %get3A_310] {strides = array<i32>} : memref<256x64xf32, #tpu.memory_space<vmem>>, vector<1x16xf32>,
      %get3A_312 = vector.shape_cast %get3A_311 : vector<1x16xf32> to vector<16xf32>
      %mul3A_313 = arith.constant 8.000000e+00 : f32
      %mul3A_314 = vector.broadcast %mul3A_313 : f32 to vector<16xf32>
      %mul3A_315 = arith.mulf %get3A_312, %mul3A_314 : vector<16xf32>
      %swap3A_316 = arith.index_cast %add3A_308 : i32 to index
      %swap3A_317 = arith.constant 0 : index
      %swap3A_318 = tpu.vector_load %arg10[%swap3A_316, %swap3A_317] {strides = array<i32>} : memref<256x64xf32, #tpu.memory_space<vmem>>, vector<1x16xf32>,
      %swap3A_319 = vector.shape_cast %swap3A_318 : vector<1x16xf32> to vector<16xf32>
      %swap3A_320 = vector.shape_cast %mul3A_315 : vector<16xf32> to vector<1x16xf32>
      tpu.vector_store %arg10[%swap3A_316, %swap3A_317], %swap3A_320 {strides = array<i32>} : memref<256x64xf32, #tpu.memory_space<vmem>>, vector<1x16xf32>,
      %get3A_321 = arith.index_cast %add3A_308 : i32 to index
      %get3A_322 = arith.constant 16 : index
      %get3A_323 = tpu.vector_load %arg10[%get3A_321, %get3A_322] {strides = array<i32>} : memref<256x64xf32, #tpu.memory_space<vmem>>, vector<1x16xf32>,
      %get3A_324 = vector.shape_cast %get3A_323 : vector<1x16xf32> to vector<16xf32>
      %mul3A_325 = arith.constant 8.000000e+00 : f32
      %mul3A_326 = vector.broadcast %mul3A_325 : f32 to vector<16xf32>
      %mul3A_327 = arith.mulf %get3A_324, %mul3A_326 : vector<16xf32>
      %swap3A_328 = arith.index_cast %add3A_308 : i32 to index
      %swap3A_329 = arith.constant 16 : index
      %swap3A_330 = tpu.vector_load %arg10[%swap3A_328, %swap3A_329] {strides = array<i32>} : memref<256x64xf32, #tpu.memory_space<vmem>>, vector<1x16xf32>,
      %swap3A_331 = vector.shape_cast %swap3A_330 : vector<1x16xf32> to vector<16xf32>
      %swap3A_332 = vector.shape_cast %mul3A_327 : vector<16xf32> to vector<1x16xf32>
      tpu.vector_store %arg10[%swap3A_328, %swap3A_329], %swap3A_332 {strides = array<i32>} : memref<256x64xf32, #tpu.memory_space<vmem>>, vector<1x16xf32>,
      %get3A_333 = arith.index_cast %add3A_308 : i32 to index
      %get3A_334 = arith.constant 32 : index
      %get3A_335 = tpu.vector_load %arg10[%get3A_333, %get3A_334] {strides = array<i32>} : memref<256x64xf32, #tpu.memory_space<vmem>>, vector<1x16xf32>,
      %get3A_336 = vector.shape_cast %get3A_335 : vector<1x16xf32> to vector<16xf32>
      %mul3A_337 = arith.constant 8.000000e+00 : f32
      %mul3A_338 = vector.broadcast %mul3A_337 : f32 to vector<16xf32>
      %mul3A_339 = arith.mulf %get3A_336, %mul3A_338 : vector<16xf32>
      %swap3A_340 = arith.index_cast %add3A_308 : i32 to index
      %swap3A_341 = arith.constant 32 : index
      %swap3A_342 = tpu.vector_load %arg10[%swap3A_340, %swap3A_341] {strides = array<i32>} : memref<256x64xf32, #tpu.memory_space<vmem>>, vector<1x16xf32>,
      %swap3A_343 = vector.shape_cast %swap3A_342 : vector<1x16xf32> to vector<16xf32>
      %swap3A_344 = vector.shape_cast %mul3A_339 : vector<16xf32> to vector<1x16xf32>
      tpu.vector_store %arg10[%swap3A_340, %swap3A_341], %swap3A_344 {strides = array<i32>} : memref<256x64xf32, #tpu.memory_space<vmem>>, vector<1x16xf32>,
      %get3A_345 = arith.index_cast %add3A_308 : i32 to index
      %get3A_346 = arith.constant 48 : index
      %get3A_347 = tpu.vector_load %arg10[%get3A_345, %get3A_346] {strides = array<i32>} : memref<256x64xf32, #tpu.memory_space<vmem>>, vector<1x16xf32>,
      %get3A_348 = vector.shape_cast %get3A_347 : vector<1x16xf32> to vector<16xf32>
      %mul3A_349 = arith.constant 8.000000e+00 : f32
      %mul3A_350 = vector.broadcast %mul3A_349 : f32 to vector<16xf32>
      %mul3A_351 = arith.mulf %get3A_348, %mul3A_350 : vector<16xf32>
      %swap3A_352 = arith.index_cast %add3A_308 : i32 to index
      %swap3A_353 = arith.constant 48 : index
      %swap3A_354 = tpu.vector_load %arg10[%swap3A_352, %swap3A_353] {strides = array<i32>} : memref<256x64xf32, #tpu.memory_space<vmem>>, vector<1x16xf32>,
      %swap3A_355 = vector.shape_cast %swap3A_354 : vector<1x16xf32> to vector<16xf32>
      %swap3A_356 = vector.shape_cast %mul3A_351 : vector<16xf32> to vector<1x16xf32>
      tpu.vector_store %arg10[%swap3A_352, %swap3A_353], %swap3A_356 {strides = array<i32>} : memref<256x64xf32, #tpu.memory_space<vmem>>, vector<1x16xf32>,
    }
    %scan3A_57 = arith.constant 64 : i32
    %dma_start3A_58 = arith.constant 256 : i32
    %dma_start3A_59 = tpu.memref_slice %arg8[%dma_start3A_58] : memref<25600xi32, #tpu.memory_space<vmem>> -> memref<256xi32, #tpu.memory_space<vmem>>
    %dma_start3A_60 = arith.constant 0 : i32
    %dma_start3A_61 = arith.constant 0 : i32
    %dma_start3A_62 = tpu.memref_slice %arg3[%dma_start3A_60, %dma_start3A_61] : memref<6400x64xf32, #tpu.memory_space<hbm>> -> memref<6400x64xf32, #tpu.memory_space<hbm>>
    tpu.enqueue_indirect_dma source(%dma_start3A_62 : memref<6400x64xf32, #tpu.memory_space<hbm>>) target(%arg10 : memref<256x64xf32, #tpu.memory_space<vmem>>) offsets(%dma_start3A_59 : memref<256xi32, #tpu.memory_space<vmem>>) semaphore(%arg17 : memref<!tpu.dma_semaphore, #tpu.memory_space<semaphore_mem>>) {add = true}
    %scan3A_63 = arith.constant 0 : i32
    %scan3A_64 = arith.constant 0 : i32
    %scan3A_65 = arith.constant 24 : i32
    %scan3A_66 = arith.addi %scan3A_64, %scan3A_65 : i32
    %scan3A_67 = arith.constant 1 : i32
    scf.for %scan3A_150 = %scan3A_64 to %scan3A_66 step %scan3A_67  : i32 {
      %mul3A_151 = arith.constant 4 : i32
      %mul3A_152 = arith.muli %mul3A_151, %scan3A_150 : i32
      %add3A_153 = arith.constant 2 : i32
      %add3A_154 = arith.addi %add3A_153, %mul3A_152 : i32
      %add3A_155 = arith.constant 0 : i32
      %add3A_156 = arith.addi %add3A_154, %add3A_155 : i32
      %dma_wait3A_157 = arith.constant 0 : i32
      %dma_wait3A_158 = tpu.memref_slice %arg8[%dma_wait3A_157] : memref<25600xi32, #tpu.memory_space<vmem>> -> memref<256xi32, #tpu.memory_space<vmem>>
      %dma_wait3A_159 = arith.constant 0 : i32
      %dma_wait3A_160 = arith.constant 0 : i32
      %dma_wait3A_161 = tpu.memref_slice %arg3[%dma_wait3A_159, %dma_wait3A_160] : memref<6400x64xf32, #tpu.memory_space<hbm>> -> memref<6400x64xf32, #tpu.memory_space<hbm>>
      tpu.wait_indirect_dma semaphore(%arg17 : memref<!tpu.dma_semaphore, #tpu.memory_space<semaphore_mem>>) src(%dma_wait3A_161 : memref<6400x64xf32, #tpu.memory_space<hbm>>) dst(%arg10 : memref<256x64xf32, #tpu.memory_space<vmem>>)
      %sub3A = arith.constant 1 : i32
      %sub3A_162 = arith.subi %add3A_156, %sub3A : i32
      %mul3A_163 = arith.constant 256 : i32
      %mul3A_164 = arith.muli %sub3A_162, %mul3A_163 : i32
      %add3A_165 = arith.addi %mul3A_2, %mul3A_164 : i32
      %dma_start3A_166 = arith.constant 0 : i32
      %dma_start3A_167 = tpu.memref_slice %arg6[%add3A_165, %dma_start3A_166] : memref<819200x128xf32, #tpu.memory_space<hbm>> -> memref<256x64xf32, #tpu.memory_space<hbm>>
      %dma_start3A_168 = arith.constant 0 : i32
      %dma_start3A_169 = tpu.memref_slice %arg6[%add3A_165, %dma_start3A_168] : memref<819200x128xf32, #tpu.memory_space<hbm>> -> memref<256x64xf32, #tpu.memory_space<hbm>>
      tpu.enqueue_dma source(%arg10 : memref<256x64xf32, #tpu.memory_space<vmem>>) target(%dma_start3A_169 : memref<256x64xf32, #tpu.memory_space<hbm>>) target_semaphore(%arg18 : memref<!tpu.dma_semaphore, #tpu.memory_space<semaphore_mem>>)
      %dma_wait3A_170 = arith.constant 0 : i32
      %dma_wait3A_171 = tpu.memref_slice %arg6[%mul3A_2, %dma_wait3A_170] : memref<819200x128xf32, #tpu.memory_space<hbm>> -> memref<256x64xf32, #tpu.memory_space<hbm>>
      %dma_wait3A_172 = arith.constant 0 : i32
      %dma_wait3A_173 = tpu.memref_slice %arg6[%mul3A_2, %dma_wait3A_172] : memref<819200x128xf32, #tpu.memory_space<hbm>> -> memref<256x64xf32, #tpu.memory_space<hbm>>
      tpu.wait_dma2 semaphore(%arg15 : memref<!tpu.dma_semaphore, #tpu.memory_space<semaphore_mem>>) src(%arg9 : memref<256x64xf32, #tpu.memory_space<vmem>>) dst(%dma_wait3A_173 : memref<256x64xf32, #tpu.memory_space<hbm>>)
      %add3A_174 = arith.constant 2 : i32
      %add3A_175 = arith.addi %add3A_156, %add3A_174 : i32
      %mul3A_176 = arith.constant 256 : i32
      %mul3A_177 = arith.muli %add3A_175, %mul3A_176 : i32
      %dma_start3A_178 = tpu.memref_slice %arg7[%mul3A_177] : memref<25600xi32, #tpu.memory_space<vmem>> -> memref<256xi32, #tpu.memory_space<vmem>>
      %dma_start3A_179 = arith.constant 0 : i32
      %dma_start3A_180 = arith.constant 0 : i32
      %dma_start3A_181 = tpu.memref_slice %arg2[%dma_start3A_179, %dma_start3A_180] : memref<1000000x64xf32, #tpu.memory_space<hbm>> -> memref<1000000x64xf32, #tpu.memory_space<hbm>>
      tpu.enqueue_indirect_dma source(%dma_start3A_181 : memref<1000000x64xf32, #tpu.memory_space<hbm>>) target(%arg9 : memref<256x64xf32, #tpu.memory_space<vmem>>) offsets(%dma_start3A_178 : memref<256xi32, #tpu.memory_space<vmem>>) semaphore(%arg13 : memref<!tpu.dma_semaphore, #tpu.memory_space<semaphore_mem>>)
      %dma_wait3A_182 = arith.constant 0 : i32
      %dma_wait3A_183 = tpu.memref_slice %arg7[%dma_wait3A_182] : memref<25600xi32, #tpu.memory_space<vmem>> -> memref<256xi32, #tpu.memory_space<vmem>>
      %dma_wait3A_184 = arith.constant 0 : i32
      %dma_wait3A_185 = arith.constant 0 : i32
      %dma_wait3A_186 = tpu.memref_slice %arg2[%dma_wait3A_184, %dma_wait3A_185] : memref<1000000x64xf32, #tpu.memory_space<hbm>> -> memref<1000000x64xf32, #tpu.memory_space<hbm>>
      tpu.wait_indirect_dma semaphore(%arg19 : memref<!tpu.dma_semaphore, #tpu.memory_space<semaphore_mem>>) src(%dma_wait3A_186 : memref<1000000x64xf32, #tpu.memory_space<hbm>>) dst(%arg11 : memref<256x64xf32, #tpu.memory_space<vmem>>)
      %scan3A_187 = arith.constant 0 : i32
      %scan3A_188 = arith.constant 0 : i32
      %scan3A_189 = arith.constant 64 : i32
      %scan3A_190 = arith.addi %scan3A_188, %scan3A_189 : i32
      %scan3A_191 = arith.constant 1 : i32
      scf.for %scan3A_346 = %scan3A_188 to %scan3A_190 step %scan3A_191  : i32 {
        %mul3A_347 = arith.constant 4 : i32
        %mul3A_348 = arith.muli %scan3A_346, %mul3A_347 : i32
        %add3A_349 = arith.constant 0 : i32
        %add3A_350 = arith.addi %mul3A_348, %add3A_349 : i32
        %get3A = arith.index_cast %add3A_350 : i32 to index
        %get3A_351 = arith.constant 0 : index
        %get3A_352 = tpu.vector_load %arg11[%get3A, %get3A_351] {strides = array<i32>} : memref<256x64xf32, #tpu.memory_space<vmem>>, vector<1x16xf32>,
        %get3A_353 = vector.shape_cast %get3A_352 : vector<1x16xf32> to vector<16xf32>
        %mul3A_354 = arith.constant 8.000000e+00 : f32
        %mul3A_355 = vector.broadcast %mul3A_354 : f32 to vector<16xf32>
        %mul3A_356 = arith.mulf %get3A_353, %mul3A_355 : vector<16xf32>
        %swap3A = arith.index_cast %add3A_350 : i32 to index
        %swap3A_357 = arith.constant 0 : index
        %swap3A_358 = tpu.vector_load %arg11[%swap3A, %swap3A_357] {strides = array<i32>} : memref<256x64xf32, #tpu.memory_space<vmem>>, vector<1x16xf32>,
        %swap3A_359 = vector.shape_cast %swap3A_358 : vector<1x16xf32> to vector<16xf32>
        %swap3A_360 = vector.shape_cast %mul3A_356 : vector<16xf32> to vector<1x16xf32>
        tpu.vector_store %arg11[%swap3A, %swap3A_357], %swap3A_360 {strides = array<i32>} : memref<256x64xf32, #tpu.memory_space<vmem>>, vector<1x16xf32>,
        %get3A_361 = arith.index_cast %add3A_350 : i32 to index
        %get3A_362 = arith.constant 16 : index
        %get3A_363 = tpu.vector_load %arg11[%get3A_361, %get3A_362] {strides = array<i32>} : memref<256x64xf32, #tpu.memory_space<vmem>>, vector<1x16xf32>,
        %get3A_364 = vector.shape_cast %get3A_363 : vector<1x16xf32> to vector<16xf32>
        %mul3A_365 = arith.constant 8.000000e+00 : f32
        %mul3A_366 = vector.broadcast %mul3A_365 : f32 to vector<16xf32>
        %mul3A_367 = arith.mulf %get3A_364, %mul3A_366 : vector<16xf32>
        %swap3A_368 = arith.index_cast %add3A_350 : i32 to index
        %swap3A_369 = arith.constant 16 : index
        %swap3A_370 = tpu.vector_load %arg11[%swap3A_368, %swap3A_369] {strides = array<i32>} : memref<256x64xf32, #tpu.memory_space<vmem>>, vector<1x16xf32>,
        %swap3A_371 = vector.shape_cast %swap3A_370 : vector<1x16xf32> to vector<16xf32>
        %swap3A_372 = vector.shape_cast %mul3A_367 : vector<16xf32> to vector<1x16xf32>
        tpu.vector_store %arg11[%swap3A_368, %swap3A_369], %swap3A_372 {strides = array<i32>} : memref<256x64xf32, #tpu.memory_space<vmem>>, vector<1x16xf32>,
        %get3A_373 = arith.index_cast %add3A_350 : i32 to index
        %get3A_374 = arith.constant 32 : index
        %get3A_375 = tpu.vector_load %arg11[%get3A_373, %get3A_374] {strides = array<i32>} : memref<256x64xf32, #tpu.memory_space<vmem>>, vector<1x16xf32>,
        %get3A_376 = vector.shape_cast %get3A_375 : vector<1x16xf32> to vector<16xf32>
        %mul3A_377 = arith.constant 8.000000e+00 : f32
        %mul3A_378 = vector.broadcast %mul3A_377 : f32 to vector<16xf32>
        %mul3A_379 = arith.mulf %get3A_376, %mul3A_378 : vector<16xf32>
        %swap3A_380 = arith.index_cast %add3A_350 : i32 to index
        %swap3A_381 = arith.constant 32 : index
        %swap3A_382 = tpu.vector_load %arg11[%swap3A_380, %swap3A_381] {strides = array<i32>} : memref<256x64xf32, #tpu.memory_space<vmem>>, vector<1x16xf32>,
        %swap3A_383 = vector.shape_cast %swap3A_382 : vector<1x16xf32> to vector<16xf32>
        %swap3A_384 = vector.shape_cast %mul3A_379 : vector<16xf32> to vector<1x16xf32>
        tpu.vector_store %arg11[%swap3A_380, %swap3A_381], %swap3A_384 {strides = array<i32>} : memref<256x64xf32, #tpu.memory_space<vmem>>, vector<1x16xf32>,
        %get3A_385 = arith.index_cast %add3A_350 : i32 to index
        %get3A_386 = arith.constant 48 : index
        %get3A_387 = tpu.vector_load %arg11[%get3A_385, %get3A_386] {strides = array<i32>} : memref<256x64xf32, #tpu.memory_space<vmem>>, vector<1x16xf32>,
        %get3A_388 = vector.shape_cast %get3A_387 : vector<1x16xf32> to vector<16xf32>
        %mul3A_389 = arith.constant 8.000000e+00 : f32
        %mul3A_390 = vector.broadcast %mul3A_389 : f32 to vector<16xf32>
        %mul3A_391 = arith.mulf %get3A_388, %mul3A_390 : vector<16xf32>
        %swap3A_392 = arith.index_cast %add3A_350 : i32 to index
        %swap3A_393 = arith.constant 48 : index
        %swap3A_394 = tpu.vector_load %arg11[%swap3A_392, %swap3A_393] {strides = array<i32>} : memref<256x64xf32, #tpu.memory_space<vmem>>, vector<1x16xf32>,
        %swap3A_395 = vector.shape_cast %swap3A_394 : vector<1x16xf32> to vector<16xf32>
        %swap3A_396 = vector.shape_cast %mul3A_391 : vector<16xf32> to vector<1x16xf32>
        tpu.vector_store %arg11[%swap3A_392, %swap3A_393], %swap3A_396 {strides = array<i32>} : memref<256x64xf32, #tpu.memory_space<vmem>>, vector<1x16xf32>,
        %mul3A_397 = arith.constant 4 : i32
        %mul3A_398 = arith.muli %scan3A_346, %mul3A_397 : i32
        %add3A_399 = arith.constant 1 : i32
        %add3A_400 = arith.addi %mul3A_398, %add3A_399 : i32
        %get3A_401 = arith.index_cast %add3A_400 : i32 to index
        %get3A_402 = arith.constant 0 : index
        %get3A_403 = tpu.vector_load %arg11[%get3A_401, %get3A_402] {strides = array<i32>} : memref<256x64xf32, #tpu.memory_space<vmem>>, vector<1x16xf32>,
        %get3A_404 = vector.shape_cast %get3A_403 : vector<1x16xf32> to vector<16xf32>
        %mul3A_405 = arith.constant 8.000000e+00 : f32
        %mul3A_406 = vector.broadcast %mul3A_405 : f32 to vector<16xf32>
        %mul3A_407 = arith.mulf %get3A_404, %mul3A_406 : vector<16xf32>
        %swap3A_408 = arith.index_cast %add3A_400 : i32 to index
        %swap3A_409 = arith.constant 0 : index
        %swap3A_410 = tpu.vector_load %arg11[%swap3A_408, %swap3A_409] {strides = array<i32>} : memref<256x64xf32, #tpu.memory_space<vmem>>, vector<1x16xf32>,
        %swap3A_411 = vector.shape_cast %swap3A_410 : vector<1x16xf32> to vector<16xf32>
        %swap3A_412 = vector.shape_cast %mul3A_407 : vector<16xf32> to vector<1x16xf32>
        tpu.vector_store %arg11[%swap3A_408, %swap3A_409], %swap3A_412 {strides = array<i32>} : memref<256x64xf32, #tpu.memory_space<vmem>>, vector<1x16xf32>,
        %get3A_413 = arith.index_cast %add3A_400 : i32 to index
        %get3A_414 = arith.constant 16 : index
        %get3A_415 = tpu.vector_load %arg11[%get3A_413, %get3A_414] {strides = array<i32>} : memref<256x64xf32, #tpu.memory_space<vmem>>, vector<1x16xf32>,
        %get3A_416 = vector.shape_cast %get3A_415 : vector<1x16xf32> to vector<16xf32>
        %mul3A_417 = arith.constant 8.000000e+00 : f32
        %mul3A_418 = vector.broadcast %mul3A_417 : f32 to vector<16xf32>
        %mul3A_419 = arith.mulf %get3A_416, %mul3A_418 : vector<16xf32>
        %swap3A_420 = arith.index_cast %add3A_400 : i32 to index
        %swap3A_421 = arith.constant 16 : index
        %swap3A_422 = tpu.vector_load %arg11[%swap3A_420, %swap3A_421] {strides = array<i32>} : memref<256x64xf32, #tpu.memory_space<vmem>>, vector<1x16xf32>,
        %swap3A_423 = vector.shape_cast %swap3A_422 : vector<1x16xf32> to vector<16xf32>
        %swap3A_424 = vector.shape_cast %mul3A_419 : vector<16xf32> to vector<1x16xf32>
        tpu.vector_store %arg11[%swap3A_420, %swap3A_421], %swap3A_424 {strides = array<i32>} : memref<256x64xf32, #tpu.memory_space<vmem>>, vector<1x16xf32>,
        %get3A_425 = arith.index_cast %add3A_400 : i32 to index
        %get3A_426 = arith.constant 32 : index
        %get3A_427 = tpu.vector_load %arg11[%get3A_425, %get3A_426] {strides = array<i32>} : memref<256x64xf32, #tpu.memory_space<vmem>>, vector<1x16xf32>,
        %get3A_428 = vector.shape_cast %get3A_427 : vector<1x16xf32> to vector<16xf32>
        %mul3A_429 = arith.constant 8.000000e+00 : f32
        %mul3A_430 = vector.broadcast %mul3A_429 : f32 to vector<16xf32>
        %mul3A_431 = arith.mulf %get3A_428, %mul3A_430 : vector<16xf32>
        %swap3A_432 = arith.index_cast %add3A_400 : i32 to index
        %swap3A_433 = arith.constant 32 : index
        %swap3A_434 = tpu.vector_load %arg11[%swap3A_432, %swap3A_433] {strides = array<i32>} : memref<256x64xf32, #tpu.memory_space<vmem>>, vector<1x16xf32>,
        %swap3A_435 = vector.shape_cast %swap3A_434 : vector<1x16xf32> to vector<16xf32>
        %swap3A_436 = vector.shape_cast %mul3A_431 : vector<16xf32> to vector<1x16xf32>
        tpu.vector_store %arg11[%swap3A_432, %swap3A_433], %swap3A_436 {strides = array<i32>} : memref<256x64xf32, #tpu.memory_space<vmem>>, vector<1x16xf32>,
        %get3A_437 = arith.index_cast %add3A_400 : i32 to index
        %get3A_438 = arith.constant 48 : index
        %get3A_439 = tpu.vector_load %arg11[%get3A_437, %get3A_438] {strides = array<i32>} : memref<256x64xf32, #tpu.memory_space<vmem>>, vector<1x16xf32>,
        %get3A_440 = vector.shape_cast %get3A_439 : vector<1x16xf32> to vector<16xf32>
        %mul3A_441 = arith.constant 8.000000e+00 : f32
        %mul3A_442 = vector.broadcast %mul3A_441 : f32 to vector<16xf32>
        %mul3A_443 = arith.mulf %get3A_440, %mul3A_442 : vector<16xf32>
        %swap3A_444 = arith.index_cast %add3A_400 : i32 to index
        %swap3A_445 = arith.constant 48 : index
        %swap3A_446 = tpu.vector_load %arg11[%swap3A_444, %swap3A_445] {strides = array<i32>} : memref<256x64xf32, #tpu.memory_space<vmem>>, vector<1x16xf32>,
        %swap3A_447 = vector.shape_cast %swap3A_446 : vector<1x16xf32> to vector<16xf32>
        %swap3A_448 = vector.shape_cast %mul3A_443 : vector<16xf32> to vector<1x16xf32>
        tpu.vector_store %arg11[%swap3A_444, %swap3A_445], %swap3A_448 {strides = array<i32>} : memref<256x64xf32, #tpu.memory_space<vmem>>, vector<1x16xf32>,
        %mul3A_449 = arith.constant 4 : i32
        %mul3A_450 = arith.muli %scan3A_346, %mul3A_449 : i32
        %add3A_451 = arith.constant 2 : i32
        %add3A_452 = arith.addi %mul3A_450, %add3A_451 : i32
        %get3A_453 = arith.index_cast %add3A_452 : i32 to index
        %get3A_454 = arith.constant 0 : index
        %get3A_455 = tpu.vector_load %arg11[%get3A_453, %get3A_454] {strides = array<i32>} : memref<256x64xf32, #tpu.memory_space<vmem>>, vector<1x16xf32>,
        %get3A_456 = vector.shape_cast %get3A_455 : vector<1x16xf32> to vector<16xf32>
        %mul3A_457 = arith.constant 8.000000e+00 : f32
        %mul3A_458 = vector.broadcast %mul3A_457 : f32 to vector<16xf32>
        %mul3A_459 = arith.mulf %get3A_456, %mul3A_458 : vector<16xf32>
        %swap3A_460 = arith.index_cast %add3A_452 : i32 to index
        %swap3A_461 = arith.constant 0 : index
        %swap3A_462 = tpu.vector_load %arg11[%swap3A_460, %swap3A_461] {strides = array<i32>} : memref<256x64xf32, #tpu.memory_space<vmem>>, vector<1x16xf32>,
        %swap3A_463 = vector.shape_cast %swap3A_462 : vector<1x16xf32> to vector<16xf32>
        %swap3A_464 = vector.shape_cast %mul3A_459 : vector<16xf32> to vector<1x16xf32>
        tpu.vector_store %arg11[%swap3A_460, %swap3A_461], %swap3A_464 {strides = array<i32>} : memref<256x64xf32, #tpu.memory_space<vmem>>, vector<1x16xf32>,
        %get3A_465 = arith.index_cast %add3A_452 : i32 to index
        %get3A_466 = arith.constant 16 : index
        %get3A_467 = tpu.vector_load %arg11[%get3A_465, %get3A_466] {strides = array<i32>} : memref<256x64xf32, #tpu.memory_space<vmem>>, vector<1x16xf32>,
        %get3A_468 = vector.shape_cast %get3A_467 : vector<1x16xf32> to vector<16xf32>
        %mul3A_469 = arith.constant 8.000000e+00 : f32
        %mul3A_470 = vector.broadcast %mul3A_469 : f32 to vector<16xf32>
        %mul3A_471 = arith.mulf %get3A_468, %mul3A_470 : vector<16xf32>
        %swap3A_472 = arith.index_cast %add3A_452 : i32 to index
        %swap3A_473 = arith.constant 16 : index
        %swap3A_474 = tpu.vector_load %arg11[%swap3A_472, %swap3A_473] {strides = array<i32>} : memref<256x64xf32, #tpu.memory_space<vmem>>, vector<1x16xf32>,
        %swap3A_475 = vector.shape_cast %swap3A_474 : vector<1x16xf32> to vector<16xf32>
        %swap3A_476 = vector.shape_cast %mul3A_471 : vector<16xf32> to vector<1x16xf32>
        tpu.vector_store %arg11[%swap3A_472, %swap3A_473], %swap3A_476 {strides = array<i32>} : memref<256x64xf32, #tpu.memory_space<vmem>>, vector<1x16xf32>,
        %get3A_477 = arith.index_cast %add3A_452 : i32 to index
        %get3A_478 = arith.constant 32 : index
        %get3A_479 = tpu.vector_load %arg11[%get3A_477, %get3A_478] {strides = array<i32>} : memref<256x64xf32, #tpu.memory_space<vmem>>, vector<1x16xf32>,
        %get3A_480 = vector.shape_cast %get3A_479 : vector<1x16xf32> to vector<16xf32>
        %mul3A_481 = arith.constant 8.000000e+00 : f32
        %mul3A_482 = vector.broadcast %mul3A_481 : f32 to vector<16xf32>
        %mul3A_483 = arith.mulf %get3A_480, %mul3A_482 : vector<16xf32>
        %swap3A_484 = arith.index_cast %add3A_452 : i32 to index
        %swap3A_485 = arith.constant 32 : index
        %swap3A_486 = tpu.vector_load %arg11[%swap3A_484, %swap3A_485] {strides = array<i32>} : memref<256x64xf32, #tpu.memory_space<vmem>>, vector<1x16xf32>,
        %swap3A_487 = vector.shape_cast %swap3A_486 : vector<1x16xf32> to vector<16xf32>
        %swap3A_488 = vector.shape_cast %mul3A_483 : vector<16xf32> to vector<1x16xf32>
        tpu.vector_store %arg11[%swap3A_484, %swap3A_485], %swap3A_488 {strides = array<i32>} : memref<256x64xf32, #tpu.memory_space<vmem>>, vector<1x16xf32>,
        %get3A_489 = arith.index_cast %add3A_452 : i32 to index
        %get3A_490 = arith.constant 48 : index
        %get3A_491 = tpu.vector_load %arg11[%get3A_489, %get3A_490] {strides = array<i32>} : memref<256x64xf32, #tpu.memory_space<vmem>>, vector<1x16xf32>,
        %get3A_492 = vector.shape_cast %get3A_491 : vector<1x16xf32> to vector<16xf32>
        %mul3A_493 = arith.constant 8.000000e+00 : f32
        %mul3A_494 = vector.broadcast %mul3A_493 : f32 to vector<16xf32>
        %mul3A_495 = arith.mulf %get3A_492, %mul3A_494 : vector<16xf32>
        %swap3A_496 = arith.index_cast %add3A_452 : i32 to index
        %swap3A_497 = arith.constant 48 : index
        %swap3A_498 = tpu.vector_load %arg11[%swap3A_496, %swap3A_497] {strides = array<i32>} : memref<256x64xf32, #tpu.memory_space<vmem>>, vector<1x16xf32>,
        %swap3A_499 = vector.shape_cast %swap3A_498 : vector<1x16xf32> to vector<16xf32>
        %swap3A_500 = vector.shape_cast %mul3A_495 : vector<16xf32> to vector<1x16xf32>
        tpu.vector_store %arg11[%swap3A_496, %swap3A_497], %swap3A_500 {strides = array<i32>} : memref<256x64xf32, #tpu.memory_space<vmem>>, vector<1x16xf32>,
        %mul3A_501 = arith.constant 4 : i32
        %mul3A_502 = arith.muli %scan3A_346, %mul3A_501 : i32
        %add3A_503 = arith.constant 3 : i32
        %add3A_504 = arith.addi %mul3A_502, %add3A_503 : i32
        %get3A_505 = arith.index_cast %add3A_504 : i32 to index
        %get3A_506 = arith.constant 0 : index
        %get3A_507 = tpu.vector_load %arg11[%get3A_505, %get3A_506] {strides = array<i32>} : memref<256x64xf32, #tpu.memory_space<vmem>>, vector<1x16xf32>,
        %get3A_508 = vector.shape_cast %get3A_507 : vector<1x16xf32> to vector<16xf32>
        %mul3A_509 = arith.constant 8.000000e+00 : f32
        %mul3A_510 = vector.broadcast %mul3A_509 : f32 to vector<16xf32>
        %mul3A_511 = arith.mulf %get3A_508, %mul3A_510 : vector<16xf32>
        %swap3A_512 = arith.index_cast %add3A_504 : i32 to index
        %swap3A_513 = arith.constant 0 : index
        %swap3A_514 = tpu.vector_load %arg11[%swap3A_512, %swap3A_513] {strides = array<i32>} : memref<256x64xf32, #tpu.memory_space<vmem>>, vector<1x16xf32>,
        %swap3A_515 = vector.shape_cast %swap3A_514 : vector<1x16xf32> to vector<16xf32>
        %swap3A_516 = vector.shape_cast %mul3A_511 : vector<16xf32> to vector<1x16xf32>
        tpu.vector_store %arg11[%swap3A_512, %swap3A_513], %swap3A_516 {strides = array<i32>} : memref<256x64xf32, #tpu.memory_space<vmem>>, vector<1x16xf32>,
        %get3A_517 = arith.index_cast %add3A_504 : i32 to index
        %get3A_518 = arith.constant 16 : index
        %get3A_519 = tpu.vector_load %arg11[%get3A_517, %get3A_518] {strides = array<i32>} : memref<256x64xf32, #tpu.memory_space<vmem>>, vector<1x16xf32>,
        %get3A_520 = vector.shape_cast %get3A_519 : vector<1x16xf32> to vector<16xf32>
        %mul3A_521 = arith.constant 8.000000e+00 : f32
        %mul3A_522 = vector.broadcast %mul3A_521 : f32 to vector<16xf32>
        %mul3A_523 = arith.mulf %get3A_520, %mul3A_522 : vector<16xf32>
        %swap3A_524 = arith.index_cast %add3A_504 : i32 to index
        %swap3A_525 = arith.constant 16 : index
        %swap3A_526 = tpu.vector_load %arg11[%swap3A_524, %swap3A_525] {strides = array<i32>} : memref<256x64xf32, #tpu.memory_space<vmem>>, vector<1x16xf32>,
        %swap3A_527 = vector.shape_cast %swap3A_526 : vector<1x16xf32> to vector<16xf32>
        %swap3A_528 = vector.shape_cast %mul3A_523 : vector<16xf32> to vector<1x16xf32>
        tpu.vector_store %arg11[%swap3A_524, %swap3A_525], %swap3A_528 {strides = array<i32>} : memref<256x64xf32, #tpu.memory_space<vmem>>, vector<1x16xf32>,
        %get3A_529 = arith.index_cast %add3A_504 : i32 to index
        %get3A_530 = arith.constant 32 : index
        %get3A_531 = tpu.vector_load %arg11[%get3A_529, %get3A_530] {strides = array<i32>} : memref<256x64xf32, #tpu.memory_space<vmem>>, vector<1x16xf32>,
        %get3A_532 = vector.shape_cast %get3A_531 : vector<1x16xf32> to vector<16xf32>
        %mul3A_533 = arith.constant 8.000000e+00 : f32
        %mul3A_534 = vector.broadcast %mul3A_533 : f32 to vector<16xf32>
        %mul3A_535 = arith.mulf %get3A_532, %mul3A_534 : vector<16xf32>
        %swap3A_536 = arith.index_cast %add3A_504 : i32 to index
        %swap3A_537 = arith.constant 32 : index
        %swap3A_538 = tpu.vector_load %arg11[%swap3A_536, %swap3A_537] {strides = array<i32>} : memref<256x64xf32, #tpu.memory_space<vmem>>, vector<1x16xf32>,
        %swap3A_539 = vector.shape_cast %swap3A_538 : vector<1x16xf32> to vector<16xf32>
        %swap3A_540 = vector.shape_cast %mul3A_535 : vector<16xf32> to vector<1x16xf32>
        tpu.vector_store %arg11[%swap3A_536, %swap3A_537], %swap3A_540 {strides = array<i32>} : memref<256x64xf32, #tpu.memory_space<vmem>>, vector<1x16xf32>,
        %get3A_541 = arith.index_cast %add3A_504 : i32 to index
        %get3A_542 = arith.constant 48 : index
        %get3A_543 = tpu.vector_load %arg11[%get3A_541, %get3A_542] {strides = array<i32>} : memref<256x64xf32, #tpu.memory_space<vmem>>, vector<1x16xf32>,
        %get3A_544 = vector.shape_cast %get3A_543 : vector<1x16xf32> to vector<16xf32>
        %mul3A_545 = arith.constant 8.000000e+00 : f32
        %mul3A_546 = vector.broadcast %mul3A_545 : f32 to vector<16xf32>
        %mul3A_547 = arith.mulf %get3A_544, %mul3A_546 : vector<16xf32>
        %swap3A_548 = arith.index_cast %add3A_504 : i32 to index
        %swap3A_549 = arith.constant 48 : index
        %swap3A_550 = tpu.vector_load %arg11[%swap3A_548, %swap3A_549] {strides = array<i32>} : memref<256x64xf32, #tpu.memory_space<vmem>>, vector<1x16xf32>,
        %swap3A_551 = vector.shape_cast %swap3A_550 : vector<1x16xf32> to vector<16xf32>
        %swap3A_552 = vector.shape_cast %mul3A_547 : vector<16xf32> to vector<1x16xf32>
        tpu.vector_store %arg11[%swap3A_548, %swap3A_549], %swap3A_552 {strides = array<i32>} : memref<256x64xf32, #tpu.memory_space<vmem>>, vector<1x16xf32>,
      }
      %scan3A_192 = arith.constant 64 : i32
      %mul3A_193 = arith.constant 256 : i32
      %mul3A_194 = arith.muli %add3A_156, %mul3A_193 : i32
      %dma_start3A_195 = tpu.memref_slice %arg8[%mul3A_194] : memref<25600xi32, #tpu.memory_space<vmem>> -> memref<256xi32, #tpu.memory_space<vmem>>
      %dma_start3A_196 = arith.constant 0 : i32
      %dma_start3A_197 = arith.constant 0 : i32
      %dma_start3A_198 = tpu.memref_slice %arg3[%dma_start3A_196, %dma_start3A_197] : memref<6400x64xf32, #tpu.memory_space<hbm>> -> memref<6400x64xf32, #tpu.memory_space<hbm>>
      tpu.enqueue_indirect_dma source(%dma_start3A_198 : memref<6400x64xf32, #tpu.memory_space<hbm>>) target(%arg11 : memref<256x64xf32, #tpu.memory_space<vmem>>) offsets(%dma_start3A_195 : memref<256xi32, #tpu.memory_space<vmem>>) semaphore(%arg20 : memref<!tpu.dma_semaphore, #tpu.memory_space<semaphore_mem>>) {add = true}
      %mul3A_199 = arith.constant 4 : i32
      %mul3A_200 = arith.muli %mul3A_199, %scan3A_150 : i32
      %add3A_201 = arith.constant 2 : i32
      %add3A_202 = arith.addi %add3A_201, %mul3A_200 : i32
      %add3A_203 = arith.constant 1 : i32
      %add3A_204 = arith.addi %add3A_202, %add3A_203 : i32
      %dma_wait3A_205 = arith.constant 0 : i32
      %dma_wait3A_206 = tpu.memref_slice %arg8[%dma_wait3A_205] : memref<25600xi32, #tpu.memory_space<vmem>> -> memref<256xi32, #tpu.memory_space<vmem>>
      %dma_wait3A_207 = arith.constant 0 : i32
      %dma_wait3A_208 = arith.constant 0 : i32
      %dma_wait3A_209 = tpu.memref_slice %arg3[%dma_wait3A_207, %dma_wait3A_208] : memref<6400x64xf32, #tpu.memory_space<hbm>> -> memref<6400x64xf32, #tpu.memory_space<hbm>>
      tpu.wait_indirect_dma semaphore(%arg20 : memref<!tpu.dma_semaphore, #tpu.memory_space<semaphore_mem>>) src(%dma_wait3A_209 : memref<6400x64xf32, #tpu.memory_space<hbm>>) dst(%arg11 : memref<256x64xf32, #tpu.memory_space<vmem>>)
      %sub3A_210 = arith.constant 1 : i32
      %sub3A_211 = arith.subi %add3A_204, %sub3A_210 : i32
      %mul3A_212 = arith.constant 256 : i32
      %mul3A_213 = arith.muli %sub3A_211, %mul3A_212 : i32
      %add3A_214 = arith.addi %mul3A_2, %mul3A_213 : i32
      %dma_start3A_215 = arith.constant 0 : i32
      %dma_start3A_216 = tpu.memref_slice %arg6[%add3A_214, %dma_start3A_215] : memref<819200x128xf32, #tpu.memory_space<hbm>> -> memref<256x64xf32, #tpu.memory_space<hbm>>
      %dma_start3A_217 = arith.constant 0 : i32
      %dma_start3A_218 = tpu.memref_slice %arg6[%add3A_214, %dma_start3A_217] : memref<819200x128xf32, #tpu.memory_space<hbm>> -> memref<256x64xf32, #tpu.memory_space<hbm>>
      tpu.enqueue_dma source(%arg11 : memref<256x64xf32, #tpu.memory_space<vmem>>) target(%dma_start3A_218 : memref<256x64xf32, #tpu.memory_space<hbm>>) target_semaphore(%arg21 : memref<!tpu.dma_semaphore, #tpu.memory_space<semaphore_mem>>)
      %dma_wait3A_219 = arith.constant 0 : i32
      %dma_wait3A_220 = tpu.memref_slice %arg6[%mul3A_2, %dma_wait3A_219] : memref<819200x128xf32, #tpu.memory_space<hbm>> -> memref<256x64xf32, #tpu.memory_space<hbm>>
      %dma_wait3A_221 = arith.constant 0 : i32
      %dma_wait3A_222 = tpu.memref_slice %arg6[%mul3A_2, %dma_wait3A_221] : memref<819200x128xf32, #tpu.memory_space<hbm>> -> memref<256x64xf32, #tpu.memory_space<hbm>>
      tpu.wait_dma2 semaphore(%arg18 : memref<!tpu.dma_semaphore, #tpu.memory_space<semaphore_mem>>) src(%arg10 : memref<256x64xf32, #tpu.memory_space<vmem>>) dst(%dma_wait3A_222 : memref<256x64xf32, #tpu.memory_space<hbm>>)
      %add3A_223 = arith.constant 2 : i32
      %add3A_224 = arith.addi %add3A_204, %add3A_223 : i32
      %mul3A_225 = arith.constant 256 : i32
      %mul3A_226 = arith.muli %add3A_224, %mul3A_225 : i32
      %dma_start3A_227 = tpu.memref_slice %arg7[%mul3A_226] : memref<25600xi32, #tpu.memory_space<vmem>> -> memref<256xi32, #tpu.memory_space<vmem>>
      %dma_start3A_228 = arith.constant 0 : i32
      %dma_start3A_229 = arith.constant 0 : i32
      %dma_start3A_230 = tpu.memref_slice %arg2[%dma_start3A_228, %dma_start3A_229] : memref<1000000x64xf32, #tpu.memory_space<hbm>> -> memref<1000000x64xf32, #tpu.memory_space<hbm>>
      tpu.enqueue_indirect_dma source(%dma_start3A_230 : memref<1000000x64xf32, #tpu.memory_space<hbm>>) target(%arg10 : memref<256x64xf32, #tpu.memory_space<vmem>>) offsets(%dma_start3A_227 : memref<256xi32, #tpu.memory_space<vmem>>) semaphore(%arg16 : memref<!tpu.dma_semaphore, #tpu.memory_space<semaphore_mem>>)
      %dma_wait3A_231 = arith.constant 0 : i32
      %dma_wait3A_232 = tpu.memref_slice %arg7[%dma_wait3A_231] : memref<25600xi32, #tpu.memory_space<vmem>> -> memref<256xi32, #tpu.memory_space<vmem>>
      %dma_wait3A_233 = arith.constant 0 : i32
      %dma_wait3A_234 = arith.constant 0 : i32
      %dma_wait3A_235 = tpu.memref_slice %arg2[%dma_wait3A_233, %dma_wait3A_234] : memref<1000000x64xf32, #tpu.memory_space<hbm>> -> memref<1000000x64xf32, #tpu.memory_space<hbm>>
      tpu.wait_indirect_dma semaphore(%arg22 : memref<!tpu.dma_semaphore, #tpu.memory_space<semaphore_mem>>) src(%dma_wait3A_235 : memref<1000000x64xf32, #tpu.memory_space<hbm>>) dst(%arg12 : memref<256x64xf32, #tpu.memory_space<vmem>>)
      %scan3A_236 = arith.constant 0 : i32
      %scan3A_237 = arith.constant 0 : i32
      %scan3A_238 = arith.constant 64 : i32
      %scan3A_239 = arith.addi %scan3A_237, %scan3A_238 : i32
      %scan3A_240 = arith.constant 1 : i32
      scf.for %scan3A_346 = %scan3A_237 to %scan3A_239 step %scan3A_240  : i32 {
        %mul3A_347 = arith.constant 4 : i32
        %mul3A_348 = arith.muli %scan3A_346, %mul3A_347 : i32
        %add3A_349 = arith.constant 0 : i32
        %add3A_350 = arith.addi %mul3A_348, %add3A_349 : i32
        %get3A = arith.index_cast %add3A_350 : i32 to index
        %get3A_351 = arith.constant 0 : index
        %get3A_352 = tpu.vector_load %arg12[%get3A, %get3A_351] {strides = array<i32>} : memref<256x64xf32, #tpu.memory_space<vmem>>, vector<1x16xf32>,
        %get3A_353 = vector.shape_cast %get3A_352 : vector<1x16xf32> to vector<16xf32>
        %mul3A_354 = arith.constant 8.000000e+00 : f32
        %mul3A_355 = vector.broadcast %mul3A_354 : f32 to vector<16xf32>
        %mul3A_356 = arith.mulf %get3A_353, %mul3A_355 : vector<16xf32>
        %swap3A = arith.index_cast %add3A_350 : i32 to index
        %swap3A_357 = arith.constant 0 : index
        %swap3A_358 = tpu.vector_load %arg12[%swap3A, %swap3A_357] {strides = array<i32>} : memref<256x64xf32, #tpu.memory_space<vmem>>, vector<1x16xf32>,
        %swap3A_359 = vector.shape_cast %swap3A_358 : vector<1x16xf32> to vector<16xf32>
        %swap3A_360 = vector.shape_cast %mul3A_356 : vector<16xf32> to vector<1x16xf32>
        tpu.vector_store %arg12[%swap3A, %swap3A_357], %swap3A_360 {strides = array<i32>} : memref<256x64xf32, #tpu.memory_space<vmem>>, vector<1x16xf32>,
        %get3A_361 = arith.index_cast %add3A_350 : i32 to index
        %get3A_362 = arith.constant 16 : index
        %get3A_363 = tpu.vector_load %arg12[%get3A_361, %get3A_362] {strides = array<i32>} : memref<256x64xf32, #tpu.memory_space<vmem>>, vector<1x16xf32>,
        %get3A_364 = vector.shape_cast %get3A_363 : vector<1x16xf32> to vector<16xf32>
        %mul3A_365 = arith.constant 8.000000e+00 : f32
        %mul3A_366 = vector.broadcast %mul3A_365 : f32 to vector<16xf32>
        %mul3A_367 = arith.mulf %get3A_364, %mul3A_366 : vector<16xf32>
        %swap3A_368 = arith.index_cast %add3A_350 : i32 to index
        %swap3A_369 = arith.constant 16 : index
        %swap3A_370 = tpu.vector_load %arg12[%swap3A_368, %swap3A_369] {strides = array<i32>} : memref<256x64xf32, #tpu.memory_space<vmem>>, vector<1x16xf32>,
        %swap3A_371 = vector.shape_cast %swap3A_370 : vector<1x16xf32> to vector<16xf32>
        %swap3A_372 = vector.shape_cast %mul3A_367 : vector<16xf32> to vector<1x16xf32>
        tpu.vector_store %arg12[%swap3A_368, %swap3A_369], %swap3A_372 {strides = array<i32>} : memref<256x64xf32, #tpu.memory_space<vmem>>, vector<1x16xf32>,
        %get3A_373 = arith.index_cast %add3A_350 : i32 to index
        %get3A_374 = arith.constant 32 : index
        %get3A_375 = tpu.vector_load %arg12[%get3A_373, %get3A_374] {strides = array<i32>} : memref<256x64xf32, #tpu.memory_space<vmem>>, vector<1x16xf32>,
        %get3A_376 = vector.shape_cast %get3A_375 : vector<1x16xf32> to vector<16xf32>
        %mul3A_377 = arith.constant 8.000000e+00 : f32
        %mul3A_378 = vector.broadcast %mul3A_377 : f32 to vector<16xf32>
        %mul3A_379 = arith.mulf %get3A_376, %mul3A_378 : vector<16xf32>
        %swap3A_380 = arith.index_cast %add3A_350 : i32 to index
        %swap3A_381 = arith.constant 32 : index
        %swap3A_382 = tpu.vector_load %arg12[%swap3A_380, %swap3A_381] {strides = array<i32>} : memref<256x64xf32, #tpu.memory_space<vmem>>, vector<1x16xf32>,
        %swap3A_383 = vector.shape_cast %swap3A_382 : vector<1x16xf32> to vector<16xf32>
        %swap3A_384 = vector.shape_cast %mul3A_379 : vector<16xf32> to vector<1x16xf32>
        tpu.vector_store %arg12[%swap3A_380, %swap3A_381], %swap3A_384 {strides = array<i32>} : memref<256x64xf32, #tpu.memory_space<vmem>>, vector<1x16xf32>,
        %get3A_385 = arith.index_cast %add3A_350 : i32 to index
        %get3A_386 = arith.constant 48 : index
        %get3A_387 = tpu.vector_load %arg12[%get3A_385, %get3A_386] {strides = array<i32>} : memref<256x64xf32, #tpu.memory_space<vmem>>, vector<1x16xf32>,
        %get3A_388 = vector.shape_cast %get3A_387 : vector<1x16xf32> to vector<16xf32>
        %mul3A_389 = arith.constant 8.000000e+00 : f32
        %mul3A_390 = vector.broadcast %mul3A_389 : f32 to vector<16xf32>
        %mul3A_391 = arith.mulf %get3A_388, %mul3A_390 : vector<16xf32>
        %swap3A_392 = arith.index_cast %add3A_350 : i32 to index
        %swap3A_393 = arith.constant 48 : index
        %swap3A_394 = tpu.vector_load %arg12[%swap3A_392, %swap3A_393] {strides = array<i32>} : memref<256x64xf32, #tpu.memory_space<vmem>>, vector<1x16xf32>,
        %swap3A_395 = vector.shape_cast %swap3A_394 : vector<1x16xf32> to vector<16xf32>
        %swap3A_396 = vector.shape_cast %mul3A_391 : vector<16xf32> to vector<1x16xf32>
        tpu.vector_store %arg12[%swap3A_392, %swap3A_393], %swap3A_396 {strides = array<i32>} : memref<256x64xf32, #tpu.memory_space<vmem>>, vector<1x16xf32>,
        %mul3A_397 = arith.constant 4 : i32
        %mul3A_398 = arith.muli %scan3A_346, %mul3A_397 : i32
        %add3A_399 = arith.constant 1 : i32
        %add3A_400 = arith.addi %mul3A_398, %add3A_399 : i32
        %get3A_401 = arith.index_cast %add3A_400 : i32 to index
        %get3A_402 = arith.constant 0 : index
        %get3A_403 = tpu.vector_load %arg12[%get3A_401, %get3A_402] {strides = array<i32>} : memref<256x64xf32, #tpu.memory_space<vmem>>, vector<1x16xf32>,
        %get3A_404 = vector.shape_cast %get3A_403 : vector<1x16xf32> to vector<16xf32>
        %mul3A_405 = arith.constant 8.000000e+00 : f32
        %mul3A_406 = vector.broadcast %mul3A_405 : f32 to vector<16xf32>
        %mul3A_407 = arith.mulf %get3A_404, %mul3A_406 : vector<16xf32>
        %swap3A_408 = arith.index_cast %add3A_400 : i32 to index
        %swap3A_409 = arith.constant 0 : index
        %swap3A_410 = tpu.vector_load %arg12[%swap3A_408, %swap3A_409] {strides = array<i32>} : memref<256x64xf32, #tpu.memory_space<vmem>>, vector<1x16xf32>,
        %swap3A_411 = vector.shape_cast %swap3A_410 : vector<1x16xf32> to vector<16xf32>
        %swap3A_412 = vector.shape_cast %mul3A_407 : vector<16xf32> to vector<1x16xf32>
        tpu.vector_store %arg12[%swap3A_408, %swap3A_409], %swap3A_412 {strides = array<i32>} : memref<256x64xf32, #tpu.memory_space<vmem>>, vector<1x16xf32>,
        %get3A_413 = arith.index_cast %add3A_400 : i32 to index
        %get3A_414 = arith.constant 16 : index
        %get3A_415 = tpu.vector_load %arg12[%get3A_413, %get3A_414] {strides = array<i32>} : memref<256x64xf32, #tpu.memory_space<vmem>>, vector<1x16xf32>,
        %get3A_416 = vector.shape_cast %get3A_415 : vector<1x16xf32> to vector<16xf32>
        %mul3A_417 = arith.constant 8.000000e+00 : f32
        %mul3A_418 = vector.broadcast %mul3A_417 : f32 to vector<16xf32>
        %mul3A_419 = arith.mulf %get3A_416, %mul3A_418 : vector<16xf32>
        %swap3A_420 = arith.index_cast %add3A_400 : i32 to index
        %swap3A_421 = arith.constant 16 : index
        %swap3A_422 = tpu.vector_load %arg12[%swap3A_420, %swap3A_421] {strides = array<i32>} : memref<256x64xf32, #tpu.memory_space<vmem>>, vector<1x16xf32>,
        %swap3A_423 = vector.shape_cast %swap3A_422 : vector<1x16xf32> to vector<16xf32>
        %swap3A_424 = vector.shape_cast %mul3A_419 : vector<16xf32> to vector<1x16xf32>
        tpu.vector_store %arg12[%swap3A_420, %swap3A_421], %swap3A_424 {strides = array<i32>} : memref<256x64xf32, #tpu.memory_space<vmem>>, vector<1x16xf32>,
        %get3A_425 = arith.index_cast %add3A_400 : i32 to index
        %get3A_426 = arith.constant 32 : index
        %get3A_427 = tpu.vector_load %arg12[%get3A_425, %get3A_426] {strides = array<i32>} : memref<256x64xf32, #tpu.memory_space<vmem>>, vector<1x16xf32>,
        %get3A_428 = vector.shape_cast %get3A_427 : vector<1x16xf32> to vector<16xf32>
        %mul3A_429 = arith.constant 8.000000e+00 : f32
        %mul3A_430 = vector.broadcast %mul3A_429 : f32 to vector<16xf32>
        %mul3A_431 = arith.mulf %get3A_428, %mul3A_430 : vector<16xf32>
        %swap3A_432 = arith.index_cast %add3A_400 : i32 to index
        %swap3A_433 = arith.constant 32 : index
        %swap3A_434 = tpu.vector_load %arg12[%swap3A_432, %swap3A_433] {strides = array<i32>} : memref<256x64xf32, #tpu.memory_space<vmem>>, vector<1x16xf32>,
        %swap3A_435 = vector.shape_cast %swap3A_434 : vector<1x16xf32> to vector<16xf32>
        %swap3A_436 = vector.shape_cast %mul3A_431 : vector<16xf32> to vector<1x16xf32>
        tpu.vector_store %arg12[%swap3A_432, %swap3A_433], %swap3A_436 {strides = array<i32>} : memref<256x64xf32, #tpu.memory_space<vmem>>, vector<1x16xf32>,
        %get3A_437 = arith.index_cast %add3A_400 : i32 to index
        %get3A_438 = arith.constant 48 : index
        %get3A_439 = tpu.vector_load %arg12[%get3A_437, %get3A_438] {strides = array<i32>} : memref<256x64xf32, #tpu.memory_space<vmem>>, vector<1x16xf32>,
        %get3A_440 = vector.shape_cast %get3A_439 : vector<1x16xf32> to vector<16xf32>
        %mul3A_441 = arith.constant 8.000000e+00 : f32
        %mul3A_442 = vector.broadcast %mul3A_441 : f32 to vector<16xf32>
        %mul3A_443 = arith.mulf %get3A_440, %mul3A_442 : vector<16xf32>
        %swap3A_444 = arith.index_cast %add3A_400 : i32 to index
        %swap3A_445 = arith.constant 48 : index
        %swap3A_446 = tpu.vector_load %arg12[%swap3A_444, %swap3A_445] {strides = array<i32>} : memref<256x64xf32, #tpu.memory_space<vmem>>, vector<1x16xf32>,
        %swap3A_447 = vector.shape_cast %swap3A_446 : vector<1x16xf32> to vector<16xf32>
        %swap3A_448 = vector.shape_cast %mul3A_443 : vector<16xf32> to vector<1x16xf32>
        tpu.vector_store %arg12[%swap3A_444, %swap3A_445], %swap3A_448 {strides = array<i32>} : memref<256x64xf32, #tpu.memory_space<vmem>>, vector<1x16xf32>,
        %mul3A_449 = arith.constant 4 : i32
        %mul3A_450 = arith.muli %scan3A_346, %mul3A_449 : i32
        %add3A_451 = arith.constant 2 : i32
        %add3A_452 = arith.addi %mul3A_450, %add3A_451 : i32
        %get3A_453 = arith.index_cast %add3A_452 : i32 to index
        %get3A_454 = arith.constant 0 : index
        %get3A_455 = tpu.vector_load %arg12[%get3A_453, %get3A_454] {strides = array<i32>} : memref<256x64xf32, #tpu.memory_space<vmem>>, vector<1x16xf32>,
        %get3A_456 = vector.shape_cast %get3A_455 : vector<1x16xf32> to vector<16xf32>
        %mul3A_457 = arith.constant 8.000000e+00 : f32
        %mul3A_458 = vector.broadcast %mul3A_457 : f32 to vector<16xf32>
        %mul3A_459 = arith.mulf %get3A_456, %mul3A_458 : vector<16xf32>
        %swap3A_460 = arith.index_cast %add3A_452 : i32 to index
        %swap3A_461 = arith.constant 0 : index
        %swap3A_462 = tpu.vector_load %arg12[%swap3A_460, %swap3A_461] {strides = array<i32>} : memref<256x64xf32, #tpu.memory_space<vmem>>, vector<1x16xf32>,
        %swap3A_463 = vector.shape_cast %swap3A_462 : vector<1x16xf32> to vector<16xf32>
        %swap3A_464 = vector.shape_cast %mul3A_459 : vector<16xf32> to vector<1x16xf32>
        tpu.vector_store %arg12[%swap3A_460, %swap3A_461], %swap3A_464 {strides = array<i32>} : memref<256x64xf32, #tpu.memory_space<vmem>>, vector<1x16xf32>,
        %get3A_465 = arith.index_cast %add3A_452 : i32 to index
        %get3A_466 = arith.constant 16 : index
        %get3A_467 = tpu.vector_load %arg12[%get3A_465, %get3A_466] {strides = array<i32>} : memref<256x64xf32, #tpu.memory_space<vmem>>, vector<1x16xf32>,
        %get3A_468 = vector.shape_cast %get3A_467 : vector<1x16xf32> to vector<16xf32>
        %mul3A_469 = arith.constant 8.000000e+00 : f32
        %mul3A_470 = vector.broadcast %mul3A_469 : f32 to vector<16xf32>
        %mul3A_471 = arith.mulf %get3A_468, %mul3A_470 : vector<16xf32>
        %swap3A_472 = arith.index_cast %add3A_452 : i32 to index
        %swap3A_473 = arith.constant 16 : index
        %swap3A_474 = tpu.vector_load %arg12[%swap3A_472, %swap3A_473] {strides = array<i32>} : memref<256x64xf32, #tpu.memory_space<vmem>>, vector<1x16xf32>,
        %swap3A_475 = vector.shape_cast %swap3A_474 : vector<1x16xf32> to vector<16xf32>
        %swap3A_476 = vector.shape_cast %mul3A_471 : vector<16xf32> to vector<1x16xf32>
        tpu.vector_store %arg12[%swap3A_472, %swap3A_473], %swap3A_476 {strides = array<i32>} : memref<256x64xf32, #tpu.memory_space<vmem>>, vector<1x16xf32>,
        %get3A_477 = arith.index_cast %add3A_452 : i32 to index
        %get3A_478 = arith.constant 32 : index
        %get3A_479 = tpu.vector_load %arg12[%get3A_477, %get3A_478] {strides = array<i32>} : memref<256x64xf32, #tpu.memory_space<vmem>>, vector<1x16xf32>,
        %get3A_480 = vector.shape_cast %get3A_479 : vector<1x16xf32> to vector<16xf32>
        %mul3A_481 = arith.constant 8.000000e+00 : f32
        %mul3A_482 = vector.broadcast %mul3A_481 : f32 to vector<16xf32>
        %mul3A_483 = arith.mulf %get3A_480, %mul3A_482 : vector<16xf32>
        %swap3A_484 = arith.index_cast %add3A_452 : i32 to index
        %swap3A_485 = arith.constant 32 : index
        %swap3A_486 = tpu.vector_load %arg12[%swap3A_484, %swap3A_485] {strides = array<i32>} : memref<256x64xf32, #tpu.memory_space<vmem>>, vector<1x16xf32>,
        %swap3A_487 = vector.shape_cast %swap3A_486 : vector<1x16xf32> to vector<16xf32>
        %swap3A_488 = vector.shape_cast %mul3A_483 : vector<16xf32> to vector<1x16xf32>
        tpu.vector_store %arg12[%swap3A_484, %swap3A_485], %swap3A_488 {strides = array<i32>} : memref<256x64xf32, #tpu.memory_space<vmem>>, vector<1x16xf32>,
        %get3A_489 = arith.index_cast %add3A_452 : i32 to index
        %get3A_490 = arith.constant 48 : index
        %get3A_491 = tpu.vector_load %arg12[%get3A_489, %get3A_490] {strides = array<i32>} : memref<256x64xf32, #tpu.memory_space<vmem>>, vector<1x16xf32>,
        %get3A_492 = vector.shape_cast %get3A_491 : vector<1x16xf32> to vector<16xf32>
        %mul3A_493 = arith.constant 8.000000e+00 : f32
        %mul3A_494 = vector.broadcast %mul3A_493 : f32 to vector<16xf32>
        %mul3A_495 = arith.mulf %get3A_492, %mul3A_494 : vector<16xf32>
        %swap3A_496 = arith.index_cast %add3A_452 : i32 to index
        %swap3A_497 = arith.constant 48 : index
        %swap3A_498 = tpu.vector_load %arg12[%swap3A_496, %swap3A_497] {strides = array<i32>} : memref<256x64xf32, #tpu.memory_space<vmem>>, vector<1x16xf32>,
        %swap3A_499 = vector.shape_cast %swap3A_498 : vector<1x16xf32> to vector<16xf32>
        %swap3A_500 = vector.shape_cast %mul3A_495 : vector<16xf32> to vector<1x16xf32>
        tpu.vector_store %arg12[%swap3A_496, %swap3A_497], %swap3A_500 {strides = array<i32>} : memref<256x64xf32, #tpu.memory_space<vmem>>, vector<1x16xf32>,
        %mul3A_501 = arith.constant 4 : i32
        %mul3A_502 = arith.muli %scan3A_346, %mul3A_501 : i32
        %add3A_503 = arith.constant 3 : i32
        %add3A_504 = arith.addi %mul3A_502, %add3A_503 : i32
        %get3A_505 = arith.index_cast %add3A_504 : i32 to index
        %get3A_506 = arith.constant 0 : index
        %get3A_507 = tpu.vector_load %arg12[%get3A_505, %get3A_506] {strides = array<i32>} : memref<256x64xf32, #tpu.memory_space<vmem>>, vector<1x16xf32>,
        %get3A_508 = vector.shape_cast %get3A_507 : vector<1x16xf32> to vector<16xf32>
        %mul3A_509 = arith.constant 8.000000e+00 : f32
        %mul3A_510 = vector.broadcast %mul3A_509 : f32 to vector<16xf32>
        %mul3A_511 = arith.mulf %get3A_508, %mul3A_510 : vector<16xf32>
        %swap3A_512 = arith.index_cast %add3A_504 : i32 to index
        %swap3A_513 = arith.constant 0 : index
        %swap3A_514 = tpu.vector_load %arg12[%swap3A_512, %swap3A_513] {strides = array<i32>} : memref<256x64xf32, #tpu.memory_space<vmem>>, vector<1x16xf32>,
        %swap3A_515 = vector.shape_cast %swap3A_514 : vector<1x16xf32> to vector<16xf32>
        %swap3A_516 = vector.shape_cast %mul3A_511 : vector<16xf32> to vector<1x16xf32>
        tpu.vector_store %arg12[%swap3A_512, %swap3A_513], %swap3A_516 {strides = array<i32>} : memref<256x64xf32, #tpu.memory_space<vmem>>, vector<1x16xf32>,
        %get3A_517 = arith.index_cast %add3A_504 : i32 to index
        %get3A_518 = arith.constant 16 : index
        %get3A_519 = tpu.vector_load %arg12[%get3A_517, %get3A_518] {strides = array<i32>} : memref<256x64xf32, #tpu.memory_space<vmem>>, vector<1x16xf32>,
        %get3A_520 = vector.shape_cast %get3A_519 : vector<1x16xf32> to vector<16xf32>
        %mul3A_521 = arith.constant 8.000000e+00 : f32
        %mul3A_522 = vector.broadcast %mul3A_521 : f32 to vector<16xf32>
        %mul3A_523 = arith.mulf %get3A_520, %mul3A_522 : vector<16xf32>
        %swap3A_524 = arith.index_cast %add3A_504 : i32 to index
        %swap3A_525 = arith.constant 16 : index
        %swap3A_526 = tpu.vector_load %arg12[%swap3A_524, %swap3A_525] {strides = array<i32>} : memref<256x64xf32, #tpu.memory_space<vmem>>, vector<1x16xf32>,
        %swap3A_527 = vector.shape_cast %swap3A_526 : vector<1x16xf32> to vector<16xf32>
        %swap3A_528 = vector.shape_cast %mul3A_523 : vector<16xf32> to vector<1x16xf32>
        tpu.vector_store %arg12[%swap3A_524, %swap3A_525], %swap3A_528 {strides = array<i32>} : memref<256x64xf32, #tpu.memory_space<vmem>>, vector<1x16xf32>,
        %get3A_529 = arith.index_cast %add3A_504 : i32 to index
        %get3A_530 = arith.constant 32 : index
        %get3A_531 = tpu.vector_load %arg12[%get3A_529, %get3A_530] {strides = array<i32>} : memref<256x64xf32, #tpu.memory_space<vmem>>, vector<1x16xf32>,
        %get3A_532 = vector.shape_cast %get3A_531 : vector<1x16xf32> to vector<16xf32>
        %mul3A_533 = arith.constant 8.000000e+00 : f32
        %mul3A_534 = vector.broadcast %mul3A_533 : f32 to vector<16xf32>
        %mul3A_535 = arith.mulf %get3A_532, %mul3A_534 : vector<16xf32>
        %swap3A_536 = arith.index_cast %add3A_504 : i32 to index
        %swap3A_537 = arith.constant 32 : index
        %swap3A_538 = tpu.vector_load %arg12[%swap3A_536, %swap3A_537] {strides = array<i32>} : memref<256x64xf32, #tpu.memory_space<vmem>>, vector<1x16xf32>,
        %swap3A_539 = vector.shape_cast %swap3A_538 : vector<1x16xf32> to vector<16xf32>
        %swap3A_540 = vector.shape_cast %mul3A_535 : vector<16xf32> to vector<1x16xf32>
        tpu.vector_store %arg12[%swap3A_536, %swap3A_537], %swap3A_540 {strides = array<i32>} : memref<256x64xf32, #tpu.memory_space<vmem>>, vector<1x16xf32>,
        %get3A_541 = arith.index_cast %add3A_504 : i32 to index
        %get3A_542 = arith.constant 48 : index
        %get3A_543 = tpu.vector_load %arg12[%get3A_541, %get3A_542] {strides = array<i32>} : memref<256x64xf32, #tpu.memory_space<vmem>>, vector<1x16xf32>,
        %get3A_544 = vector.shape_cast %get3A_543 : vector<1x16xf32> to vector<16xf32>
        %mul3A_545 = arith.constant 8.000000e+00 : f32
        %mul3A_546 = vector.broadcast %mul3A_545 : f32 to vector<16xf32>
        %mul3A_547 = arith.mulf %get3A_544, %mul3A_546 : vector<16xf32>
        %swap3A_548 = arith.index_cast %add3A_504 : i32 to index
        %swap3A_549 = arith.constant 48 : index
        %swap3A_550 = tpu.vector_load %arg12[%swap3A_548, %swap3A_549] {strides = array<i32>} : memref<256x64xf32, #tpu.memory_space<vmem>>, vector<1x16xf32>,
        %swap3A_551 = vector.shape_cast %swap3A_550 : vector<1x16xf32> to vector<16xf32>
        %swap3A_552 = vector.shape_cast %mul3A_547 : vector<16xf32> to vector<1x16xf32>
        tpu.vector_store %arg12[%swap3A_548, %swap3A_549], %swap3A_552 {strides = array<i32>} : memref<256x64xf32, #tpu.memory_space<vmem>>, vector<1x16xf32>,
      }
      %scan3A_241 = arith.constant 64 : i32
      %mul3A_242 = arith.constant 256 : i32
      %mul3A_243 = arith.muli %add3A_204, %mul3A_242 : i32
      %dma_start3A_244 = tpu.memref_slice %arg8[%mul3A_243] : memref<25600xi32, #tpu.memory_space<vmem>> -> memref<256xi32, #tpu.memory_space<vmem>>
      %dma_start3A_245 = arith.constant 0 : i32
      %dma_start3A_246 = arith.constant 0 : i32
      %dma_start3A_247 = tpu.memref_slice %arg3[%dma_start3A_245, %dma_start3A_246] : memref<6400x64xf32, #tpu.memory_space<hbm>> -> memref<6400x64xf32, #tpu.memory_space<hbm>>
      tpu.enqueue_indirect_dma source(%dma_start3A_247 : memref<6400x64xf32, #tpu.memory_space<hbm>>) target(%arg12 : memref<256x64xf32, #tpu.memory_space<vmem>>) offsets(%dma_start3A_244 : memref<256xi32, #tpu.memory_space<vmem>>) semaphore(%arg23 : memref<!tpu.dma_semaphore, #tpu.memory_space<semaphore_mem>>) {add = true}
      %mul3A_248 = arith.constant 4 : i32
      %mul3A_249 = arith.muli %mul3A_248, %scan3A_150 : i32
      %add3A_250 = arith.constant 2 : i32
      %add3A_251 = arith.addi %add3A_250, %mul3A_249 : i32
      %add3A_252 = arith.constant 2 : i32
      %add3A_253 = arith.addi %add3A_251, %add3A_252 : i32
      %dma_wait3A_254 = arith.constant 0 : i32
      %dma_wait3A_255 = tpu.memref_slice %arg8[%dma_wait3A_254] : memref<25600xi32, #tpu.memory_space<vmem>> -> memref<256xi32, #tpu.memory_space<vmem>>
      %dma_wait3A_256 = arith.constant 0 : i32
      %dma_wait3A_257 = arith.constant 0 : i32
      %dma_wait3A_258 = tpu.memref_slice %arg3[%dma_wait3A_256, %dma_wait3A_257] : memref<6400x64xf32, #tpu.memory_space<hbm>> -> memref<6400x64xf32, #tpu.memory_space<hbm>>
      tpu.wait_indirect_dma semaphore(%arg23 : memref<!tpu.dma_semaphore, #tpu.memory_space<semaphore_mem>>) src(%dma_wait3A_258 : memref<6400x64xf32, #tpu.memory_space<hbm>>) dst(%arg12 : memref<256x64xf32, #tpu.memory_space<vmem>>)
      %sub3A_259 = arith.constant 1 : i32
      %sub3A_260 = arith.subi %add3A_253, %sub3A_259 : i32
      %mul3A_261 = arith.constant 256 : i32
      %mul3A_262 = arith.muli %sub3A_260, %mul3A_261 : i32
      %add3A_263 = arith.addi %mul3A_2, %mul3A_262 : i32
      %dma_start3A_264 = arith.constant 0 : i32
      %dma_start3A_265 = tpu.memref_slice %arg6[%add3A_263, %dma_start3A_264] : memref<819200x128xf32, #tpu.memory_space<hbm>> -> memref<256x64xf32, #tpu.memory_space<hbm>>
      %dma_start3A_266 = arith.constant 0 : i32
      %dma_start3A_267 = tpu.memref_slice %arg6[%add3A_263, %dma_start3A_266] : memref<819200x128xf32, #tpu.memory_space<hbm>> -> memref<256x64xf32, #tpu.memory_space<hbm>>
      tpu.enqueue_dma source(%arg12 : memref<256x64xf32, #tpu.memory_space<vmem>>) target(%dma_start3A_267 : memref<256x64xf32, #tpu.memory_space<hbm>>) target_semaphore(%arg24 : memref<!tpu.dma_semaphore, #tpu.memory_space<semaphore_mem>>)
      %dma_wait3A_268 = arith.constant 0 : i32
      %dma_wait3A_269 = tpu.memref_slice %arg6[%mul3A_2, %dma_wait3A_268] : memref<819200x128xf32, #tpu.memory_space<hbm>> -> memref<256x64xf32, #tpu.memory_space<hbm>>
      %dma_wait3A_270 = arith.constant 0 : i32
      %dma_wait3A_271 = tpu.memref_slice %arg6[%mul3A_2, %dma_wait3A_270] : memref<819200x128xf32, #tpu.memory_space<hbm>> -> memref<256x64xf32, #tpu.memory_space<hbm>>
      tpu.wait_dma2 semaphore(%arg21 : memref<!tpu.dma_semaphore, #tpu.memory_space<semaphore_mem>>) src(%arg11 : memref<256x64xf32, #tpu.memory_space<vmem>>) dst(%dma_wait3A_271 : memref<256x64xf32, #tpu.memory_space<hbm>>)
      %add3A_272 = arith.constant 2 : i32
      %add3A_273 = arith.addi %add3A_253, %add3A_272 : i32
      %mul3A_274 = arith.constant 256 : i32
      %mul3A_275 = arith.muli %add3A_273, %mul3A_274 : i32
      %dma_start3A_276 = tpu.memref_slice %arg7[%mul3A_275] : memref<25600xi32, #tpu.memory_space<vmem>> -> memref<256xi32, #tpu.memory_space<vmem>>
      %dma_start3A_277 = arith.constant 0 : i32
      %dma_start3A_278 = arith.constant 0 : i32
      %dma_start3A_279 = tpu.memref_slice %arg2[%dma_start3A_277, %dma_start3A_278] : memref<1000000x64xf32, #tpu.memory_space<hbm>> -> memref<1000000x64xf32, #tpu.memory_space<hbm>>
      tpu.enqueue_indirect_dma source(%dma_start3A_279 : memref<1000000x64xf32, #tpu.memory_space<hbm>>) target(%arg11 : memref<256x64xf32, #tpu.memory_space<vmem>>) offsets(%dma_start3A_276 : memref<256xi32, #tpu.memory_space<vmem>>) semaphore(%arg19 : memref<!tpu.dma_semaphore, #tpu.memory_space<semaphore_mem>>)
      %dma_wait3A_280 = arith.constant 0 : i32
      %dma_wait3A_281 = tpu.memref_slice %arg7[%dma_wait3A_280] : memref<25600xi32, #tpu.memory_space<vmem>> -> memref<256xi32, #tpu.memory_space<vmem>>
      %dma_wait3A_282 = arith.constant 0 : i32
      %dma_wait3A_283 = arith.constant 0 : i32
      %dma_wait3A_284 = tpu.memref_slice %arg2[%dma_wait3A_282, %dma_wait3A_283] : memref<1000000x64xf32, #tpu.memory_space<hbm>> -> memref<1000000x64xf32, #tpu.memory_space<hbm>>
      tpu.wait_indirect_dma semaphore(%arg13 : memref<!tpu.dma_semaphore, #tpu.memory_space<semaphore_mem>>) src(%dma_wait3A_284 : memref<1000000x64xf32, #tpu.memory_space<hbm>>) dst(%arg9 : memref<256x64xf32, #tpu.memory_space<vmem>>)
      %scan3A_285 = arith.constant 0 : i32
      %scan3A_286 = arith.constant 0 : i32
      %scan3A_287 = arith.constant 64 : i32
      %scan3A_288 = arith.addi %scan3A_286, %scan3A_287 : i32
      %scan3A_289 = arith.constant 1 : i32
      scf.for %scan3A_346 = %scan3A_286 to %scan3A_288 step %scan3A_289  : i32 {
        %mul3A_347 = arith.constant 4 : i32
        %mul3A_348 = arith.muli %scan3A_346, %mul3A_347 : i32
        %add3A_349 = arith.constant 0 : i32
        %add3A_350 = arith.addi %mul3A_348, %add3A_349 : i32
        %get3A = arith.index_cast %add3A_350 : i32 to index
        %get3A_351 = arith.constant 0 : index
        %get3A_352 = tpu.vector_load %arg9[%get3A, %get3A_351] {strides = array<i32>} : memref<256x64xf32, #tpu.memory_space<vmem>>, vector<1x16xf32>,
        %get3A_353 = vector.shape_cast %get3A_352 : vector<1x16xf32> to vector<16xf32>
        %mul3A_354 = arith.constant 8.000000e+00 : f32
        %mul3A_355 = vector.broadcast %mul3A_354 : f32 to vector<16xf32>
        %mul3A_356 = arith.mulf %get3A_353, %mul3A_355 : vector<16xf32>
        %swap3A = arith.index_cast %add3A_350 : i32 to index
        %swap3A_357 = arith.constant 0 : index
        %swap3A_358 = tpu.vector_load %arg9[%swap3A, %swap3A_357] {strides = array<i32>} : memref<256x64xf32, #tpu.memory_space<vmem>>, vector<1x16xf32>,
        %swap3A_359 = vector.shape_cast %swap3A_358 : vector<1x16xf32> to vector<16xf32>
        %swap3A_360 = vector.shape_cast %mul3A_356 : vector<16xf32> to vector<1x16xf32>
        tpu.vector_store %arg9[%swap3A, %swap3A_357], %swap3A_360 {strides = array<i32>} : memref<256x64xf32, #tpu.memory_space<vmem>>, vector<1x16xf32>,
        %get3A_361 = arith.index_cast %add3A_350 : i32 to index
        %get3A_362 = arith.constant 16 : index
        %get3A_363 = tpu.vector_load %arg9[%get3A_361, %get3A_362] {strides = array<i32>} : memref<256x64xf32, #tpu.memory_space<vmem>>, vector<1x16xf32>,
        %get3A_364 = vector.shape_cast %get3A_363 : vector<1x16xf32> to vector<16xf32>
        %mul3A_365 = arith.constant 8.000000e+00 : f32
        %mul3A_366 = vector.broadcast %mul3A_365 : f32 to vector<16xf32>
        %mul3A_367 = arith.mulf %get3A_364, %mul3A_366 : vector<16xf32>
        %swap3A_368 = arith.index_cast %add3A_350 : i32 to index
        %swap3A_369 = arith.constant 16 : index
        %swap3A_370 = tpu.vector_load %arg9[%swap3A_368, %swap3A_369] {strides = array<i32>} : memref<256x64xf32, #tpu.memory_space<vmem>>, vector<1x16xf32>,
        %swap3A_371 = vector.shape_cast %swap3A_370 : vector<1x16xf32> to vector<16xf32>
        %swap3A_372 = vector.shape_cast %mul3A_367 : vector<16xf32> to vector<1x16xf32>
        tpu.vector_store %arg9[%swap3A_368, %swap3A_369], %swap3A_372 {strides = array<i32>} : memref<256x64xf32, #tpu.memory_space<vmem>>, vector<1x16xf32>,
        %get3A_373 = arith.index_cast %add3A_350 : i32 to index
        %get3A_374 = arith.constant 32 : index
        %get3A_375 = tpu.vector_load %arg9[%get3A_373, %get3A_374] {strides = array<i32>} : memref<256x64xf32, #tpu.memory_space<vmem>>, vector<1x16xf32>,
        %get3A_376 = vector.shape_cast %get3A_375 : vector<1x16xf32> to vector<16xf32>
        %mul3A_377 = arith.constant 8.000000e+00 : f32
        %mul3A_378 = vector.broadcast %mul3A_377 : f32 to vector<16xf32>
        %mul3A_379 = arith.mulf %get3A_376, %mul3A_378 : vector<16xf32>
        %swap3A_380 = arith.index_cast %add3A_350 : i32 to index
        %swap3A_381 = arith.constant 32 : index
        %swap3A_382 = tpu.vector_load %arg9[%swap3A_380, %swap3A_381] {strides = array<i32>} : memref<256x64xf32, #tpu.memory_space<vmem>>, vector<1x16xf32>,
        %swap3A_383 = vector.shape_cast %swap3A_382 : vector<1x16xf32> to vector<16xf32>
        %swap3A_384 = vector.shape_cast %mul3A_379 : vector<16xf32> to vector<1x16xf32>
        tpu.vector_store %arg9[%swap3A_380, %swap3A_381], %swap3A_384 {strides = array<i32>} : memref<256x64xf32, #tpu.memory_space<vmem>>, vector<1x16xf32>,
        %get3A_385 = arith.index_cast %add3A_350 : i32 to index
        %get3A_386 = arith.constant 48 : index
        %get3A_387 = tpu.vector_load %arg9[%get3A_385, %get3A_386] {strides = array<i32>} : memref<256x64xf32, #tpu.memory_space<vmem>>, vector<1x16xf32>,
        %get3A_388 = vector.shape_cast %get3A_387 : vector<1x16xf32> to vector<16xf32>
        %mul3A_389 = arith.constant 8.000000e+00 : f32
        %mul3A_390 = vector.broadcast %mul3A_389 : f32 to vector<16xf32>
        %mul3A_391 = arith.mulf %get3A_388, %mul3A_390 : vector<16xf32>
        %swap3A_392 = arith.index_cast %add3A_350 : i32 to index
        %swap3A_393 = arith.constant 48 : index
        %swap3A_394 = tpu.vector_load %arg9[%swap3A_392, %swap3A_393] {strides = array<i32>} : memref<256x64xf32, #tpu.memory_space<vmem>>, vector<1x16xf32>,
        %swap3A_395 = vector.shape_cast %swap3A_394 : vector<1x16xf32> to vector<16xf32>
        %swap3A_396 = vector.shape_cast %mul3A_391 : vector<16xf32> to vector<1x16xf32>
        tpu.vector_store %arg9[%swap3A_392, %swap3A_393], %swap3A_396 {strides = array<i32>} : memref<256x64xf32, #tpu.memory_space<vmem>>, vector<1x16xf32>,
        %mul3A_397 = arith.constant 4 : i32
        %mul3A_398 = arith.muli %scan3A_346, %mul3A_397 : i32
        %add3A_399 = arith.constant 1 : i32
        %add3A_400 = arith.addi %mul3A_398, %add3A_399 : i32
        %get3A_401 = arith.index_cast %add3A_400 : i32 to index
        %get3A_402 = arith.constant 0 : index
        %get3A_403 = tpu.vector_load %arg9[%get3A_401, %get3A_402] {strides = array<i32>} : memref<256x64xf32, #tpu.memory_space<vmem>>, vector<1x16xf32>,
        %get3A_404 = vector.shape_cast %get3A_403 : vector<1x16xf32> to vector<16xf32>
        %mul3A_405 = arith.constant 8.000000e+00 : f32
        %mul3A_406 = vector.broadcast %mul3A_405 : f32 to vector<16xf32>
        %mul3A_407 = arith.mulf %get3A_404, %mul3A_406 : vector<16xf32>
        %swap3A_408 = arith.index_cast %add3A_400 : i32 to index
        %swap3A_409 = arith.constant 0 : index
        %swap3A_410 = tpu.vector_load %arg9[%swap3A_408, %swap3A_409] {strides = array<i32>} : memref<256x64xf32, #tpu.memory_space<vmem>>, vector<1x16xf32>,
        %swap3A_411 = vector.shape_cast %swap3A_410 : vector<1x16xf32> to vector<16xf32>
        %swap3A_412 = vector.shape_cast %mul3A_407 : vector<16xf32> to vector<1x16xf32>
        tpu.vector_store %arg9[%swap3A_408, %swap3A_409], %swap3A_412 {strides = array<i32>} : memref<256x64xf32, #tpu.memory_space<vmem>>, vector<1x16xf32>,
        %get3A_413 = arith.index_cast %add3A_400 : i32 to index
        %get3A_414 = arith.constant 16 : index
        %get3A_415 = tpu.vector_load %arg9[%get3A_413, %get3A_414] {strides = array<i32>} : memref<256x64xf32, #tpu.memory_space<vmem>>, vector<1x16xf32>,
        %get3A_416 = vector.shape_cast %get3A_415 : vector<1x16xf32> to vector<16xf32>
        %mul3A_417 = arith.constant 8.000000e+00 : f32
        %mul3A_418 = vector.broadcast %mul3A_417 : f32 to vector<16xf32>
        %mul3A_419 = arith.mulf %get3A_416, %mul3A_418 : vector<16xf32>
        %swap3A_420 = arith.index_cast %add3A_400 : i32 to index
        %swap3A_421 = arith.constant 16 : index
        %swap3A_422 = tpu.vector_load %arg9[%swap3A_420, %swap3A_421] {strides = array<i32>} : memref<256x64xf32, #tpu.memory_space<vmem>>, vector<1x16xf32>,
        %swap3A_423 = vector.shape_cast %swap3A_422 : vector<1x16xf32> to vector<16xf32>
        %swap3A_424 = vector.shape_cast %mul3A_419 : vector<16xf32> to vector<1x16xf32>
        tpu.vector_store %arg9[%swap3A_420, %swap3A_421], %swap3A_424 {strides = array<i32>} : memref<256x64xf32, #tpu.memory_space<vmem>>, vector<1x16xf32>,
        %get3A_425 = arith.index_cast %add3A_400 : i32 to index
        %get3A_426 = arith.constant 32 : index
        %get3A_427 = tpu.vector_load %arg9[%get3A_425, %get3A_426] {strides = array<i32>} : memref<256x64xf32, #tpu.memory_space<vmem>>, vector<1x16xf32>,
        %get3A_428 = vector.shape_cast %get3A_427 : vector<1x16xf32> to vector<16xf32>
        %mul3A_429 = arith.constant 8.000000e+00 : f32
        %mul3A_430 = vector.broadcast %mul3A_429 : f32 to vector<16xf32>
        %mul3A_431 = arith.mulf %get3A_428, %mul3A_430 : vector<16xf32>
        %swap3A_432 = arith.index_cast %add3A_400 : i32 to index
        %swap3A_433 = arith.constant 32 : index
        %swap3A_434 = tpu.vector_load %arg9[%swap3A_432, %swap3A_433] {strides = array<i32>} : memref<256x64xf32, #tpu.memory_space<vmem>>, vector<1x16xf32>,
        %swap3A_435 = vector.shape_cast %swap3A_434 : vector<1x16xf32> to vector<16xf32>
        %swap3A_436 = vector.shape_cast %mul3A_431 : vector<16xf32> to vector<1x16xf32>
        tpu.vector_store %arg9[%swap3A_432, %swap3A_433], %swap3A_436 {strides = array<i32>} : memref<256x64xf32, #tpu.memory_space<vmem>>, vector<1x16xf32>,
        %get3A_437 = arith.index_cast %add3A_400 : i32 to index
        %get3A_438 = arith.constant 48 : index
        %get3A_439 = tpu.vector_load %arg9[%get3A_437, %get3A_438] {strides = array<i32>} : memref<256x64xf32, #tpu.memory_space<vmem>>, vector<1x16xf32>,
        %get3A_440 = vector.shape_cast %get3A_439 : vector<1x16xf32> to vector<16xf32>
        %mul3A_441 = arith.constant 8.000000e+00 : f32
        %mul3A_442 = vector.broadcast %mul3A_441 : f32 to vector<16xf32>
        %mul3A_443 = arith.mulf %get3A_440, %mul3A_442 : vector<16xf32>
        %swap3A_444 = arith.index_cast %add3A_400 : i32 to index
        %swap3A_445 = arith.constant 48 : index
        %swap3A_446 = tpu.vector_load %arg9[%swap3A_444, %swap3A_445] {strides = array<i32>} : memref<256x64xf32, #tpu.memory_space<vmem>>, vector<1x16xf32>,
        %swap3A_447 = vector.shape_cast %swap3A_446 : vector<1x16xf32> to vector<16xf32>
        %swap3A_448 = vector.shape_cast %mul3A_443 : vector<16xf32> to vector<1x16xf32>
        tpu.vector_store %arg9[%swap3A_444, %swap3A_445], %swap3A_448 {strides = array<i32>} : memref<256x64xf32, #tpu.memory_space<vmem>>, vector<1x16xf32>,
        %mul3A_449 = arith.constant 4 : i32
        %mul3A_450 = arith.muli %scan3A_346, %mul3A_449 : i32
        %add3A_451 = arith.constant 2 : i32
        %add3A_452 = arith.addi %mul3A_450, %add3A_451 : i32
        %get3A_453 = arith.index_cast %add3A_452 : i32 to index
        %get3A_454 = arith.constant 0 : index
        %get3A_455 = tpu.vector_load %arg9[%get3A_453, %get3A_454] {strides = array<i32>} : memref<256x64xf32, #tpu.memory_space<vmem>>, vector<1x16xf32>,
        %get3A_456 = vector.shape_cast %get3A_455 : vector<1x16xf32> to vector<16xf32>
        %mul3A_457 = arith.constant 8.000000e+00 : f32
        %mul3A_458 = vector.broadcast %mul3A_457 : f32 to vector<16xf32>
        %mul3A_459 = arith.mulf %get3A_456, %mul3A_458 : vector<16xf32>
        %swap3A_460 = arith.index_cast %add3A_452 : i32 to index
        %swap3A_461 = arith.constant 0 : index
        %swap3A_462 = tpu.vector_load %arg9[%swap3A_460, %swap3A_461] {strides = array<i32>} : memref<256x64xf32, #tpu.memory_space<vmem>>, vector<1x16xf32>,
        %swap3A_463 = vector.shape_cast %swap3A_462 : vector<1x16xf32> to vector<16xf32>
        %swap3A_464 = vector.shape_cast %mul3A_459 : vector<16xf32> to vector<1x16xf32>
        tpu.vector_store %arg9[%swap3A_460, %swap3A_461], %swap3A_464 {strides = array<i32>} : memref<256x64xf32, #tpu.memory_space<vmem>>, vector<1x16xf32>,
        %get3A_465 = arith.index_cast %add3A_452 : i32 to index
        %get3A_466 = arith.constant 16 : index
        %get3A_467 = tpu.vector_load %arg9[%get3A_465, %get3A_466] {strides = array<i32>} : memref<256x64xf32, #tpu.memory_space<vmem>>, vector<1x16xf32>,
        %get3A_468 = vector.shape_cast %get3A_467 : vector<1x16xf32> to vector<16xf32>
        %mul3A_469 = arith.constant 8.000000e+00 : f32
        %mul3A_470 = vector.broadcast %mul3A_469 : f32 to vector<16xf32>
        %mul3A_471 = arith.mulf %get3A_468, %mul3A_470 : vector<16xf32>
        %swap3A_472 = arith.index_cast %add3A_452 : i32 to index
        %swap3A_473 = arith.constant 16 : index
        %swap3A_474 = tpu.vector_load %arg9[%swap3A_472, %swap3A_473] {strides = array<i32>} : memref<256x64xf32, #tpu.memory_space<vmem>>, vector<1x16xf32>,
        %swap3A_475 = vector.shape_cast %swap3A_474 : vector<1x16xf32> to vector<16xf32>
        %swap3A_476 = vector.shape_cast %mul3A_471 : vector<16xf32> to vector<1x16xf32>
        tpu.vector_store %arg9[%swap3A_472, %swap3A_473], %swap3A_476 {strides = array<i32>} : memref<256x64xf32, #tpu.memory_space<vmem>>, vector<1x16xf32>,
        %get3A_477 = arith.index_cast %add3A_452 : i32 to index
        %get3A_478 = arith.constant 32 : index
        %get3A_479 = tpu.vector_load %arg9[%get3A_477, %get3A_478] {strides = array<i32>} : memref<256x64xf32, #tpu.memory_space<vmem>>, vector<1x16xf32>,
        %get3A_480 = vector.shape_cast %get3A_479 : vector<1x16xf32> to vector<16xf32>
        %mul3A_481 = arith.constant 8.000000e+00 : f32
        %mul3A_482 = vector.broadcast %mul3A_481 : f32 to vector<16xf32>
        %mul3A_483 = arith.mulf %get3A_480, %mul3A_482 : vector<16xf32>
        %swap3A_484 = arith.index_cast %add3A_452 : i32 to index
        %swap3A_485 = arith.constant 32 : index
        %swap3A_486 = tpu.vector_load %arg9[%swap3A_484, %swap3A_485] {strides = array<i32>} : memref<256x64xf32, #tpu.memory_space<vmem>>, vector<1x16xf32>,
        %swap3A_487 = vector.shape_cast %swap3A_486 : vector<1x16xf32> to vector<16xf32>
        %swap3A_488 = vector.shape_cast %mul3A_483 : vector<16xf32> to vector<1x16xf32>
        tpu.vector_store %arg9[%swap3A_484, %swap3A_485], %swap3A_488 {strides = array<i32>} : memref<256x64xf32, #tpu.memory_space<vmem>>, vector<1x16xf32>,
        %get3A_489 = arith.index_cast %add3A_452 : i32 to index
        %get3A_490 = arith.constant 48 : index
        %get3A_491 = tpu.vector_load %arg9[%get3A_489, %get3A_490] {strides = array<i32>} : memref<256x64xf32, #tpu.memory_space<vmem>>, vector<1x16xf32>,
        %get3A_492 = vector.shape_cast %get3A_491 : vector<1x16xf32> to vector<16xf32>
        %mul3A_493 = arith.constant 8.000000e+00 : f32
        %mul3A_494 = vector.broadcast %mul3A_493 : f32 to vector<16xf32>
        %mul3A_495 = arith.mulf %get3A_492, %mul3A_494 : vector<16xf32>
        %swap3A_496 = arith.index_cast %add3A_452 : i32 to index
        %swap3A_497 = arith.constant 48 : index
        %swap3A_498 = tpu.vector_load %arg9[%swap3A_496, %swap3A_497] {strides = array<i32>} : memref<256x64xf32, #tpu.memory_space<vmem>>, vector<1x16xf32>,
        %swap3A_499 = vector.shape_cast %swap3A_498 : vector<1x16xf32> to vector<16xf32>
        %swap3A_500 = vector.shape_cast %mul3A_495 : vector<16xf32> to vector<1x16xf32>
        tpu.vector_store %arg9[%swap3A_496, %swap3A_497], %swap3A_500 {strides = array<i32>} : memref<256x64xf32, #tpu.memory_space<vmem>>, vector<1x16xf32>,
        %mul3A_501 = arith.constant 4 : i32
        %mul3A_502 = arith.muli %scan3A_346, %mul3A_501 : i32
        %add3A_503 = arith.constant 3 : i32
        %add3A_504 = arith.addi %mul3A_502, %add3A_503 : i32
        %get3A_505 = arith.index_cast %add3A_504 : i32 to index
        %get3A_506 = arith.constant 0 : index
        %get3A_507 = tpu.vector_load %arg9[%get3A_505, %get3A_506] {strides = array<i32>} : memref<256x64xf32, #tpu.memory_space<vmem>>, vector<1x16xf32>,
        %get3A_508 = vector.shape_cast %get3A_507 : vector<1x16xf32> to vector<16xf32>
        %mul3A_509 = arith.constant 8.000000e+00 : f32
        %mul3A_510 = vector.broadcast %mul3A_509 : f32 to vector<16xf32>
        %mul3A_511 = arith.mulf %get3A_508, %mul3A_510 : vector<16xf32>
        %swap3A_512 = arith.index_cast %add3A_504 : i32 to index
        %swap3A_513 = arith.constant 0 : index
        %swap3A_514 = tpu.vector_load %arg9[%swap3A_512, %swap3A_513] {strides = array<i32>} : memref<256x64xf32, #tpu.memory_space<vmem>>, vector<1x16xf32>,
        %swap3A_515 = vector.shape_cast %swap3A_514 : vector<1x16xf32> to vector<16xf32>
        %swap3A_516 = vector.shape_cast %mul3A_511 : vector<16xf32> to vector<1x16xf32>
        tpu.vector_store %arg9[%swap3A_512, %swap3A_513], %swap3A_516 {strides = array<i32>} : memref<256x64xf32, #tpu.memory_space<vmem>>, vector<1x16xf32>,
        %get3A_517 = arith.index_cast %add3A_504 : i32 to index
        %get3A_518 = arith.constant 16 : index
        %get3A_519 = tpu.vector_load %arg9[%get3A_517, %get3A_518] {strides = array<i32>} : memref<256x64xf32, #tpu.memory_space<vmem>>, vector<1x16xf32>,
        %get3A_520 = vector.shape_cast %get3A_519 : vector<1x16xf32> to vector<16xf32>
        %mul3A_521 = arith.constant 8.000000e+00 : f32
        %mul3A_522 = vector.broadcast %mul3A_521 : f32 to vector<16xf32>
        %mul3A_523 = arith.mulf %get3A_520, %mul3A_522 : vector<16xf32>
        %swap3A_524 = arith.index_cast %add3A_504 : i32 to index
        %swap3A_525 = arith.constant 16 : index
        %swap3A_526 = tpu.vector_load %arg9[%swap3A_524, %swap3A_525] {strides = array<i32>} : memref<256x64xf32, #tpu.memory_space<vmem>>, vector<1x16xf32>,
        %swap3A_527 = vector.shape_cast %swap3A_526 : vector<1x16xf32> to vector<16xf32>
        %swap3A_528 = vector.shape_cast %mul3A_523 : vector<16xf32> to vector<1x16xf32>
        tpu.vector_store %arg9[%swap3A_524, %swap3A_525], %swap3A_528 {strides = array<i32>} : memref<256x64xf32, #tpu.memory_space<vmem>>, vector<1x16xf32>,
        %get3A_529 = arith.index_cast %add3A_504 : i32 to index
        %get3A_530 = arith.constant 32 : index
        %get3A_531 = tpu.vector_load %arg9[%get3A_529, %get3A_530] {strides = array<i32>} : memref<256x64xf32, #tpu.memory_space<vmem>>, vector<1x16xf32>,
        %get3A_532 = vector.shape_cast %get3A_531 : vector<1x16xf32> to vector<16xf32>
        %mul3A_533 = arith.constant 8.000000e+00 : f32
        %mul3A_534 = vector.broadcast %mul3A_533 : f32 to vector<16xf32>
        %mul3A_535 = arith.mulf %get3A_532, %mul3A_534 : vector<16xf32>
        %swap3A_536 = arith.index_cast %add3A_504 : i32 to index
        %swap3A_537 = arith.constant 32 : index
        %swap3A_538 = tpu.vector_load %arg9[%swap3A_536, %swap3A_537] {strides = array<i32>} : memref<256x64xf32, #tpu.memory_space<vmem>>, vector<1x16xf32>,
        %swap3A_539 = vector.shape_cast %swap3A_538 : vector<1x16xf32> to vector<16xf32>
        %swap3A_540 = vector.shape_cast %mul3A_535 : vector<16xf32> to vector<1x16xf32>
        tpu.vector_store %arg9[%swap3A_536, %swap3A_537], %swap3A_540 {strides = array<i32>} : memref<256x64xf32, #tpu.memory_space<vmem>>, vector<1x16xf32>,
        %get3A_541 = arith.index_cast %add3A_504 : i32 to index
        %get3A_542 = arith.constant 48 : index
        %get3A_543 = tpu.vector_load %arg9[%get3A_541, %get3A_542] {strides = array<i32>} : memref<256x64xf32, #tpu.memory_space<vmem>>, vector<1x16xf32>,
        %get3A_544 = vector.shape_cast %get3A_543 : vector<1x16xf32> to vector<16xf32>
        %mul3A_545 = arith.constant 8.000000e+00 : f32
        %mul3A_546 = vector.broadcast %mul3A_545 : f32 to vector<16xf32>
        %mul3A_547 = arith.mulf %get3A_544, %mul3A_546 : vector<16xf32>
        %swap3A_548 = arith.index_cast %add3A_504 : i32 to index
        %swap3A_549 = arith.constant 48 : index
        %swap3A_550 = tpu.vector_load %arg9[%swap3A_548, %swap3A_549] {strides = array<i32>} : memref<256x64xf32, #tpu.memory_space<vmem>>, vector<1x16xf32>,
        %swap3A_551 = vector.shape_cast %swap3A_550 : vector<1x16xf32> to vector<16xf32>
        %swap3A_552 = vector.shape_cast %mul3A_547 : vector<16xf32> to vector<1x16xf32>
        tpu.vector_store %arg9[%swap3A_548, %swap3A_549], %swap3A_552 {strides = array<i32>} : memref<256x64xf32, #tpu.memory_space<vmem>>, vector<1x16xf32>,
      }
      %scan3A_290 = arith.constant 64 : i32
      %mul3A_291 = arith.constant 256 : i32
      %mul3A_292 = arith.muli %add3A_253, %mul3A_291 : i32
      %dma_start3A_293 = tpu.memref_slice %arg8[%mul3A_292] : memref<25600xi32, #tpu.memory_space<vmem>> -> memref<256xi32, #tpu.memory_space<vmem>>
      %dma_start3A_294 = arith.constant 0 : i32
      %dma_start3A_295 = arith.constant 0 : i32
      %dma_start3A_296 = tpu.memref_slice %arg3[%dma_start3A_294, %dma_start3A_295] : memref<6400x64xf32, #tpu.memory_space<hbm>> -> memref<6400x64xf32, #tpu.memory_space<hbm>>
      tpu.enqueue_indirect_dma source(%dma_start3A_296 : memref<6400x64xf32, #tpu.memory_space<hbm>>) target(%arg9 : memref<256x64xf32, #tpu.memory_space<vmem>>) offsets(%dma_start3A_293 : memref<256xi32, #tpu.memory_space<vmem>>) semaphore(%arg14 : memref<!tpu.dma_semaphore, #tpu.memory_space<semaphore_mem>>) {add = true}
      %mul3A_297 = arith.constant 4 : i32
      %mul3A_298 = arith.muli %mul3A_297, %scan3A_150 : i32
      %add3A_299 = arith.constant 2 : i32
      %add3A_300 = arith.addi %add3A_299, %mul3A_298 : i32
      %add3A_301 = arith.constant 3 : i32
      %add3A_302 = arith.addi %add3A_300, %add3A_301 : i32
      %dma_wait3A_303 = arith.constant 0 : i32
      %dma_wait3A_304 = tpu.memref_slice %arg8[%dma_wait3A_303] : memref<25600xi32, #tpu.memory_space<vmem>> -> memref<256xi32, #tpu.memory_space<vmem>>
      %dma_wait3A_305 = arith.constant 0 : i32
      %dma_wait3A_306 = arith.constant 0 : i32
      %dma_wait3A_307 = tpu.memref_slice %arg3[%dma_wait3A_305, %dma_wait3A_306] : memref<6400x64xf32, #tpu.memory_space<hbm>> -> memref<6400x64xf32, #tpu.memory_space<hbm>>
      tpu.wait_indirect_dma semaphore(%arg14 : memref<!tpu.dma_semaphore, #tpu.memory_space<semaphore_mem>>) src(%dma_wait3A_307 : memref<6400x64xf32, #tpu.memory_space<hbm>>) dst(%arg9 : memref<256x64xf32, #tpu.memory_space<vmem>>)
      %sub3A_308 = arith.constant 1 : i32
      %sub3A_309 = arith.subi %add3A_302, %sub3A_308 : i32
      %mul3A_310 = arith.constant 256 : i32
      %mul3A_311 = arith.muli %sub3A_309, %mul3A_310 : i32
      %add3A_312 = arith.addi %mul3A_2, %mul3A_311 : i32
      %dma_start3A_313 = arith.constant 0 : i32
      %dma_start3A_314 = tpu.memref_slice %arg6[%add3A_312, %dma_start3A_313] : memref<819200x128xf32, #tpu.memory_space<hbm>> -> memref<256x64xf32, #tpu.memory_space<hbm>>
      %dma_start3A_315 = arith.constant 0 : i32
      %dma_start3A_316 = tpu.memref_slice %arg6[%add3A_312, %dma_start3A_315] : memref<819200x128xf32, #tpu.memory_space<hbm>> -> memref<256x64xf32, #tpu.memory_space<hbm>>
      tpu.enqueue_dma source(%arg9 : memref<256x64xf32, #tpu.memory_space<vmem>>) target(%dma_start3A_316 : memref<256x64xf32, #tpu.memory_space<hbm>>) target_semaphore(%arg15 : memref<!tpu.dma_semaphore, #tpu.memory_space<semaphore_mem>>)
      %dma_wait3A_317 = arith.constant 0 : i32
      %dma_wait3A_318 = tpu.memref_slice %arg6[%mul3A_2, %dma_wait3A_317] : memref<819200x128xf32, #tpu.memory_space<hbm>> -> memref<256x64xf32, #tpu.memory_space<hbm>>
      %dma_wait3A_319 = arith.constant 0 : i32
      %dma_wait3A_320 = tpu.memref_slice %arg6[%mul3A_2, %dma_wait3A_319] : memref<819200x128xf32, #tpu.memory_space<hbm>> -> memref<256x64xf32, #tpu.memory_space<hbm>>
      tpu.wait_dma2 semaphore(%arg24 : memref<!tpu.dma_semaphore, #tpu.memory_space<semaphore_mem>>) src(%arg12 : memref<256x64xf32, #tpu.memory_space<vmem>>) dst(%dma_wait3A_320 : memref<256x64xf32, #tpu.memory_space<hbm>>)
      %add3A_321 = arith.constant 2 : i32
      %add3A_322 = arith.addi %add3A_302, %add3A_321 : i32
      %mul3A_323 = arith.constant 256 : i32
      %mul3A_324 = arith.muli %add3A_322, %mul3A_323 : i32
      %dma_start3A_325 = tpu.memref_slice %arg7[%mul3A_324] : memref<25600xi32, #tpu.memory_space<vmem>> -> memref<256xi32, #tpu.memory_space<vmem>>
      %dma_start3A_326 = arith.constant 0 : i32
      %dma_start3A_327 = arith.constant 0 : i32
      %dma_start3A_328 = tpu.memref_slice %arg2[%dma_start3A_326, %dma_start3A_327] : memref<1000000x64xf32, #tpu.memory_space<hbm>> -> memref<1000000x64xf32, #tpu.memory_space<hbm>>
      tpu.enqueue_indirect_dma source(%dma_start3A_328 : memref<1000000x64xf32, #tpu.memory_space<hbm>>) target(%arg12 : memref<256x64xf32, #tpu.memory_space<vmem>>) offsets(%dma_start3A_325 : memref<256xi32, #tpu.memory_space<vmem>>) semaphore(%arg22 : memref<!tpu.dma_semaphore, #tpu.memory_space<semaphore_mem>>)
      %dma_wait3A_329 = arith.constant 0 : i32
      %dma_wait3A_330 = tpu.memref_slice %arg7[%dma_wait3A_329] : memref<25600xi32, #tpu.memory_space<vmem>> -> memref<256xi32, #tpu.memory_space<vmem>>
      %dma_wait3A_331 = arith.constant 0 : i32
      %dma_wait3A_332 = arith.constant 0 : i32
      %dma_wait3A_333 = tpu.memref_slice %arg2[%dma_wait3A_331, %dma_wait3A_332] : memref<1000000x64xf32, #tpu.memory_space<hbm>> -> memref<1000000x64xf32, #tpu.memory_space<hbm>>
      tpu.wait_indirect_dma semaphore(%arg16 : memref<!tpu.dma_semaphore, #tpu.memory_space<semaphore_mem>>) src(%dma_wait3A_333 : memref<1000000x64xf32, #tpu.memory_space<hbm>>) dst(%arg10 : memref<256x64xf32, #tpu.memory_space<vmem>>)
      %scan3A_334 = arith.constant 0 : i32
      %scan3A_335 = arith.constant 0 : i32
      %scan3A_336 = arith.constant 64 : i32
      %scan3A_337 = arith.addi %scan3A_335, %scan3A_336 : i32
      %scan3A_338 = arith.constant 1 : i32
      scf.for %scan3A_346 = %scan3A_335 to %scan3A_337 step %scan3A_338  : i32 {
        %mul3A_347 = arith.constant 4 : i32
        %mul3A_348 = arith.muli %scan3A_346, %mul3A_347 : i32
        %add3A_349 = arith.constant 0 : i32
        %add3A_350 = arith.addi %mul3A_348, %add3A_349 : i32
        %get3A = arith.index_cast %add3A_350 : i32 to index
        %get3A_351 = arith.constant 0 : index
        %get3A_352 = tpu.vector_load %arg10[%get3A, %get3A_351] {strides = array<i32>} : memref<256x64xf32, #tpu.memory_space<vmem>>, vector<1x16xf32>,
        %get3A_353 = vector.shape_cast %get3A_352 : vector<1x16xf32> to vector<16xf32>
        %mul3A_354 = arith.constant 8.000000e+00 : f32
        %mul3A_355 = vector.broadcast %mul3A_354 : f32 to vector<16xf32>
        %mul3A_356 = arith.mulf %get3A_353, %mul3A_355 : vector<16xf32>
        %swap3A = arith.index_cast %add3A_350 : i32 to index
        %swap3A_357 = arith.constant 0 : index
        %swap3A_358 = tpu.vector_load %arg10[%swap3A, %swap3A_357] {strides = array<i32>} : memref<256x64xf32, #tpu.memory_space<vmem>>, vector<1x16xf32>,
        %swap3A_359 = vector.shape_cast %swap3A_358 : vector<1x16xf32> to vector<16xf32>
        %swap3A_360 = vector.shape_cast %mul3A_356 : vector<16xf32> to vector<1x16xf32>
        tpu.vector_store %arg10[%swap3A, %swap3A_357], %swap3A_360 {strides = array<i32>} : memref<256x64xf32, #tpu.memory_space<vmem>>, vector<1x16xf32>,
        %get3A_361 = arith.index_cast %add3A_350 : i32 to index
        %get3A_362 = arith.constant 16 : index
        %get3A_363 = tpu.vector_load %arg10[%get3A_361, %get3A_362] {strides = array<i32>} : memref<256x64xf32, #tpu.memory_space<vmem>>, vector<1x16xf32>,
        %get3A_364 = vector.shape_cast %get3A_363 : vector<1x16xf32> to vector<16xf32>
        %mul3A_365 = arith.constant 8.000000e+00 : f32
        %mul3A_366 = vector.broadcast %mul3A_365 : f32 to vector<16xf32>
        %mul3A_367 = arith.mulf %get3A_364, %mul3A_366 : vector<16xf32>
        %swap3A_368 = arith.index_cast %add3A_350 : i32 to index
        %swap3A_369 = arith.constant 16 : index
        %swap3A_370 = tpu.vector_load %arg10[%swap3A_368, %swap3A_369] {strides = array<i32>} : memref<256x64xf32, #tpu.memory_space<vmem>>, vector<1x16xf32>,
        %swap3A_371 = vector.shape_cast %swap3A_370 : vector<1x16xf32> to vector<16xf32>
        %swap3A_372 = vector.shape_cast %mul3A_367 : vector<16xf32> to vector<1x16xf32>
        tpu.vector_store %arg10[%swap3A_368, %swap3A_369], %swap3A_372 {strides = array<i32>} : memref<256x64xf32, #tpu.memory_space<vmem>>, vector<1x16xf32>,
        %get3A_373 = arith.index_cast %add3A_350 : i32 to index
        %get3A_374 = arith.constant 32 : index
        %get3A_375 = tpu.vector_load %arg10[%get3A_373, %get3A_374] {strides = array<i32>} : memref<256x64xf32, #tpu.memory_space<vmem>>, vector<1x16xf32>,
        %get3A_376 = vector.shape_cast %get3A_375 : vector<1x16xf32> to vector<16xf32>
        %mul3A_377 = arith.constant 8.000000e+00 : f32
        %mul3A_378 = vector.broadcast %mul3A_377 : f32 to vector<16xf32>
        %mul3A_379 = arith.mulf %get3A_376, %mul3A_378 : vector<16xf32>
        %swap3A_380 = arith.index_cast %add3A_350 : i32 to index
        %swap3A_381 = arith.constant 32 : index
        %swap3A_382 = tpu.vector_load %arg10[%swap3A_380, %swap3A_381] {strides = array<i32>} : memref<256x64xf32, #tpu.memory_space<vmem>>, vector<1x16xf32>,
        %swap3A_383 = vector.shape_cast %swap3A_382 : vector<1x16xf32> to vector<16xf32>
        %swap3A_384 = vector.shape_cast %mul3A_379 : vector<16xf32> to vector<1x16xf32>
        tpu.vector_store %arg10[%swap3A_380, %swap3A_381], %swap3A_384 {strides = array<i32>} : memref<256x64xf32, #tpu.memory_space<vmem>>, vector<1x16xf32>,
        %get3A_385 = arith.index_cast %add3A_350 : i32 to index
        %get3A_386 = arith.constant 48 : index
        %get3A_387 = tpu.vector_load %arg10[%get3A_385, %get3A_386] {strides = array<i32>} : memref<256x64xf32, #tpu.memory_space<vmem>>, vector<1x16xf32>,
        %get3A_388 = vector.shape_cast %get3A_387 : vector<1x16xf32> to vector<16xf32>
        %mul3A_389 = arith.constant 8.000000e+00 : f32
        %mul3A_390 = vector.broadcast %mul3A_389 : f32 to vector<16xf32>
        %mul3A_391 = arith.mulf %get3A_388, %mul3A_390 : vector<16xf32>
        %swap3A_392 = arith.index_cast %add3A_350 : i32 to index
        %swap3A_393 = arith.constant 48 : index
        %swap3A_394 = tpu.vector_load %arg10[%swap3A_392, %swap3A_393] {strides = array<i32>} : memref<256x64xf32, #tpu.memory_space<vmem>>, vector<1x16xf32>,
        %swap3A_395 = vector.shape_cast %swap3A_394 : vector<1x16xf32> to vector<16xf32>
        %swap3A_396 = vector.shape_cast %mul3A_391 : vector<16xf32> to vector<1x16xf32>
        tpu.vector_store %arg10[%swap3A_392, %swap3A_393], %swap3A_396 {strides = array<i32>} : memref<256x64xf32, #tpu.memory_space<vmem>>, vector<1x16xf32>,
        %mul3A_397 = arith.constant 4 : i32
        %mul3A_398 = arith.muli %scan3A_346, %mul3A_397 : i32
        %add3A_399 = arith.constant 1 : i32
        %add3A_400 = arith.addi %mul3A_398, %add3A_399 : i32
        %get3A_401 = arith.index_cast %add3A_400 : i32 to index
        %get3A_402 = arith.constant 0 : index
        %get3A_403 = tpu.vector_load %arg10[%get3A_401, %get3A_402] {strides = array<i32>} : memref<256x64xf32, #tpu.memory_space<vmem>>, vector<1x16xf32>,
        %get3A_404 = vector.shape_cast %get3A_403 : vector<1x16xf32> to vector<16xf32>
        %mul3A_405 = arith.constant 8.000000e+00 : f32
        %mul3A_406 = vector.broadcast %mul3A_405 : f32 to vector<16xf32>
        %mul3A_407 = arith.mulf %get3A_404, %mul3A_406 : vector<16xf32>
        %swap3A_408 = arith.index_cast %add3A_400 : i32 to index
        %swap3A_409 = arith.constant 0 : index
        %swap3A_410 = tpu.vector_load %arg10[%swap3A_408, %swap3A_409] {strides = array<i32>} : memref<256x64xf32, #tpu.memory_space<vmem>>, vector<1x16xf32>,
        %swap3A_411 = vector.shape_cast %swap3A_410 : vector<1x16xf32> to vector<16xf32>
        %swap3A_412 = vector.shape_cast %mul3A_407 : vector<16xf32> to vector<1x16xf32>
        tpu.vector_store %arg10[%swap3A_408, %swap3A_409], %swap3A_412 {strides = array<i32>} : memref<256x64xf32, #tpu.memory_space<vmem>>, vector<1x16xf32>,
        %get3A_413 = arith.index_cast %add3A_400 : i32 to index
        %get3A_414 = arith.constant 16 : index
        %get3A_415 = tpu.vector_load %arg10[%get3A_413, %get3A_414] {strides = array<i32>} : memref<256x64xf32, #tpu.memory_space<vmem>>, vector<1x16xf32>,
        %get3A_416 = vector.shape_cast %get3A_415 : vector<1x16xf32> to vector<16xf32>
        %mul3A_417 = arith.constant 8.000000e+00 : f32
        %mul3A_418 = vector.broadcast %mul3A_417 : f32 to vector<16xf32>
        %mul3A_419 = arith.mulf %get3A_416, %mul3A_418 : vector<16xf32>
        %swap3A_420 = arith.index_cast %add3A_400 : i32 to index
        %swap3A_421 = arith.constant 16 : index
        %swap3A_422 = tpu.vector_load %arg10[%swap3A_420, %swap3A_421] {strides = array<i32>} : memref<256x64xf32, #tpu.memory_space<vmem>>, vector<1x16xf32>,
        %swap3A_423 = vector.shape_cast %swap3A_422 : vector<1x16xf32> to vector<16xf32>
        %swap3A_424 = vector.shape_cast %mul3A_419 : vector<16xf32> to vector<1x16xf32>
        tpu.vector_store %arg10[%swap3A_420, %swap3A_421], %swap3A_424 {strides = array<i32>} : memref<256x64xf32, #tpu.memory_space<vmem>>, vector<1x16xf32>,
        %get3A_425 = arith.index_cast %add3A_400 : i32 to index
        %get3A_426 = arith.constant 32 : index
        %get3A_427 = tpu.vector_load %arg10[%get3A_425, %get3A_426] {strides = array<i32>} : memref<256x64xf32, #tpu.memory_space<vmem>>, vector<1x16xf32>,
        %get3A_428 = vector.shape_cast %get3A_427 : vector<1x16xf32> to vector<16xf32>
        %mul3A_429 = arith.constant 8.000000e+00 : f32
        %mul3A_430 = vector.broadcast %mul3A_429 : f32 to vector<16xf32>
        %mul3A_431 = arith.mulf %get3A_428, %mul3A_430 : vector<16xf32>
        %swap3A_432 = arith.index_cast %add3A_400 : i32 to index
        %swap3A_433 = arith.constant 32 : index
        %swap3A_434 = tpu.vector_load %arg10[%swap3A_432, %swap3A_433] {strides = array<i32>} : memref<256x64xf32, #tpu.memory_space<vmem>>, vector<1x16xf32>,
        %swap3A_435 = vector.shape_cast %swap3A_434 : vector<1x16xf32> to vector<16xf32>
        %swap3A_436 = vector.shape_cast %mul3A_431 : vector<16xf32> to vector<1x16xf32>
        tpu.vector_store %arg10[%swap3A_432, %swap3A_433], %swap3A_436 {strides = array<i32>} : memref<256x64xf32, #tpu.memory_space<vmem>>, vector<1x16xf32>,
        %get3A_437 = arith.index_cast %add3A_400 : i32 to index
        %get3A_438 = arith.constant 48 : index
        %get3A_439 = tpu.vector_load %arg10[%get3A_437, %get3A_438] {strides = array<i32>} : memref<256x64xf32, #tpu.memory_space<vmem>>, vector<1x16xf32>,
        %get3A_440 = vector.shape_cast %get3A_439 : vector<1x16xf32> to vector<16xf32>
        %mul3A_441 = arith.constant 8.000000e+00 : f32
        %mul3A_442 = vector.broadcast %mul3A_441 : f32 to vector<16xf32>
        %mul3A_443 = arith.mulf %get3A_440, %mul3A_442 : vector<16xf32>
        %swap3A_444 = arith.index_cast %add3A_400 : i32 to index
        %swap3A_445 = arith.constant 48 : index
        %swap3A_446 = tpu.vector_load %arg10[%swap3A_444, %swap3A_445] {strides = array<i32>} : memref<256x64xf32, #tpu.memory_space<vmem>>, vector<1x16xf32>,
        %swap3A_447 = vector.shape_cast %swap3A_446 : vector<1x16xf32> to vector<16xf32>
        %swap3A_448 = vector.shape_cast %mul3A_443 : vector<16xf32> to vector<1x16xf32>
        tpu.vector_store %arg10[%swap3A_444, %swap3A_445], %swap3A_448 {strides = array<i32>} : memref<256x64xf32, #tpu.memory_space<vmem>>, vector<1x16xf32>,
        %mul3A_449 = arith.constant 4 : i32
        %mul3A_450 = arith.muli %scan3A_346, %mul3A_449 : i32
        %add3A_451 = arith.constant 2 : i32
        %add3A_452 = arith.addi %mul3A_450, %add3A_451 : i32
        %get3A_453 = arith.index_cast %add3A_452 : i32 to index
        %get3A_454 = arith.constant 0 : index
        %get3A_455 = tpu.vector_load %arg10[%get3A_453, %get3A_454] {strides = array<i32>} : memref<256x64xf32, #tpu.memory_space<vmem>>, vector<1x16xf32>,
        %get3A_456 = vector.shape_cast %get3A_455 : vector<1x16xf32> to vector<16xf32>
        %mul3A_457 = arith.constant 8.000000e+00 : f32
        %mul3A_458 = vector.broadcast %mul3A_457 : f32 to vector<16xf32>
        %mul3A_459 = arith.mulf %get3A_456, %mul3A_458 : vector<16xf32>
        %swap3A_460 = arith.index_cast %add3A_452 : i32 to index
        %swap3A_461 = arith.constant 0 : index
        %swap3A_462 = tpu.vector_load %arg10[%swap3A_460, %swap3A_461] {strides = array<i32>} : memref<256x64xf32, #tpu.memory_space<vmem>>, vector<1x16xf32>,
        %swap3A_463 = vector.shape_cast %swap3A_462 : vector<1x16xf32> to vector<16xf32>
        %swap3A_464 = vector.shape_cast %mul3A_459 : vector<16xf32> to vector<1x16xf32>
        tpu.vector_store %arg10[%swap3A_460, %swap3A_461], %swap3A_464 {strides = array<i32>} : memref<256x64xf32, #tpu.memory_space<vmem>>, vector<1x16xf32>,
        %get3A_465 = arith.index_cast %add3A_452 : i32 to index
        %get3A_466 = arith.constant 16 : index
        %get3A_467 = tpu.vector_load %arg10[%get3A_465, %get3A_466] {strides = array<i32>} : memref<256x64xf32, #tpu.memory_space<vmem>>, vector<1x16xf32>,
        %get3A_468 = vector.shape_cast %get3A_467 : vector<1x16xf32> to vector<16xf32>
        %mul3A_469 = arith.constant 8.000000e+00 : f32
        %mul3A_470 = vector.broadcast %mul3A_469 : f32 to vector<16xf32>
        %mul3A_471 = arith.mulf %get3A_468, %mul3A_470 : vector<16xf32>
        %swap3A_472 = arith.index_cast %add3A_452 : i32 to index
        %swap3A_473 = arith.constant 16 : index
        %swap3A_474 = tpu.vector_load %arg10[%swap3A_472, %swap3A_473] {strides = array<i32>} : memref<256x64xf32, #tpu.memory_space<vmem>>, vector<1x16xf32>,
        %swap3A_475 = vector.shape_cast %swap3A_474 : vector<1x16xf32> to vector<16xf32>
        %swap3A_476 = vector.shape_cast %mul3A_471 : vector<16xf32> to vector<1x16xf32>
        tpu.vector_store %arg10[%swap3A_472, %swap3A_473], %swap3A_476 {strides = array<i32>} : memref<256x64xf32, #tpu.memory_space<vmem>>, vector<1x16xf32>,
        %get3A_477 = arith.index_cast %add3A_452 : i32 to index
        %get3A_478 = arith.constant 32 : index
        %get3A_479 = tpu.vector_load %arg10[%get3A_477, %get3A_478] {strides = array<i32>} : memref<256x64xf32, #tpu.memory_space<vmem>>, vector<1x16xf32>,
        %get3A_480 = vector.shape_cast %get3A_479 : vector<1x16xf32> to vector<16xf32>
        %mul3A_481 = arith.constant 8.000000e+00 : f32
        %mul3A_482 = vector.broadcast %mul3A_481 : f32 to vector<16xf32>
        %mul3A_483 = arith.mulf %get3A_480, %mul3A_482 : vector<16xf32>
        %swap3A_484 = arith.index_cast %add3A_452 : i32 to index
        %swap3A_485 = arith.constant 32 : index
        %swap3A_486 = tpu.vector_load %arg10[%swap3A_484, %swap3A_485] {strides = array<i32>} : memref<256x64xf32, #tpu.memory_space<vmem>>, vector<1x16xf32>,
        %swap3A_487 = vector.shape_cast %swap3A_486 : vector<1x16xf32> to vector<16xf32>
        %swap3A_488 = vector.shape_cast %mul3A_483 : vector<16xf32> to vector<1x16xf32>
        tpu.vector_store %arg10[%swap3A_484, %swap3A_485], %swap3A_488 {strides = array<i32>} : memref<256x64xf32, #tpu.memory_space<vmem>>, vector<1x16xf32>,
        %get3A_489 = arith.index_cast %add3A_452 : i32 to index
        %get3A_490 = arith.constant 48 : index
        %get3A_491 = tpu.vector_load %arg10[%get3A_489, %get3A_490] {strides = array<i32>} : memref<256x64xf32, #tpu.memory_space<vmem>>, vector<1x16xf32>,
        %get3A_492 = vector.shape_cast %get3A_491 : vector<1x16xf32> to vector<16xf32>
        %mul3A_493 = arith.constant 8.000000e+00 : f32
        %mul3A_494 = vector.broadcast %mul3A_493 : f32 to vector<16xf32>
        %mul3A_495 = arith.mulf %get3A_492, %mul3A_494 : vector<16xf32>
        %swap3A_496 = arith.index_cast %add3A_452 : i32 to index
        %swap3A_497 = arith.constant 48 : index
        %swap3A_498 = tpu.vector_load %arg10[%swap3A_496, %swap3A_497] {strides = array<i32>} : memref<256x64xf32, #tpu.memory_space<vmem>>, vector<1x16xf32>,
        %swap3A_499 = vector.shape_cast %swap3A_498 : vector<1x16xf32> to vector<16xf32>
        %swap3A_500 = vector.shape_cast %mul3A_495 : vector<16xf32> to vector<1x16xf32>
        tpu.vector_store %arg10[%swap3A_496, %swap3A_497], %swap3A_500 {strides = array<i32>} : memref<256x64xf32, #tpu.memory_space<vmem>>, vector<1x16xf32>,
        %mul3A_501 = arith.constant 4 : i32
        %mul3A_502 = arith.muli %scan3A_346, %mul3A_501 : i32
        %add3A_503 = arith.constant 3 : i32
        %add3A_504 = arith.addi %mul3A_502, %add3A_503 : i32
        %get3A_505 = arith.index_cast %add3A_504 : i32 to index
        %get3A_506 = arith.constant 0 : index
        %get3A_507 = tpu.vector_load %arg10[%get3A_505, %get3A_506] {strides = array<i32>} : memref<256x64xf32, #tpu.memory_space<vmem>>, vector<1x16xf32>,
        %get3A_508 = vector.shape_cast %get3A_507 : vector<1x16xf32> to vector<16xf32>
        %mul3A_509 = arith.constant 8.000000e+00 : f32
        %mul3A_510 = vector.broadcast %mul3A_509 : f32 to vector<16xf32>
        %mul3A_511 = arith.mulf %get3A_508, %mul3A_510 : vector<16xf32>
        %swap3A_512 = arith.index_cast %add3A_504 : i32 to index
        %swap3A_513 = arith.constant 0 : index
        %swap3A_514 = tpu.vector_load %arg10[%swap3A_512, %swap3A_513] {strides = array<i32>} : memref<256x64xf32, #tpu.memory_space<vmem>>, vector<1x16xf32>,
        %swap3A_515 = vector.shape_cast %swap3A_514 : vector<1x16xf32> to vector<16xf32>
        %swap3A_516 = vector.shape_cast %mul3A_511 : vector<16xf32> to vector<1x16xf32>
        tpu.vector_store %arg10[%swap3A_512, %swap3A_513], %swap3A_516 {strides = array<i32>} : memref<256x64xf32, #tpu.memory_space<vmem>>, vector<1x16xf32>,
        %get3A_517 = arith.index_cast %add3A_504 : i32 to index
        %get3A_518 = arith.constant 16 : index
        %get3A_519 = tpu.vector_load %arg10[%get3A_517, %get3A_518] {strides = array<i32>} : memref<256x64xf32, #tpu.memory_space<vmem>>, vector<1x16xf32>,
        %get3A_520 = vector.shape_cast %get3A_519 : vector<1x16xf32> to vector<16xf32>
        %mul3A_521 = arith.constant 8.000000e+00 : f32
        %mul3A_522 = vector.broadcast %mul3A_521 : f32 to vector<16xf32>
        %mul3A_523 = arith.mulf %get3A_520, %mul3A_522 : vector<16xf32>
        %swap3A_524 = arith.index_cast %add3A_504 : i32 to index
        %swap3A_525 = arith.constant 16 : index
        %swap3A_526 = tpu.vector_load %arg10[%swap3A_524, %swap3A_525] {strides = array<i32>} : memref<256x64xf32, #tpu.memory_space<vmem>>, vector<1x16xf32>,
        %swap3A_527 = vector.shape_cast %swap3A_526 : vector<1x16xf32> to vector<16xf32>
        %swap3A_528 = vector.shape_cast %mul3A_523 : vector<16xf32> to vector<1x16xf32>
        tpu.vector_store %arg10[%swap3A_524, %swap3A_525], %swap3A_528 {strides = array<i32>} : memref<256x64xf32, #tpu.memory_space<vmem>>, vector<1x16xf32>,
        %get3A_529 = arith.index_cast %add3A_504 : i32 to index
        %get3A_530 = arith.constant 32 : index
        %get3A_531 = tpu.vector_load %arg10[%get3A_529, %get3A_530] {strides = array<i32>} : memref<256x64xf32, #tpu.memory_space<vmem>>, vector<1x16xf32>,
        %get3A_532 = vector.shape_cast %get3A_531 : vector<1x16xf32> to vector<16xf32>
        %mul3A_533 = arith.constant 8.000000e+00 : f32
        %mul3A_534 = vector.broadcast %mul3A_533 : f32 to vector<16xf32>
        %mul3A_535 = arith.mulf %get3A_532, %mul3A_534 : vector<16xf32>
        %swap3A_536 = arith.index_cast %add3A_504 : i32 to index
        %swap3A_537 = arith.constant 32 : index
        %swap3A_538 = tpu.vector_load %arg10[%swap3A_536, %swap3A_537] {strides = array<i32>} : memref<256x64xf32, #tpu.memory_space<vmem>>, vector<1x16xf32>,
        %swap3A_539 = vector.shape_cast %swap3A_538 : vector<1x16xf32> to vector<16xf32>
        %swap3A_540 = vector.shape_cast %mul3A_535 : vector<16xf32> to vector<1x16xf32>
        tpu.vector_store %arg10[%swap3A_536, %swap3A_537], %swap3A_540 {strides = array<i32>} : memref<256x64xf32, #tpu.memory_space<vmem>>, vector<1x16xf32>,
        %get3A_541 = arith.index_cast %add3A_504 : i32 to index
        %get3A_542 = arith.constant 48 : index
        %get3A_543 = tpu.vector_load %arg10[%get3A_541, %get3A_542] {strides = array<i32>} : memref<256x64xf32, #tpu.memory_space<vmem>>, vector<1x16xf32>,
        %get3A_544 = vector.shape_cast %get3A_543 : vector<1x16xf32> to vector<16xf32>
        %mul3A_545 = arith.constant 8.000000e+00 : f32
        %mul3A_546 = vector.broadcast %mul3A_545 : f32 to vector<16xf32>
        %mul3A_547 = arith.mulf %get3A_544, %mul3A_546 : vector<16xf32>
        %swap3A_548 = arith.index_cast %add3A_504 : i32 to index
        %swap3A_549 = arith.constant 48 : index
        %swap3A_550 = tpu.vector_load %arg10[%swap3A_548, %swap3A_549] {strides = array<i32>} : memref<256x64xf32, #tpu.memory_space<vmem>>, vector<1x16xf32>,
        %swap3A_551 = vector.shape_cast %swap3A_550 : vector<1x16xf32> to vector<16xf32>
        %swap3A_552 = vector.shape_cast %mul3A_547 : vector<16xf32> to vector<1x16xf32>
        tpu.vector_store %arg10[%swap3A_548, %swap3A_549], %swap3A_552 {strides = array<i32>} : memref<256x64xf32, #tpu.memory_space<vmem>>, vector<1x16xf32>,
      }
      %scan3A_339 = arith.constant 64 : i32
      %mul3A_340 = arith.constant 256 : i32
      %mul3A_341 = arith.muli %add3A_302, %mul3A_340 : i32
      %dma_start3A_342 = tpu.memref_slice %arg8[%mul3A_341] : memref<25600xi32, #tpu.memory_space<vmem>> -> memref<256xi32, #tpu.memory_space<vmem>>
      %dma_start3A_343 = arith.constant 0 : i32
      %dma_start3A_344 = arith.constant 0 : i32
      %dma_start3A_345 = tpu.memref_slice %arg3[%dma_start3A_343, %dma_start3A_344] : memref<6400x64xf32, #tpu.memory_space<hbm>> -> memref<6400x64xf32, #tpu.memory_space<hbm>>
      tpu.enqueue_indirect_dma source(%dma_start3A_345 : memref<6400x64xf32, #tpu.memory_space<hbm>>) target(%arg10 : memref<256x64xf32, #tpu.memory_space<vmem>>) offsets(%dma_start3A_342 : memref<256xi32, #tpu.memory_space<vmem>>) semaphore(%arg17 : memref<!tpu.dma_semaphore, #tpu.memory_space<semaphore_mem>>) {add = true}
    }
    %scan3A_68 = arith.constant 24 : i32
    %dma_wait3A_69 = arith.constant 0 : i32
    %dma_wait3A_70 = tpu.memref_slice %arg8[%dma_wait3A_69] : memref<25600xi32, #tpu.memory_space<vmem>> -> memref<256xi32, #tpu.memory_space<vmem>>
    %dma_wait3A_71 = arith.constant 0 : i32
    %dma_wait3A_72 = arith.constant 0 : i32
    %dma_wait3A_73 = tpu.memref_slice %arg3[%dma_wait3A_71, %dma_wait3A_72] : memref<6400x64xf32, #tpu.memory_space<hbm>> -> memref<6400x64xf32, #tpu.memory_space<hbm>>
    tpu.wait_indirect_dma semaphore(%arg17 : memref<!tpu.dma_semaphore, #tpu.memory_space<semaphore_mem>>) src(%dma_wait3A_73 : memref<6400x64xf32, #tpu.memory_space<hbm>>) dst(%arg10 : memref<256x64xf32, #tpu.memory_space<vmem>>)
    %add3A_74 = arith.constant 24832 : i32
    %add3A_75 = arith.addi %mul3A_2, %add3A_74 : i32
    %dma_start3A_76 = arith.constant 0 : i32
    %dma_start3A_77 = tpu.memref_slice %arg6[%add3A_75, %dma_start3A_76] : memref<819200x128xf32, #tpu.memory_space<hbm>> -> memref<256x64xf32, #tpu.memory_space<hbm>>
    %dma_start3A_78 = arith.constant 0 : i32
    %dma_start3A_79 = tpu.memref_slice %arg6[%add3A_75, %dma_start3A_78] : memref<819200x128xf32, #tpu.memory_space<hbm>> -> memref<256x64xf32, #tpu.memory_space<hbm>>
    tpu.enqueue_dma source(%arg10 : memref<256x64xf32, #tpu.memory_space<vmem>>) target(%dma_start3A_79 : memref<256x64xf32, #tpu.memory_space<hbm>>) target_semaphore(%arg18 : memref<!tpu.dma_semaphore, #tpu.memory_space<semaphore_mem>>)
    %dma_wait3A_80 = arith.constant 0 : i32
    %dma_wait3A_81 = tpu.memref_slice %arg7[%dma_wait3A_80] : memref<25600xi32, #tpu.memory_space<vmem>> -> memref<256xi32, #tpu.memory_space<vmem>>
    %dma_wait3A_82 = arith.constant 0 : i32
    %dma_wait3A_83 = arith.constant 0 : i32
    %dma_wait3A_84 = tpu.memref_slice %arg2[%dma_wait3A_82, %dma_wait3A_83] : memref<1000000x64xf32, #tpu.memory_space<hbm>> -> memref<1000000x64xf32, #tpu.memory_space<hbm>>
    tpu.wait_indirect_dma semaphore(%arg19 : memref<!tpu.dma_semaphore, #tpu.memory_space<semaphore_mem>>) src(%dma_wait3A_84 : memref<1000000x64xf32, #tpu.memory_space<hbm>>) dst(%arg11 : memref<256x64xf32, #tpu.memory_space<vmem>>)
    %scan3A_85 = arith.constant 0 : i32
    %scan3A_86 = arith.constant 0 : i32
    %scan3A_87 = arith.constant 64 : i32
    %scan3A_88 = arith.addi %scan3A_86, %scan3A_87 : i32
    %scan3A_89 = arith.constant 1 : i32
    scf.for %scan3A_150 = %scan3A_86 to %scan3A_88 step %scan3A_89  : i32 {
      %mul3A_151 = arith.constant 4 : i32
      %mul3A_152 = arith.muli %scan3A_150, %mul3A_151 : i32
      %add3A_153 = arith.constant 0 : i32
      %add3A_154 = arith.addi %mul3A_152, %add3A_153 : i32
      %get3A = arith.index_cast %add3A_154 : i32 to index
      %get3A_155 = arith.constant 0 : index
      %get3A_156 = tpu.vector_load %arg11[%get3A, %get3A_155] {strides = array<i32>} : memref<256x64xf32, #tpu.memory_space<vmem>>, vector<1x16xf32>,
      %get3A_157 = vector.shape_cast %get3A_156 : vector<1x16xf32> to vector<16xf32>
      %mul3A_158 = arith.constant 8.000000e+00 : f32
      %mul3A_159 = vector.broadcast %mul3A_158 : f32 to vector<16xf32>
      %mul3A_160 = arith.mulf %get3A_157, %mul3A_159 : vector<16xf32>
      %swap3A = arith.index_cast %add3A_154 : i32 to index
      %swap3A_161 = arith.constant 0 : index
      %swap3A_162 = tpu.vector_load %arg11[%swap3A, %swap3A_161] {strides = array<i32>} : memref<256x64xf32, #tpu.memory_space<vmem>>, vector<1x16xf32>,
      %swap3A_163 = vector.shape_cast %swap3A_162 : vector<1x16xf32> to vector<16xf32>
      %swap3A_164 = vector.shape_cast %mul3A_160 : vector<16xf32> to vector<1x16xf32>
      tpu.vector_store %arg11[%swap3A, %swap3A_161], %swap3A_164 {strides = array<i32>} : memref<256x64xf32, #tpu.memory_space<vmem>>, vector<1x16xf32>,
      %get3A_165 = arith.index_cast %add3A_154 : i32 to index
      %get3A_166 = arith.constant 16 : index
      %get3A_167 = tpu.vector_load %arg11[%get3A_165, %get3A_166] {strides = array<i32>} : memref<256x64xf32, #tpu.memory_space<vmem>>, vector<1x16xf32>,
      %get3A_168 = vector.shape_cast %get3A_167 : vector<1x16xf32> to vector<16xf32>
      %mul3A_169 = arith.constant 8.000000e+00 : f32
      %mul3A_170 = vector.broadcast %mul3A_169 : f32 to vector<16xf32>
      %mul3A_171 = arith.mulf %get3A_168, %mul3A_170 : vector<16xf32>
      %swap3A_172 = arith.index_cast %add3A_154 : i32 to index
      %swap3A_173 = arith.constant 16 : index
      %swap3A_174 = tpu.vector_load %arg11[%swap3A_172, %swap3A_173] {strides = array<i32>} : memref<256x64xf32, #tpu.memory_space<vmem>>, vector<1x16xf32>,
      %swap3A_175 = vector.shape_cast %swap3A_174 : vector<1x16xf32> to vector<16xf32>
      %swap3A_176 = vector.shape_cast %mul3A_171 : vector<16xf32> to vector<1x16xf32>
      tpu.vector_store %arg11[%swap3A_172, %swap3A_173], %swap3A_176 {strides = array<i32>} : memref<256x64xf32, #tpu.memory_space<vmem>>, vector<1x16xf32>,
      %get3A_177 = arith.index_cast %add3A_154 : i32 to index
      %get3A_178 = arith.constant 32 : index
      %get3A_179 = tpu.vector_load %arg11[%get3A_177, %get3A_178] {strides = array<i32>} : memref<256x64xf32, #tpu.memory_space<vmem>>, vector<1x16xf32>,
      %get3A_180 = vector.shape_cast %get3A_179 : vector<1x16xf32> to vector<16xf32>
      %mul3A_181 = arith.constant 8.000000e+00 : f32
      %mul3A_182 = vector.broadcast %mul3A_181 : f32 to vector<16xf32>
      %mul3A_183 = arith.mulf %get3A_180, %mul3A_182 : vector<16xf32>
      %swap3A_184 = arith.index_cast %add3A_154 : i32 to index
      %swap3A_185 = arith.constant 32 : index
      %swap3A_186 = tpu.vector_load %arg11[%swap3A_184, %swap3A_185] {strides = array<i32>} : memref<256x64xf32, #tpu.memory_space<vmem>>, vector<1x16xf32>,
      %swap3A_187 = vector.shape_cast %swap3A_186 : vector<1x16xf32> to vector<16xf32>
      %swap3A_188 = vector.shape_cast %mul3A_183 : vector<16xf32> to vector<1x16xf32>
      tpu.vector_store %arg11[%swap3A_184, %swap3A_185], %swap3A_188 {strides = array<i32>} : memref<256x64xf32, #tpu.memory_space<vmem>>, vector<1x16xf32>,
      %get3A_189 = arith.index_cast %add3A_154 : i32 to index
      %get3A_190 = arith.constant 48 : index
      %get3A_191 = tpu.vector_load %arg11[%get3A_189, %get3A_190] {strides = array<i32>} : memref<256x64xf32, #tpu.memory_space<vmem>>, vector<1x16xf32>,
      %get3A_192 = vector.shape_cast %get3A_191 : vector<1x16xf32> to vector<16xf32>
      %mul3A_193 = arith.constant 8.000000e+00 : f32
      %mul3A_194 = vector.broadcast %mul3A_193 : f32 to vector<16xf32>
      %mul3A_195 = arith.mulf %get3A_192, %mul3A_194 : vector<16xf32>
      %swap3A_196 = arith.index_cast %add3A_154 : i32 to index
      %swap3A_197 = arith.constant 48 : index
      %swap3A_198 = tpu.vector_load %arg11[%swap3A_196, %swap3A_197] {strides = array<i32>} : memref<256x64xf32, #tpu.memory_space<vmem>>, vector<1x16xf32>,
      %swap3A_199 = vector.shape_cast %swap3A_198 : vector<1x16xf32> to vector<16xf32>
      %swap3A_200 = vector.shape_cast %mul3A_195 : vector<16xf32> to vector<1x16xf32>
      tpu.vector_store %arg11[%swap3A_196, %swap3A_197], %swap3A_200 {strides = array<i32>} : memref<256x64xf32, #tpu.memory_space<vmem>>, vector<1x16xf32>,
      %mul3A_201 = arith.constant 4 : i32
      %mul3A_202 = arith.muli %scan3A_150, %mul3A_201 : i32
      %add3A_203 = arith.constant 1 : i32
      %add3A_204 = arith.addi %mul3A_202, %add3A_203 : i32
      %get3A_205 = arith.index_cast %add3A_204 : i32 to index
      %get3A_206 = arith.constant 0 : index
      %get3A_207 = tpu.vector_load %arg11[%get3A_205, %get3A_206] {strides = array<i32>} : memref<256x64xf32, #tpu.memory_space<vmem>>, vector<1x16xf32>,
      %get3A_208 = vector.shape_cast %get3A_207 : vector<1x16xf32> to vector<16xf32>
      %mul3A_209 = arith.constant 8.000000e+00 : f32
      %mul3A_210 = vector.broadcast %mul3A_209 : f32 to vector<16xf32>
      %mul3A_211 = arith.mulf %get3A_208, %mul3A_210 : vector<16xf32>
      %swap3A_212 = arith.index_cast %add3A_204 : i32 to index
      %swap3A_213 = arith.constant 0 : index
      %swap3A_214 = tpu.vector_load %arg11[%swap3A_212, %swap3A_213] {strides = array<i32>} : memref<256x64xf32, #tpu.memory_space<vmem>>, vector<1x16xf32>,
      %swap3A_215 = vector.shape_cast %swap3A_214 : vector<1x16xf32> to vector<16xf32>
      %swap3A_216 = vector.shape_cast %mul3A_211 : vector<16xf32> to vector<1x16xf32>
      tpu.vector_store %arg11[%swap3A_212, %swap3A_213], %swap3A_216 {strides = array<i32>} : memref<256x64xf32, #tpu.memory_space<vmem>>, vector<1x16xf32>,
      %get3A_217 = arith.index_cast %add3A_204 : i32 to index
      %get3A_218 = arith.constant 16 : index
      %get3A_219 = tpu.vector_load %arg11[%get3A_217, %get3A_218] {strides = array<i32>} : memref<256x64xf32, #tpu.memory_space<vmem>>, vector<1x16xf32>,
      %get3A_220 = vector.shape_cast %get3A_219 : vector<1x16xf32> to vector<16xf32>
      %mul3A_221 = arith.constant 8.000000e+00 : f32
      %mul3A_222 = vector.broadcast %mul3A_221 : f32 to vector<16xf32>
      %mul3A_223 = arith.mulf %get3A_220, %mul3A_222 : vector<16xf32>
      %swap3A_224 = arith.index_cast %add3A_204 : i32 to index
      %swap3A_225 = arith.constant 16 : index
      %swap3A_226 = tpu.vector_load %arg11[%swap3A_224, %swap3A_225] {strides = array<i32>} : memref<256x64xf32, #tpu.memory_space<vmem>>, vector<1x16xf32>,
      %swap3A_227 = vector.shape_cast %swap3A_226 : vector<1x16xf32> to vector<16xf32>
      %swap3A_228 = vector.shape_cast %mul3A_223 : vector<16xf32> to vector<1x16xf32>
      tpu.vector_store %arg11[%swap3A_224, %swap3A_225], %swap3A_228 {strides = array<i32>} : memref<256x64xf32, #tpu.memory_space<vmem>>, vector<1x16xf32>,
      %get3A_229 = arith.index_cast %add3A_204 : i32 to index
      %get3A_230 = arith.constant 32 : index
      %get3A_231 = tpu.vector_load %arg11[%get3A_229, %get3A_230] {strides = array<i32>} : memref<256x64xf32, #tpu.memory_space<vmem>>, vector<1x16xf32>,
      %get3A_232 = vector.shape_cast %get3A_231 : vector<1x16xf32> to vector<16xf32>
      %mul3A_233 = arith.constant 8.000000e+00 : f32
      %mul3A_234 = vector.broadcast %mul3A_233 : f32 to vector<16xf32>
      %mul3A_235 = arith.mulf %get3A_232, %mul3A_234 : vector<16xf32>
      %swap3A_236 = arith.index_cast %add3A_204 : i32 to index
      %swap3A_237 = arith.constant 32 : index
      %swap3A_238 = tpu.vector_load %arg11[%swap3A_236, %swap3A_237] {strides = array<i32>} : memref<256x64xf32, #tpu.memory_space<vmem>>, vector<1x16xf32>,
      %swap3A_239 = vector.shape_cast %swap3A_238 : vector<1x16xf32> to vector<16xf32>
      %swap3A_240 = vector.shape_cast %mul3A_235 : vector<16xf32> to vector<1x16xf32>
      tpu.vector_store %arg11[%swap3A_236, %swap3A_237], %swap3A_240 {strides = array<i32>} : memref<256x64xf32, #tpu.memory_space<vmem>>, vector<1x16xf32>,
      %get3A_241 = arith.index_cast %add3A_204 : i32 to index
      %get3A_242 = arith.constant 48 : index
      %get3A_243 = tpu.vector_load %arg11[%get3A_241, %get3A_242] {strides = array<i32>} : memref<256x64xf32, #tpu.memory_space<vmem>>, vector<1x16xf32>,
      %get3A_244 = vector.shape_cast %get3A_243 : vector<1x16xf32> to vector<16xf32>
      %mul3A_245 = arith.constant 8.000000e+00 : f32
      %mul3A_246 = vector.broadcast %mul3A_245 : f32 to vector<16xf32>
      %mul3A_247 = arith.mulf %get3A_244, %mul3A_246 : vector<16xf32>
      %swap3A_248 = arith.index_cast %add3A_204 : i32 to index
      %swap3A_249 = arith.constant 48 : index
      %swap3A_250 = tpu.vector_load %arg11[%swap3A_248, %swap3A_249] {strides = array<i32>} : memref<256x64xf32, #tpu.memory_space<vmem>>, vector<1x16xf32>,
      %swap3A_251 = vector.shape_cast %swap3A_250 : vector<1x16xf32> to vector<16xf32>
      %swap3A_252 = vector.shape_cast %mul3A_247 : vector<16xf32> to vector<1x16xf32>
      tpu.vector_store %arg11[%swap3A_248, %swap3A_249], %swap3A_252 {strides = array<i32>} : memref<256x64xf32, #tpu.memory_space<vmem>>, vector<1x16xf32>,
      %mul3A_253 = arith.constant 4 : i32
      %mul3A_254 = arith.muli %scan3A_150, %mul3A_253 : i32
      %add3A_255 = arith.constant 2 : i32
      %add3A_256 = arith.addi %mul3A_254, %add3A_255 : i32
      %get3A_257 = arith.index_cast %add3A_256 : i32 to index
      %get3A_258 = arith.constant 0 : index
      %get3A_259 = tpu.vector_load %arg11[%get3A_257, %get3A_258] {strides = array<i32>} : memref<256x64xf32, #tpu.memory_space<vmem>>, vector<1x16xf32>,
      %get3A_260 = vector.shape_cast %get3A_259 : vector<1x16xf32> to vector<16xf32>
      %mul3A_261 = arith.constant 8.000000e+00 : f32
      %mul3A_262 = vector.broadcast %mul3A_261 : f32 to vector<16xf32>
      %mul3A_263 = arith.mulf %get3A_260, %mul3A_262 : vector<16xf32>
      %swap3A_264 = arith.index_cast %add3A_256 : i32 to index
      %swap3A_265 = arith.constant 0 : index
      %swap3A_266 = tpu.vector_load %arg11[%swap3A_264, %swap3A_265] {strides = array<i32>} : memref<256x64xf32, #tpu.memory_space<vmem>>, vector<1x16xf32>,
      %swap3A_267 = vector.shape_cast %swap3A_266 : vector<1x16xf32> to vector<16xf32>
      %swap3A_268 = vector.shape_cast %mul3A_263 : vector<16xf32> to vector<1x16xf32>
      tpu.vector_store %arg11[%swap3A_264, %swap3A_265], %swap3A_268 {strides = array<i32>} : memref<256x64xf32, #tpu.memory_space<vmem>>, vector<1x16xf32>,
      %get3A_269 = arith.index_cast %add3A_256 : i32 to index
      %get3A_270 = arith.constant 16 : index
      %get3A_271 = tpu.vector_load %arg11[%get3A_269, %get3A_270] {strides = array<i32>} : memref<256x64xf32, #tpu.memory_space<vmem>>, vector<1x16xf32>,
      %get3A_272 = vector.shape_cast %get3A_271 : vector<1x16xf32> to vector<16xf32>
      %mul3A_273 = arith.constant 8.000000e+00 : f32
      %mul3A_274 = vector.broadcast %mul3A_273 : f32 to vector<16xf32>
      %mul3A_275 = arith.mulf %get3A_272, %mul3A_274 : vector<16xf32>
      %swap3A_276 = arith.index_cast %add3A_256 : i32 to index
      %swap3A_277 = arith.constant 16 : index
      %swap3A_278 = tpu.vector_load %arg11[%swap3A_276, %swap3A_277] {strides = array<i32>} : memref<256x64xf32, #tpu.memory_space<vmem>>, vector<1x16xf32>,
      %swap3A_279 = vector.shape_cast %swap3A_278 : vector<1x16xf32> to vector<16xf32>
      %swap3A_280 = vector.shape_cast %mul3A_275 : vector<16xf32> to vector<1x16xf32>
      tpu.vector_store %arg11[%swap3A_276, %swap3A_277], %swap3A_280 {strides = array<i32>} : memref<256x64xf32, #tpu.memory_space<vmem>>, vector<1x16xf32>,
      %get3A_281 = arith.index_cast %add3A_256 : i32 to index
      %get3A_282 = arith.constant 32 : index
      %get3A_283 = tpu.vector_load %arg11[%get3A_281, %get3A_282] {strides = array<i32>} : memref<256x64xf32, #tpu.memory_space<vmem>>, vector<1x16xf32>,
      %get3A_284 = vector.shape_cast %get3A_283 : vector<1x16xf32> to vector<16xf32>
      %mul3A_285 = arith.constant 8.000000e+00 : f32
      %mul3A_286 = vector.broadcast %mul3A_285 : f32 to vector<16xf32>
      %mul3A_287 = arith.mulf %get3A_284, %mul3A_286 : vector<16xf32>
      %swap3A_288 = arith.index_cast %add3A_256 : i32 to index
      %swap3A_289 = arith.constant 32 : index
      %swap3A_290 = tpu.vector_load %arg11[%swap3A_288, %swap3A_289] {strides = array<i32>} : memref<256x64xf32, #tpu.memory_space<vmem>>, vector<1x16xf32>,
      %swap3A_291 = vector.shape_cast %swap3A_290 : vector<1x16xf32> to vector<16xf32>
      %swap3A_292 = vector.shape_cast %mul3A_287 : vector<16xf32> to vector<1x16xf32>
      tpu.vector_store %arg11[%swap3A_288, %swap3A_289], %swap3A_292 {strides = array<i32>} : memref<256x64xf32, #tpu.memory_space<vmem>>, vector<1x16xf32>,
      %get3A_293 = arith.index_cast %add3A_256 : i32 to index
      %get3A_294 = arith.constant 48 : index
      %get3A_295 = tpu.vector_load %arg11[%get3A_293, %get3A_294] {strides = array<i32>} : memref<256x64xf32, #tpu.memory_space<vmem>>, vector<1x16xf32>,
      %get3A_296 = vector.shape_cast %get3A_295 : vector<1x16xf32> to vector<16xf32>
      %mul3A_297 = arith.constant 8.000000e+00 : f32
      %mul3A_298 = vector.broadcast %mul3A_297 : f32 to vector<16xf32>
      %mul3A_299 = arith.mulf %get3A_296, %mul3A_298 : vector<16xf32>
      %swap3A_300 = arith.index_cast %add3A_256 : i32 to index
      %swap3A_301 = arith.constant 48 : index
      %swap3A_302 = tpu.vector_load %arg11[%swap3A_300, %swap3A_301] {strides = array<i32>} : memref<256x64xf32, #tpu.memory_space<vmem>>, vector<1x16xf32>,
      %swap3A_303 = vector.shape_cast %swap3A_302 : vector<1x16xf32> to vector<16xf32>
      %swap3A_304 = vector.shape_cast %mul3A_299 : vector<16xf32> to vector<1x16xf32>
      tpu.vector_store %arg11[%swap3A_300, %swap3A_301], %swap3A_304 {strides = array<i32>} : memref<256x64xf32, #tpu.memory_space<vmem>>, vector<1x16xf32>,
      %mul3A_305 = arith.constant 4 : i32
      %mul3A_306 = arith.muli %scan3A_150, %mul3A_305 : i32
      %add3A_307 = arith.constant 3 : i32
      %add3A_308 = arith.addi %mul3A_306, %add3A_307 : i32
      %get3A_309 = arith.index_cast %add3A_308 : i32 to index
      %get3A_310 = arith.constant 0 : index
      %get3A_311 = tpu.vector_load %arg11[%get3A_309, %get3A_310] {strides = array<i32>} : memref<256x64xf32, #tpu.memory_space<vmem>>, vector<1x16xf32>,
      %get3A_312 = vector.shape_cast %get3A_311 : vector<1x16xf32> to vector<16xf32>
      %mul3A_313 = arith.constant 8.000000e+00 : f32
      %mul3A_314 = vector.broadcast %mul3A_313 : f32 to vector<16xf32>
      %mul3A_315 = arith.mulf %get3A_312, %mul3A_314 : vector<16xf32>
      %swap3A_316 = arith.index_cast %add3A_308 : i32 to index
      %swap3A_317 = arith.constant 0 : index
      %swap3A_318 = tpu.vector_load %arg11[%swap3A_316, %swap3A_317] {strides = array<i32>} : memref<256x64xf32, #tpu.memory_space<vmem>>, vector<1x16xf32>,
      %swap3A_319 = vector.shape_cast %swap3A_318 : vector<1x16xf32> to vector<16xf32>
      %swap3A_320 = vector.shape_cast %mul3A_315 : vector<16xf32> to vector<1x16xf32>
      tpu.vector_store %arg11[%swap3A_316, %swap3A_317], %swap3A_320 {strides = array<i32>} : memref<256x64xf32, #tpu.memory_space<vmem>>, vector<1x16xf32>,
      %get3A_321 = arith.index_cast %add3A_308 : i32 to index
      %get3A_322 = arith.constant 16 : index
      %get3A_323 = tpu.vector_load %arg11[%get3A_321, %get3A_322] {strides = array<i32>} : memref<256x64xf32, #tpu.memory_space<vmem>>, vector<1x16xf32>,
      %get3A_324 = vector.shape_cast %get3A_323 : vector<1x16xf32> to vector<16xf32>
      %mul3A_325 = arith.constant 8.000000e+00 : f32
      %mul3A_326 = vector.broadcast %mul3A_325 : f32 to vector<16xf32>
      %mul3A_327 = arith.mulf %get3A_324, %mul3A_326 : vector<16xf32>
      %swap3A_328 = arith.index_cast %add3A_308 : i32 to index
      %swap3A_329 = arith.constant 16 : index
      %swap3A_330 = tpu.vector_load %arg11[%swap3A_328, %swap3A_329] {strides = array<i32>} : memref<256x64xf32, #tpu.memory_space<vmem>>, vector<1x16xf32>,
      %swap3A_331 = vector.shape_cast %swap3A_330 : vector<1x16xf32> to vector<16xf32>
      %swap3A_332 = vector.shape_cast %mul3A_327 : vector<16xf32> to vector<1x16xf32>
      tpu.vector_store %arg11[%swap3A_328, %swap3A_329], %swap3A_332 {strides = array<i32>} : memref<256x64xf32, #tpu.memory_space<vmem>>, vector<1x16xf32>,
      %get3A_333 = arith.index_cast %add3A_308 : i32 to index
      %get3A_334 = arith.constant 32 : index
      %get3A_335 = tpu.vector_load %arg11[%get3A_333, %get3A_334] {strides = array<i32>} : memref<256x64xf32, #tpu.memory_space<vmem>>, vector<1x16xf32>,
      %get3A_336 = vector.shape_cast %get3A_335 : vector<1x16xf32> to vector<16xf32>
      %mul3A_337 = arith.constant 8.000000e+00 : f32
      %mul3A_338 = vector.broadcast %mul3A_337 : f32 to vector<16xf32>
      %mul3A_339 = arith.mulf %get3A_336, %mul3A_338 : vector<16xf32>
      %swap3A_340 = arith.index_cast %add3A_308 : i32 to index
      %swap3A_341 = arith.constant 32 : index
      %swap3A_342 = tpu.vector_load %arg11[%swap3A_340, %swap3A_341] {strides = array<i32>} : memref<256x64xf32, #tpu.memory_space<vmem>>, vector<1x16xf32>,
      %swap3A_343 = vector.shape_cast %swap3A_342 : vector<1x16xf32> to vector<16xf32>
      %swap3A_344 = vector.shape_cast %mul3A_339 : vector<16xf32> to vector<1x16xf32>
      tpu.vector_store %arg11[%swap3A_340, %swap3A_341], %swap3A_344 {strides = array<i32>} : memref<256x64xf32, #tpu.memory_space<vmem>>, vector<1x16xf32>,
      %get3A_345 = arith.index_cast %add3A_308 : i32 to index
      %get3A_346 = arith.constant 48 : index
      %get3A_347 = tpu.vector_load %arg11[%get3A_345, %get3A_346] {strides = array<i32>} : memref<256x64xf32, #tpu.memory_space<vmem>>, vector<1x16xf32>,
      %get3A_348 = vector.shape_cast %get3A_347 : vector<1x16xf32> to vector<16xf32>
      %mul3A_349 = arith.constant 8.000000e+00 : f32
      %mul3A_350 = vector.broadcast %mul3A_349 : f32 to vector<16xf32>
      %mul3A_351 = arith.mulf %get3A_348, %mul3A_350 : vector<16xf32>
      %swap3A_352 = arith.index_cast %add3A_308 : i32 to index
      %swap3A_353 = arith.constant 48 : index
      %swap3A_354 = tpu.vector_load %arg11[%swap3A_352, %swap3A_353] {strides = array<i32>} : memref<256x64xf32, #tpu.memory_space<vmem>>, vector<1x16xf32>,
      %swap3A_355 = vector.shape_cast %swap3A_354 : vector<1x16xf32> to vector<16xf32>
      %swap3A_356 = vector.shape_cast %mul3A_351 : vector<16xf32> to vector<1x16xf32>
      tpu.vector_store %arg11[%swap3A_352, %swap3A_353], %swap3A_356 {strides = array<i32>} : memref<256x64xf32, #tpu.memory_space<vmem>>, vector<1x16xf32>,
    }
    %scan3A_90 = arith.constant 64 : i32
    %dma_start3A_91 = arith.constant 25088 : i32
    %dma_start3A_92 = tpu.memref_slice %arg8[%dma_start3A_91] : memref<25600xi32, #tpu.memory_space<vmem>> -> memref<256xi32, #tpu.memory_space<vmem>>
    %dma_start3A_93 = arith.constant 0 : i32
    %dma_start3A_94 = arith.constant 0 : i32
    %dma_start3A_95 = tpu.memref_slice %arg3[%dma_start3A_93, %dma_start3A_94] : memref<6400x64xf32, #tpu.memory_space<hbm>> -> memref<6400x64xf32, #tpu.memory_space<hbm>>
    tpu.enqueue_indirect_dma source(%dma_start3A_95 : memref<6400x64xf32, #tpu.memory_space<hbm>>) target(%arg11 : memref<256x64xf32, #tpu.memory_space<vmem>>) offsets(%dma_start3A_92 : memref<256xi32, #tpu.memory_space<vmem>>) semaphore(%arg20 : memref<!tpu.dma_semaphore, #tpu.memory_space<semaphore_mem>>) {add = true}
    %dma_wait3A_96 = arith.constant 0 : i32
    %dma_wait3A_97 = tpu.memref_slice %arg8[%dma_wait3A_96] : memref<25600xi32, #tpu.memory_space<vmem>> -> memref<256xi32, #tpu.memory_space<vmem>>
    %dma_wait3A_98 = arith.constant 0 : i32
    %dma_wait3A_99 = arith.constant 0 : i32
    %dma_wait3A_100 = tpu.memref_slice %arg3[%dma_wait3A_98, %dma_wait3A_99] : memref<6400x64xf32, #tpu.memory_space<hbm>> -> memref<6400x64xf32, #tpu.memory_space<hbm>>
    tpu.wait_indirect_dma semaphore(%arg20 : memref<!tpu.dma_semaphore, #tpu.memory_space<semaphore_mem>>) src(%dma_wait3A_100 : memref<6400x64xf32, #tpu.memory_space<hbm>>) dst(%arg11 : memref<256x64xf32, #tpu.memory_space<vmem>>)
    %add3A_101 = arith.constant 25088 : i32
    %add3A_102 = arith.addi %mul3A_2, %add3A_101 : i32
    %dma_start3A_103 = arith.constant 0 : i32
    %dma_start3A_104 = tpu.memref_slice %arg6[%add3A_102, %dma_start3A_103] : memref<819200x128xf32, #tpu.memory_space<hbm>> -> memref<256x64xf32, #tpu.memory_space<hbm>>
    %dma_start3A_105 = arith.constant 0 : i32
    %dma_start3A_106 = tpu.memref_slice %arg6[%add3A_102, %dma_start3A_105] : memref<819200x128xf32, #tpu.memory_space<hbm>> -> memref<256x64xf32, #tpu.memory_space<hbm>>
    tpu.enqueue_dma source(%arg11 : memref<256x64xf32, #tpu.memory_space<vmem>>) target(%dma_start3A_106 : memref<256x64xf32, #tpu.memory_space<hbm>>) target_semaphore(%arg21 : memref<!tpu.dma_semaphore, #tpu.memory_space<semaphore_mem>>)
    %dma_wait3A_107 = arith.constant 0 : i32
    %dma_wait3A_108 = tpu.memref_slice %arg7[%dma_wait3A_107] : memref<25600xi32, #tpu.memory_space<vmem>> -> memref<256xi32, #tpu.memory_space<vmem>>
    %dma_wait3A_109 = arith.constant 0 : i32
    %dma_wait3A_110 = arith.constant 0 : i32
    %dma_wait3A_111 = tpu.memref_slice %arg2[%dma_wait3A_109, %dma_wait3A_110] : memref<1000000x64xf32, #tpu.memory_space<hbm>> -> memref<1000000x64xf32, #tpu.memory_space<hbm>>
    tpu.wait_indirect_dma semaphore(%arg22 : memref<!tpu.dma_semaphore, #tpu.memory_space<semaphore_mem>>) src(%dma_wait3A_111 : memref<1000000x64xf32, #tpu.memory_space<hbm>>) dst(%arg12 : memref<256x64xf32, #tpu.memory_space<vmem>>)
    %scan3A_112 = arith.constant 0 : i32
    %scan3A_113 = arith.constant 0 : i32
    %scan3A_114 = arith.constant 64 : i32
    %scan3A_115 = arith.addi %scan3A_113, %scan3A_114 : i32
    %scan3A_116 = arith.constant 1 : i32
    scf.for %scan3A_150 = %scan3A_113 to %scan3A_115 step %scan3A_116  : i32 {
      %mul3A_151 = arith.constant 4 : i32
      %mul3A_152 = arith.muli %scan3A_150, %mul3A_151 : i32
      %add3A_153 = arith.constant 0 : i32
      %add3A_154 = arith.addi %mul3A_152, %add3A_153 : i32
      %get3A = arith.index_cast %add3A_154 : i32 to index
      %get3A_155 = arith.constant 0 : index
      %get3A_156 = tpu.vector_load %arg12[%get3A, %get3A_155] {strides = array<i32>} : memref<256x64xf32, #tpu.memory_space<vmem>>, vector<1x16xf32>,
      %get3A_157 = vector.shape_cast %get3A_156 : vector<1x16xf32> to vector<16xf32>
      %mul3A_158 = arith.constant 8.000000e+00 : f32
      %mul3A_159 = vector.broadcast %mul3A_158 : f32 to vector<16xf32>
      %mul3A_160 = arith.mulf %get3A_157, %mul3A_159 : vector<16xf32>
      %swap3A = arith.index_cast %add3A_154 : i32 to index
      %swap3A_161 = arith.constant 0 : index
      %swap3A_162 = tpu.vector_load %arg12[%swap3A, %swap3A_161] {strides = array<i32>} : memref<256x64xf32, #tpu.memory_space<vmem>>, vector<1x16xf32>,
      %swap3A_163 = vector.shape_cast %swap3A_162 : vector<1x16xf32> to vector<16xf32>
      %swap3A_164 = vector.shape_cast %mul3A_160 : vector<16xf32> to vector<1x16xf32>
      tpu.vector_store %arg12[%swap3A, %swap3A_161], %swap3A_164 {strides = array<i32>} : memref<256x64xf32, #tpu.memory_space<vmem>>, vector<1x16xf32>,
      %get3A_165 = arith.index_cast %add3A_154 : i32 to index
      %get3A_166 = arith.constant 16 : index
      %get3A_167 = tpu.vector_load %arg12[%get3A_165, %get3A_166] {strides = array<i32>} : memref<256x64xf32, #tpu.memory_space<vmem>>, vector<1x16xf32>,
      %get3A_168 = vector.shape_cast %get3A_167 : vector<1x16xf32> to vector<16xf32>
      %mul3A_169 = arith.constant 8.000000e+00 : f32
      %mul3A_170 = vector.broadcast %mul3A_169 : f32 to vector<16xf32>
      %mul3A_171 = arith.mulf %get3A_168, %mul3A_170 : vector<16xf32>
      %swap3A_172 = arith.index_cast %add3A_154 : i32 to index
      %swap3A_173 = arith.constant 16 : index
      %swap3A_174 = tpu.vector_load %arg12[%swap3A_172, %swap3A_173] {strides = array<i32>} : memref<256x64xf32, #tpu.memory_space<vmem>>, vector<1x16xf32>,
      %swap3A_175 = vector.shape_cast %swap3A_174 : vector<1x16xf32> to vector<16xf32>
      %swap3A_176 = vector.shape_cast %mul3A_171 : vector<16xf32> to vector<1x16xf32>
      tpu.vector_store %arg12[%swap3A_172, %swap3A_173], %swap3A_176 {strides = array<i32>} : memref<256x64xf32, #tpu.memory_space<vmem>>, vector<1x16xf32>,
      %get3A_177 = arith.index_cast %add3A_154 : i32 to index
      %get3A_178 = arith.constant 32 : index
      %get3A_179 = tpu.vector_load %arg12[%get3A_177, %get3A_178] {strides = array<i32>} : memref<256x64xf32, #tpu.memory_space<vmem>>, vector<1x16xf32>,
      %get3A_180 = vector.shape_cast %get3A_179 : vector<1x16xf32> to vector<16xf32>
      %mul3A_181 = arith.constant 8.000000e+00 : f32
      %mul3A_182 = vector.broadcast %mul3A_181 : f32 to vector<16xf32>
      %mul3A_183 = arith.mulf %get3A_180, %mul3A_182 : vector<16xf32>
      %swap3A_184 = arith.index_cast %add3A_154 : i32 to index
      %swap3A_185 = arith.constant 32 : index
      %swap3A_186 = tpu.vector_load %arg12[%swap3A_184, %swap3A_185] {strides = array<i32>} : memref<256x64xf32, #tpu.memory_space<vmem>>, vector<1x16xf32>,
      %swap3A_187 = vector.shape_cast %swap3A_186 : vector<1x16xf32> to vector<16xf32>
      %swap3A_188 = vector.shape_cast %mul3A_183 : vector<16xf32> to vector<1x16xf32>
      tpu.vector_store %arg12[%swap3A_184, %swap3A_185], %swap3A_188 {strides = array<i32>} : memref<256x64xf32, #tpu.memory_space<vmem>>, vector<1x16xf32>,
      %get3A_189 = arith.index_cast %add3A_154 : i32 to index
      %get3A_190 = arith.constant 48 : index
      %get3A_191 = tpu.vector_load %arg12[%get3A_189, %get3A_190] {strides = array<i32>} : memref<256x64xf32, #tpu.memory_space<vmem>>, vector<1x16xf32>,
      %get3A_192 = vector.shape_cast %get3A_191 : vector<1x16xf32> to vector<16xf32>
      %mul3A_193 = arith.constant 8.000000e+00 : f32
      %mul3A_194 = vector.broadcast %mul3A_193 : f32 to vector<16xf32>
      %mul3A_195 = arith.mulf %get3A_192, %mul3A_194 : vector<16xf32>
      %swap3A_196 = arith.index_cast %add3A_154 : i32 to index
      %swap3A_197 = arith.constant 48 : index
      %swap3A_198 = tpu.vector_load %arg12[%swap3A_196, %swap3A_197] {strides = array<i32>} : memref<256x64xf32, #tpu.memory_space<vmem>>, vector<1x16xf32>,
      %swap3A_199 = vector.shape_cast %swap3A_198 : vector<1x16xf32> to vector<16xf32>
      %swap3A_200 = vector.shape_cast %mul3A_195 : vector<16xf32> to vector<1x16xf32>
      tpu.vector_store %arg12[%swap3A_196, %swap3A_197], %swap3A_200 {strides = array<i32>} : memref<256x64xf32, #tpu.memory_space<vmem>>, vector<1x16xf32>,
      %mul3A_201 = arith.constant 4 : i32
      %mul3A_202 = arith.muli %scan3A_150, %mul3A_201 : i32
      %add3A_203 = arith.constant 1 : i32
      %add3A_204 = arith.addi %mul3A_202, %add3A_203 : i32
      %get3A_205 = arith.index_cast %add3A_204 : i32 to index
      %get3A_206 = arith.constant 0 : index
      %get3A_207 = tpu.vector_load %arg12[%get3A_205, %get3A_206] {strides = array<i32>} : memref<256x64xf32, #tpu.memory_space<vmem>>, vector<1x16xf32>,
      %get3A_208 = vector.shape_cast %get3A_207 : vector<1x16xf32> to vector<16xf32>
      %mul3A_209 = arith.constant 8.000000e+00 : f32
      %mul3A_210 = vector.broadcast %mul3A_209 : f32 to vector<16xf32>
      %mul3A_211 = arith.mulf %get3A_208, %mul3A_210 : vector<16xf32>
      %swap3A_212 = arith.index_cast %add3A_204 : i32 to index
      %swap3A_213 = arith.constant 0 : index
      %swap3A_214 = tpu.vector_load %arg12[%swap3A_212, %swap3A_213] {strides = array<i32>} : memref<256x64xf32, #tpu.memory_space<vmem>>, vector<1x16xf32>,
      %swap3A_215 = vector.shape_cast %swap3A_214 : vector<1x16xf32> to vector<16xf32>
      %swap3A_216 = vector.shape_cast %mul3A_211 : vector<16xf32> to vector<1x16xf32>
      tpu.vector_store %arg12[%swap3A_212, %swap3A_213], %swap3A_216 {strides = array<i32>} : memref<256x64xf32, #tpu.memory_space<vmem>>, vector<1x16xf32>,
      %get3A_217 = arith.index_cast %add3A_204 : i32 to index
      %get3A_218 = arith.constant 16 : index
      %get3A_219 = tpu.vector_load %arg12[%get3A_217, %get3A_218] {strides = array<i32>} : memref<256x64xf32, #tpu.memory_space<vmem>>, vector<1x16xf32>,
      %get3A_220 = vector.shape_cast %get3A_219 : vector<1x16xf32> to vector<16xf32>
      %mul3A_221 = arith.constant 8.000000e+00 : f32
      %mul3A_222 = vector.broadcast %mul3A_221 : f32 to vector<16xf32>
      %mul3A_223 = arith.mulf %get3A_220, %mul3A_222 : vector<16xf32>
      %swap3A_224 = arith.index_cast %add3A_204 : i32 to index
      %swap3A_225 = arith.constant 16 : index
      %swap3A_226 = tpu.vector_load %arg12[%swap3A_224, %swap3A_225] {strides = array<i32>} : memref<256x64xf32, #tpu.memory_space<vmem>>, vector<1x16xf32>,
      %swap3A_227 = vector.shape_cast %swap3A_226 : vector<1x16xf32> to vector<16xf32>
      %swap3A_228 = vector.shape_cast %mul3A_223 : vector<16xf32> to vector<1x16xf32>
      tpu.vector_store %arg12[%swap3A_224, %swap3A_225], %swap3A_228 {strides = array<i32>} : memref<256x64xf32, #tpu.memory_space<vmem>>, vector<1x16xf32>,
      %get3A_229 = arith.index_cast %add3A_204 : i32 to index
      %get3A_230 = arith.constant 32 : index
      %get3A_231 = tpu.vector_load %arg12[%get3A_229, %get3A_230] {strides = array<i32>} : memref<256x64xf32, #tpu.memory_space<vmem>>, vector<1x16xf32>,
      %get3A_232 = vector.shape_cast %get3A_231 : vector<1x16xf32> to vector<16xf32>
      %mul3A_233 = arith.constant 8.000000e+00 : f32
      %mul3A_234 = vector.broadcast %mul3A_233 : f32 to vector<16xf32>
      %mul3A_235 = arith.mulf %get3A_232, %mul3A_234 : vector<16xf32>
      %swap3A_236 = arith.index_cast %add3A_204 : i32 to index
      %swap3A_237 = arith.constant 32 : index
      %swap3A_238 = tpu.vector_load %arg12[%swap3A_236, %swap3A_237] {strides = array<i32>} : memref<256x64xf32, #tpu.memory_space<vmem>>, vector<1x16xf32>,
      %swap3A_239 = vector.shape_cast %swap3A_238 : vector<1x16xf32> to vector<16xf32>
      %swap3A_240 = vector.shape_cast %mul3A_235 : vector<16xf32> to vector<1x16xf32>
      tpu.vector_store %arg12[%swap3A_236, %swap3A_237], %swap3A_240 {strides = array<i32>} : memref<256x64xf32, #tpu.memory_space<vmem>>, vector<1x16xf32>,
      %get3A_241 = arith.index_cast %add3A_204 : i32 to index
      %get3A_242 = arith.constant 48 : index
      %get3A_243 = tpu.vector_load %arg12[%get3A_241, %get3A_242] {strides = array<i32>} : memref<256x64xf32, #tpu.memory_space<vmem>>, vector<1x16xf32>,
      %get3A_244 = vector.shape_cast %get3A_243 : vector<1x16xf32> to vector<16xf32>
      %mul3A_245 = arith.constant 8.000000e+00 : f32
      %mul3A_246 = vector.broadcast %mul3A_245 : f32 to vector<16xf32>
      %mul3A_247 = arith.mulf %get3A_244, %mul3A_246 : vector<16xf32>
      %swap3A_248 = arith.index_cast %add3A_204 : i32 to index
      %swap3A_249 = arith.constant 48 : index
      %swap3A_250 = tpu.vector_load %arg12[%swap3A_248, %swap3A_249] {strides = array<i32>} : memref<256x64xf32, #tpu.memory_space<vmem>>, vector<1x16xf32>,
      %swap3A_251 = vector.shape_cast %swap3A_250 : vector<1x16xf32> to vector<16xf32>
      %swap3A_252 = vector.shape_cast %mul3A_247 : vector<16xf32> to vector<1x16xf32>
      tpu.vector_store %arg12[%swap3A_248, %swap3A_249], %swap3A_252 {strides = array<i32>} : memref<256x64xf32, #tpu.memory_space<vmem>>, vector<1x16xf32>,
      %mul3A_253 = arith.constant 4 : i32
      %mul3A_254 = arith.muli %scan3A_150, %mul3A_253 : i32
      %add3A_255 = arith.constant 2 : i32
      %add3A_256 = arith.addi %mul3A_254, %add3A_255 : i32
      %get3A_257 = arith.index_cast %add3A_256 : i32 to index
      %get3A_258 = arith.constant 0 : index
      %get3A_259 = tpu.vector_load %arg12[%get3A_257, %get3A_258] {strides = array<i32>} : memref<256x64xf32, #tpu.memory_space<vmem>>, vector<1x16xf32>,
      %get3A_260 = vector.shape_cast %get3A_259 : vector<1x16xf32> to vector<16xf32>
      %mul3A_261 = arith.constant 8.000000e+00 : f32
      %mul3A_262 = vector.broadcast %mul3A_261 : f32 to vector<16xf32>
      %mul3A_263 = arith.mulf %get3A_260, %mul3A_262 : vector<16xf32>
      %swap3A_264 = arith.index_cast %add3A_256 : i32 to index
      %swap3A_265 = arith.constant 0 : index
      %swap3A_266 = tpu.vector_load %arg12[%swap3A_264, %swap3A_265] {strides = array<i32>} : memref<256x64xf32, #tpu.memory_space<vmem>>, vector<1x16xf32>,
      %swap3A_267 = vector.shape_cast %swap3A_266 : vector<1x16xf32> to vector<16xf32>
      %swap3A_268 = vector.shape_cast %mul3A_263 : vector<16xf32> to vector<1x16xf32>
      tpu.vector_store %arg12[%swap3A_264, %swap3A_265], %swap3A_268 {strides = array<i32>} : memref<256x64xf32, #tpu.memory_space<vmem>>, vector<1x16xf32>,
      %get3A_269 = arith.index_cast %add3A_256 : i32 to index
      %get3A_270 = arith.constant 16 : index
      %get3A_271 = tpu.vector_load %arg12[%get3A_269, %get3A_270] {strides = array<i32>} : memref<256x64xf32, #tpu.memory_space<vmem>>, vector<1x16xf32>,
      %get3A_272 = vector.shape_cast %get3A_271 : vector<1x16xf32> to vector<16xf32>
      %mul3A_273 = arith.constant 8.000000e+00 : f32
      %mul3A_274 = vector.broadcast %mul3A_273 : f32 to vector<16xf32>
      %mul3A_275 = arith.mulf %get3A_272, %mul3A_274 : vector<16xf32>
      %swap3A_276 = arith.index_cast %add3A_256 : i32 to index
      %swap3A_277 = arith.constant 16 : index
      %swap3A_278 = tpu.vector_load %arg12[%swap3A_276, %swap3A_277] {strides = array<i32>} : memref<256x64xf32, #tpu.memory_space<vmem>>, vector<1x16xf32>,
      %swap3A_279 = vector.shape_cast %swap3A_278 : vector<1x16xf32> to vector<16xf32>
      %swap3A_280 = vector.shape_cast %mul3A_275 : vector<16xf32> to vector<1x16xf32>
      tpu.vector_store %arg12[%swap3A_276, %swap3A_277], %swap3A_280 {strides = array<i32>} : memref<256x64xf32, #tpu.memory_space<vmem>>, vector<1x16xf32>,
      %get3A_281 = arith.index_cast %add3A_256 : i32 to index
      %get3A_282 = arith.constant 32 : index
      %get3A_283 = tpu.vector_load %arg12[%get3A_281, %get3A_282] {strides = array<i32>} : memref<256x64xf32, #tpu.memory_space<vmem>>, vector<1x16xf32>,
      %get3A_284 = vector.shape_cast %get3A_283 : vector<1x16xf32> to vector<16xf32>
      %mul3A_285 = arith.constant 8.000000e+00 : f32
      %mul3A_286 = vector.broadcast %mul3A_285 : f32 to vector<16xf32>
      %mul3A_287 = arith.mulf %get3A_284, %mul3A_286 : vector<16xf32>
      %swap3A_288 = arith.index_cast %add3A_256 : i32 to index
      %swap3A_289 = arith.constant 32 : index
      %swap3A_290 = tpu.vector_load %arg12[%swap3A_288, %swap3A_289] {strides = array<i32>} : memref<256x64xf32, #tpu.memory_space<vmem>>, vector<1x16xf32>,
      %swap3A_291 = vector.shape_cast %swap3A_290 : vector<1x16xf32> to vector<16xf32>
      %swap3A_292 = vector.shape_cast %mul3A_287 : vector<16xf32> to vector<1x16xf32>
      tpu.vector_store %arg12[%swap3A_288, %swap3A_289], %swap3A_292 {strides = array<i32>} : memref<256x64xf32, #tpu.memory_space<vmem>>, vector<1x16xf32>,
      %get3A_293 = arith.index_cast %add3A_256 : i32 to index
      %get3A_294 = arith.constant 48 : index
      %get3A_295 = tpu.vector_load %arg12[%get3A_293, %get3A_294] {strides = array<i32>} : memref<256x64xf32, #tpu.memory_space<vmem>>, vector<1x16xf32>,
      %get3A_296 = vector.shape_cast %get3A_295 : vector<1x16xf32> to vector<16xf32>
      %mul3A_297 = arith.constant 8.000000e+00 : f32
      %mul3A_298 = vector.broadcast %mul3A_297 : f32 to vector<16xf32>
      %mul3A_299 = arith.mulf %get3A_296, %mul3A_298 : vector<16xf32>
      %swap3A_300 = arith.index_cast %add3A_256 : i32 to index
      %swap3A_301 = arith.constant 48 : index
      %swap3A_302 = tpu.vector_load %arg12[%swap3A_300, %swap3A_301] {strides = array<i32>} : memref<256x64xf32, #tpu.memory_space<vmem>>, vector<1x16xf32>,
      %swap3A_303 = vector.shape_cast %swap3A_302 : vector<1x16xf32> to vector<16xf32>
      %swap3A_304 = vector.shape_cast %mul3A_299 : vector<16xf32> to vector<1x16xf32>
      tpu.vector_store %arg12[%swap3A_300, %swap3A_301], %swap3A_304 {strides = array<i32>} : memref<256x64xf32, #tpu.memory_space<vmem>>, vector<1x16xf32>,
      %mul3A_305 = arith.constant 4 : i32
      %mul3A_306 = arith.muli %scan3A_150, %mul3A_305 : i32
      %add3A_307 = arith.constant 3 : i32
      %add3A_308 = arith.addi %mul3A_306, %add3A_307 : i32
      %get3A_309 = arith.index_cast %add3A_308 : i32 to index
      %get3A_310 = arith.constant 0 : index
      %get3A_311 = tpu.vector_load %arg12[%get3A_309, %get3A_310] {strides = array<i32>} : memref<256x64xf32, #tpu.memory_space<vmem>>, vector<1x16xf32>,
      %get3A_312 = vector.shape_cast %get3A_311 : vector<1x16xf32> to vector<16xf32>
      %mul3A_313 = arith.constant 8.000000e+00 : f32
      %mul3A_314 = vector.broadcast %mul3A_313 : f32 to vector<16xf32>
      %mul3A_315 = arith.mulf %get3A_312, %mul3A_314 : vector<16xf32>
      %swap3A_316 = arith.index_cast %add3A_308 : i32 to index
      %swap3A_317 = arith.constant 0 : index
      %swap3A_318 = tpu.vector_load %arg12[%swap3A_316, %swap3A_317] {strides = array<i32>} : memref<256x64xf32, #tpu.memory_space<vmem>>, vector<1x16xf32>,
      %swap3A_319 = vector.shape_cast %swap3A_318 : vector<1x16xf32> to vector<16xf32>
      %swap3A_320 = vector.shape_cast %mul3A_315 : vector<16xf32> to vector<1x16xf32>
      tpu.vector_store %arg12[%swap3A_316, %swap3A_317], %swap3A_320 {strides = array<i32>} : memref<256x64xf32, #tpu.memory_space<vmem>>, vector<1x16xf32>,
      %get3A_321 = arith.index_cast %add3A_308 : i32 to index
      %get3A_322 = arith.constant 16 : index
      %get3A_323 = tpu.vector_load %arg12[%get3A_321, %get3A_322] {strides = array<i32>} : memref<256x64xf32, #tpu.memory_space<vmem>>, vector<1x16xf32>,
      %get3A_324 = vector.shape_cast %get3A_323 : vector<1x16xf32> to vector<16xf32>
      %mul3A_325 = arith.constant 8.000000e+00 : f32
      %mul3A_326 = vector.broadcast %mul3A_325 : f32 to vector<16xf32>
      %mul3A_327 = arith.mulf %get3A_324, %mul3A_326 : vector<16xf32>
      %swap3A_328 = arith.index_cast %add3A_308 : i32 to index
      %swap3A_329 = arith.constant 16 : index
      %swap3A_330 = tpu.vector_load %arg12[%swap3A_328, %swap3A_329] {strides = array<i32>} : memref<256x64xf32, #tpu.memory_space<vmem>>, vector<1x16xf32>,
      %swap3A_331 = vector.shape_cast %swap3A_330 : vector<1x16xf32> to vector<16xf32>
      %swap3A_332 = vector.shape_cast %mul3A_327 : vector<16xf32> to vector<1x16xf32>
      tpu.vector_store %arg12[%swap3A_328, %swap3A_329], %swap3A_332 {strides = array<i32>} : memref<256x64xf32, #tpu.memory_space<vmem>>, vector<1x16xf32>,
      %get3A_333 = arith.index_cast %add3A_308 : i32 to index
      %get3A_334 = arith.constant 32 : index
      %get3A_335 = tpu.vector_load %arg12[%get3A_333, %get3A_334] {strides = array<i32>} : memref<256x64xf32, #tpu.memory_space<vmem>>, vector<1x16xf32>,
      %get3A_336 = vector.shape_cast %get3A_335 : vector<1x16xf32> to vector<16xf32>
      %mul3A_337 = arith.constant 8.000000e+00 : f32
      %mul3A_338 = vector.broadcast %mul3A_337 : f32 to vector<16xf32>
      %mul3A_339 = arith.mulf %get3A_336, %mul3A_338 : vector<16xf32>
      %swap3A_340 = arith.index_cast %add3A_308 : i32 to index
      %swap3A_341 = arith.constant 32 : index
      %swap3A_342 = tpu.vector_load %arg12[%swap3A_340, %swap3A_341] {strides = array<i32>} : memref<256x64xf32, #tpu.memory_space<vmem>>, vector<1x16xf32>,
      %swap3A_343 = vector.shape_cast %swap3A_342 : vector<1x16xf32> to vector<16xf32>
      %swap3A_344 = vector.shape_cast %mul3A_339 : vector<16xf32> to vector<1x16xf32>
      tpu.vector_store %arg12[%swap3A_340, %swap3A_341], %swap3A_344 {strides = array<i32>} : memref<256x64xf32, #tpu.memory_space<vmem>>, vector<1x16xf32>,
      %get3A_345 = arith.index_cast %add3A_308 : i32 to index
      %get3A_346 = arith.constant 48 : index
      %get3A_347 = tpu.vector_load %arg12[%get3A_345, %get3A_346] {strides = array<i32>} : memref<256x64xf32, #tpu.memory_space<vmem>>, vector<1x16xf32>,
      %get3A_348 = vector.shape_cast %get3A_347 : vector<1x16xf32> to vector<16xf32>
      %mul3A_349 = arith.constant 8.000000e+00 : f32
      %mul3A_350 = vector.broadcast %mul3A_349 : f32 to vector<16xf32>
      %mul3A_351 = arith.mulf %get3A_348, %mul3A_350 : vector<16xf32>
      %swap3A_352 = arith.index_cast %add3A_308 : i32 to index
      %swap3A_353 = arith.constant 48 : index
      %swap3A_354 = tpu.vector_load %arg12[%swap3A_352, %swap3A_353] {strides = array<i32>} : memref<256x64xf32, #tpu.memory_space<vmem>>, vector<1x16xf32>,
      %swap3A_355 = vector.shape_cast %swap3A_354 : vector<1x16xf32> to vector<16xf32>
      %swap3A_356 = vector.shape_cast %mul3A_351 : vector<16xf32> to vector<1x16xf32>
      tpu.vector_store %arg12[%swap3A_352, %swap3A_353], %swap3A_356 {strides = array<i32>} : memref<256x64xf32, #tpu.memory_space<vmem>>, vector<1x16xf32>,
    }
    %scan3A_117 = arith.constant 64 : i32
    %dma_start3A_118 = arith.constant 25344 : i32
    %dma_start3A_119 = tpu.memref_slice %arg8[%dma_start3A_118] : memref<25600xi32, #tpu.memory_space<vmem>> -> memref<256xi32, #tpu.memory_space<vmem>>
    %dma_start3A_120 = arith.constant 0 : i32
    %dma_start3A_121 = arith.constant 0 : i32
    %dma_start3A_122 = tpu.memref_slice %arg3[%dma_start3A_120, %dma_start3A_121] : memref<6400x64xf32, #tpu.memory_space<hbm>> -> memref<6400x64xf32, #tpu.memory_space<hbm>>
    tpu.enqueue_indirect_dma source(%dma_start3A_122 : memref<6400x64xf32, #tpu.memory_space<hbm>>) target(%arg12 : memref<256x64xf32, #tpu.memory_space<vmem>>) offsets(%dma_start3A_119 : memref<256xi32, #tpu.memory_space<vmem>>) semaphore(%arg23 : memref<!tpu.dma_semaphore, #tpu.memory_space<semaphore_mem>>) {add = true}
    %dma_wait3A_123 = arith.constant 0 : i32
    %dma_wait3A_124 = tpu.memref_slice %arg8[%dma_wait3A_123] : memref<25600xi32, #tpu.memory_space<vmem>> -> memref<256xi32, #tpu.memory_space<vmem>>
    %dma_wait3A_125 = arith.constant 0 : i32
    %dma_wait3A_126 = arith.constant 0 : i32
    %dma_wait3A_127 = tpu.memref_slice %arg3[%dma_wait3A_125, %dma_wait3A_126] : memref<6400x64xf32, #tpu.memory_space<hbm>> -> memref<6400x64xf32, #tpu.memory_space<hbm>>
    tpu.wait_indirect_dma semaphore(%arg23 : memref<!tpu.dma_semaphore, #tpu.memory_space<semaphore_mem>>) src(%dma_wait3A_127 : memref<6400x64xf32, #tpu.memory_space<hbm>>) dst(%arg12 : memref<256x64xf32, #tpu.memory_space<vmem>>)
    %add3A_128 = arith.constant 25344 : i32
    %add3A_129 = arith.addi %mul3A_2, %add3A_128 : i32
    %dma_start3A_130 = arith.constant 0 : i32
    %dma_start3A_131 = tpu.memref_slice %arg6[%add3A_129, %dma_start3A_130] : memref<819200x128xf32, #tpu.memory_space<hbm>> -> memref<256x64xf32, #tpu.memory_space<hbm>>
    %dma_start3A_132 = arith.constant 0 : i32
    %dma_start3A_133 = tpu.memref_slice %arg6[%add3A_129, %dma_start3A_132] : memref<819200x128xf32, #tpu.memory_space<hbm>> -> memref<256x64xf32, #tpu.memory_space<hbm>>
    tpu.enqueue_dma source(%arg12 : memref<256x64xf32, #tpu.memory_space<vmem>>) target(%dma_start3A_133 : memref<256x64xf32, #tpu.memory_space<hbm>>) target_semaphore(%arg24 : memref<!tpu.dma_semaphore, #tpu.memory_space<semaphore_mem>>)
    %dma_wait3A_134 = arith.constant 0 : i32
    %dma_wait3A_135 = tpu.memref_slice %arg6[%mul3A_2, %dma_wait3A_134] : memref<819200x128xf32, #tpu.memory_space<hbm>> -> memref<256x64xf32, #tpu.memory_space<hbm>>
    %dma_wait3A_136 = arith.constant 0 : i32
    %dma_wait3A_137 = tpu.memref_slice %arg6[%mul3A_2, %dma_wait3A_136] : memref<819200x128xf32, #tpu.memory_space<hbm>> -> memref<256x64xf32, #tpu.memory_space<hbm>>
    tpu.wait_dma2 semaphore(%arg15 : memref<!tpu.dma_semaphore, #tpu.memory_space<semaphore_mem>>) src(%arg9 : memref<256x64xf32, #tpu.memory_space<vmem>>) dst(%dma_wait3A_137 : memref<256x64xf32, #tpu.memory_space<hbm>>)
    %dma_wait3A_138 = arith.constant 0 : i32
    %dma_wait3A_139 = tpu.memref_slice %arg6[%mul3A_2, %dma_wait3A_138] : memref<819200x128xf32, #tpu.memory_space<hbm>> -> memref<256x64xf32, #tpu.memory_space<hbm>>
    %dma_wait3A_140 = arith.constant 0 : i32
    %dma_wait3A_141 = tpu.memref_slice %arg6[%mul3A_2, %dma_wait3A_140] : memref<819200x128xf32, #tpu.memory_space<hbm>> -> memref<256x64xf32, #tpu.memory_space<hbm>>
    tpu.wait_dma2 semaphore(%arg18 : memref<!tpu.dma_semaphore, #tpu.memory_space<semaphore_mem>>) src(%arg10 : memref<256x64xf32, #tpu.memory_space<vmem>>) dst(%dma_wait3A_141 : memref<256x64xf32, #tpu.memory_space<hbm>>)
    %dma_wait3A_142 = arith.constant 0 : i32
    %dma_wait3A_143 = tpu.memref_slice %arg6[%mul3A_2, %dma_wait3A_142] : memref<819200x128xf32, #tpu.memory_space<hbm>> -> memref<256x64xf32, #tpu.memory_space<hbm>>
    %dma_wait3A_144 = arith.constant 0 : i32
    %dma_wait3A_145 = tpu.memref_slice %arg6[%mul3A_2, %dma_wait3A_144] : memref<819200x128xf32, #tpu.memory_space<hbm>> -> memref<256x64xf32, #tpu.memory_space<hbm>>
    tpu.wait_dma2 semaphore(%arg21 : memref<!tpu.dma_semaphore, #tpu.memory_space<semaphore_mem>>) src(%arg11 : memref<256x64xf32, #tpu.memory_space<vmem>>) dst(%dma_wait3A_145 : memref<256x64xf32, #tpu.memory_space<hbm>>)
    %dma_wait3A_146 = arith.constant 0 : i32
    %dma_wait3A_147 = tpu.memref_slice %arg6[%mul3A_2, %dma_wait3A_146] : memref<819200x128xf32, #tpu.memory_space<hbm>> -> memref<256x64xf32, #tpu.memory_space<hbm>>
    %dma_wait3A_148 = arith.constant 0 : i32
    %dma_wait3A_149 = tpu.memref_slice %arg6[%mul3A_2, %dma_wait3A_148] : memref<819200x128xf32, #tpu.memory_space<hbm>> -> memref<256x64xf32, #tpu.memory_space<hbm>>
    tpu.wait_dma2 semaphore(%arg24 : memref<!tpu.dma_semaphore, #tpu.memory_space<semaphore_mem>>) src(%arg12 : memref<256x64xf32, #tpu.memory_space<vmem>>) dst(%dma_wait3A_149 : memref<256x64xf32, #tpu.memory_space<hbm>>)
    return
  }
}

module attributes {stable_mosaic.version = 14 : i64} {
  func.func @body(%arg0: i32, %arg1: memref<64x2048xf32, #tpu.memory_space<vmem>>, %arg2: memref<1024x128xf32, #tpu.memory_space<vmem>>) attributes {dimension_semantics = [#tpu.dimension_semantics<arbitrary>], iteration_bounds = array<i64: 489>, scalar_prefetch = 0 : i64, scratch_operands = 0 : i64, tpu.core_type = #tpu.core_type<tc>, window_params = [{transform_indices = @transform_0, window_bounds = array<i64: 64, 2048>}, {transform_indices = @transform_1, window_bounds = array<i64: 1024, 128>}]} {
    %get3A = arith.constant 0 : index
    %get3A_0 = arith.constant 0 : index
    %get3A_1 = vector.load %arg1[%get3A, %get3A_0] : memref<64x2048xf32, #tpu.memory_space<vmem>>, vector<64x2048xf32>
    %transpose3A = tpu.transpose %get3A_1, [1, 0] : vector<64x2048xf32> -> vector<2048x64xf32>
    %reshape3A = vector.shape_cast %transpose3A : vector<2048x64xf32> to vector<1024x2x64xf32>
    %slice3A = vector.extract_strided_slice %reshape3A {offsets = [0, 0, 0], sizes = [1024, 1, 64], strides = [1, 1, 1]} : vector<1024x2x64xf32> to vector<1024x1x64xf32>
    %squeeze3A = vector.shape_cast %slice3A : vector<1024x1x64xf32> to vector<1024x64xf32>
    %slice3A_2 = vector.extract_strided_slice %reshape3A {offsets = [0, 1, 0], sizes = [1024, 1, 64], strides = [1, 1, 1]} : vector<1024x2x64xf32> to vector<1024x1x64xf32>
    %squeeze3A_3 = vector.shape_cast %slice3A_2 : vector<1024x1x64xf32> to vector<1024x64xf32>
    %concatenate3A = tpu.concatenate %squeeze3A, %squeeze3A_3 in 1 : vector<1024x64xf32>, vector<1024x64xf32> -> vector<1024x128xf32>
    %swap3A = arith.constant 0 : index
    %swap3A_4 = arith.constant 0 : index
    %swap3A_5 = vector.load %arg2[%swap3A, %swap3A_4] : memref<1024x128xf32, #tpu.memory_space<vmem>>, vector<1024x128xf32>
    tpu.vector_store %arg2[%swap3A, %swap3A_4], %concatenate3A {strides = array<i32>} : memref<1024x128xf32, #tpu.memory_space<vmem>>, vector<1024x128xf32>,
    return
  }
  func.func @transform_0(%arg0: i32) -> (i32, i32) {
    %c0_i32 = arith.constant 0 : i32
    %c0_i32_0 = arith.constant 0 : i32
    return %c0_i32, %arg0 : i32, i32
  }
  func.func @transform_1(%arg0: i32) -> (i32, i32) {
    %c0_i32 = arith.constant 0 : i32
    %c0_i32_0 = arith.constant 0 : i32
    return %arg0, %c0_i32 : i32, i32
  }
}

</mosaic_0001>

<sc_bundles>
// kernel: kernel.4.cloned.1.call-start
scs
__scs_entry_jumppad:
0x0: {  	(pc) =	sbr.rel $0x88, $3  }
0x1: {  	(tag) =	ssettag $0x0;
	lr =	simm.s32 $0x1  }
0x2: {  	[smem:$0x3F9D] =	sst lr;
	_ =	strace $0xD0000000  }
0x3: {  	_ = 	snop  }
0x4: {  	_ = 	snop  }
0x5: {  	_ = 	snop  }
0x6: {  	_ = 	snop  }
0x7: {  	_ = 	snop  }
__scs_overlays_trampoline_lowered:
0x8: {  	[smem:$0x3FAC] =	sst s0  }
0x9: {  	[smem:$0x3FAD] =	sst s1  }
0xa: {  	[smem:$0x3FAE] =	sst s2  }
0xb: {  	[smem:$0x3FAF] =	sst s3  }
0xc: {  	[smem:$0x3FB0] =	sst s4  }
0xd: {  	[smem:$0x3FB1] =	sst s5  }
0xe: {  	[smem:$0x3FB2] =	sst s6  }
0xf: {  	[smem:$0x3FB3] =	sst s7  }
0x10: {  	[smem:$0x3FB4] =	sst s8  }
0x11: {  	[smem:$0x3FB5] =	sst s9;
	s0 =	simm.s32 @!p0 $0x0  }
0x12: {  	s1 =	sld [smem:$0x3F9B];
	s0 =	simm.s32 @p0 $0x1  }
0x13: {  	[smem:$0x3FB6] =	sst s0;
	s0 =	simm.s32 @!p1 $0x0  }
0x14: {  	s2 =	sld [smem:$0x3F9A];
	s0 =	simm.s32 @p1 $0x1  }
0x15: {  	[smem:$0x3FB7] =	sst s0;
	s0 =	simm.s32 @!p2 $0x0  }
0x16: {  	s3 =	sld [smem:$0x3FDB];
	s0 =	simm.s32 @p2 $0x1  }
0x17: {  	s4 =	simm.s32 $0x1BF5;
	[smem:$0x3FB9] =	sst s0  }
0x18: {  	s0 =	sld [smem:$0x3F9C];
	_ =	swait.ge [sflag:s4], $0x0  }
0x19: {  	s7 =	sld [smem:$0x3F9D]  }
0x1a: {  	s8 =	sadd.s32 $0xFFFFE003, lr  }
0x1b: {  	s9 =	sadd.s32 $0xFFFFFEF7, lr;
	s5 =	simm.s32 $0xFFFFFFFF;
	p2 =	slt.u32 s8, $0xFFFFF086  }
0x1c: {  	p1 =	slt.u32 s9, $0xF7A;
	s5 =	simm.s32 @!p2 $0x0  }
0x1d: {  	s5 =	simm.s32 @p1 $0x1;
	p0 =	seq.s32 s7, s2  }
0x1e: {  	s7 =	smul.u32 @!p0 $0xF7A, s2;
	p2 =	seq.s32 @!p0 s5, $0x0  }
0x1f: {  	s9 =	smul.u32 $0xF7A, s1;
	s8 =	simm.s32 @!p0 $0x1BF5;
	p2 =	por !p2, p0  }
0x20: {  	[sflag:s8] =	ssyncset.s32 @!p0 $0xFFFFF086;
	s6 =	sadd.s32 @!p0 s3, s7;
	s7 =	simm.s32 @!p0 $0x108  }
0x21: {  	s3 =	sadd.s32 s3, s9;
	s6 =	sadd.s32 @!p0 $0x88, s6;
	s7 =	simm.s32 @p2 $0x1082  }
0x22: {  	[simem:s7], [sflag:s8] =	dma.local @!p0 [hbm:s6], $0xF7A  }
0x23: {  	s9 =	sor.u32 $0xD0000000, s2;
	s6 =	simm.s32 $0x108;
	_ =	swait.ge @!p0 [sflag:s8], $0x0  }
0x24: {  	s3 =	sadd.s32 $0x88, s3;
	s6 =	simm.s32 @!p1 $0x1082;
	[sflag:s4] =	ssyncset.s32 $0xFFFFF086  }
0x25: {  	[simem:s6], [sflag:s4] =	dma.local [hbm:s3], $0xF7A  }
0x26: {  	[smem:$0x3F9D] =	sst s1;
	(tag) =	ssettag s2;
	_ =	strace s9  }
0x27: {  	s1 =	sld [smem:$0x3FAD]  }
0x28: {  	s2 =	sld [smem:$0x3FAE]  }
0x29: {  	s4 =	sld [smem:$0x3FB0]  }
0x2a: {  	p0 =	seq.s32 s5, $0x0;
	s5 =	sld [smem:$0x3FB1]  }
0x2b: {  	s6 =	sld [smem:$0x3FB2]  }
0x2c: {  	s7 =	sld [smem:$0x3FB3]  }
0x2d: {  	s3 =	simm.s32 $0x108;
	s8 =	sld [smem:$0x3FB4]  }
0x2e: {  	s3 =	simm.s32 @!p0 $0x1082;
	s9 =	sld [smem:$0x3FB5]  }
0x2f: {  	lr =	sadd.s32 s0, s3;
	s0 =	sld [smem:$0x3FAC]  }
0x30: {  	s3 =	sld [smem:$0x3FAF]  }
0x31: {  	[smem:$0x3FB8] =	sst s10  }
0x32: {  	s10 =	sld [smem:$0x3FB6];
	_ =	sdelay $0x3  }
0x33: {  	p0 =	seq.s32 s10, $0x1;
	s10 =	sld [smem:$0x3FB8];
	_ =	sdelay $0x3  }
0x34: {  	[smem:$0x3FB8] =	sst s10  }
0x35: {  	s10 =	sld [smem:$0x3FB7];
	_ =	sdelay $0x3  }
0x36: {  	p1 =	seq.s32 s10, $0x1;
	s10 =	sld [smem:$0x3FB8];
	_ =	sdelay $0x3  }
0x37: {  	[smem:$0x3FB8] =	sst s10  }
0x38: {  	s10 =	sld [smem:$0x3FB9]  }
0x39: {  	_ = 	snop;
	(pc) =	sbr.ind lr, $3  }
0x3a: {  	_ = 	snop  }
0x3b: {  	_ = 	snop  }
0x3c: {  	p2 =	seq.s32 s10, $0x1;
	s10 =	sld [smem:$0x3FB8]  }
0x3d: {  	_ =	shalt  }
0x3e: {  	_ =	shalt  }
0x3f: {  	_ =	shalt  }
0x40: {  	_ =	shalt  }
0x41: {  	_ =	shalt  }
0x42: {  	_ =	shalt  }
0x43: {  	_ =	shalt  }
0x44: {  	_ =	shalt  }
0x45: {  	_ =	shalt  }
0x46: {  	_ =	shalt  }
0x47: {  	_ =	shalt  }
0x48: {  	_ =	shalt  }
0x49: {  	_ =	shalt  }
0x4a: {  	_ =	shalt  }
0x4b: {  	_ =	shalt  }
0x4c: {  	_ =	shalt  }
0x4d: {  	_ =	shalt  }
0x4e: {  	_ =	shalt  }
0x4f: {  	_ =	shalt  }
0x50: {  	_ =	shalt  }
0x51: {  	_ =	shalt  }
0x52: {  	_ =	shalt  }
0x53: {  	_ =	shalt  }
0x54: {  	_ =	shalt  }
0x55: {  	_ =	shalt  }
0x56: {  	_ =	shalt  }
0x57: {  	_ =	shalt  }
0x58: {  	_ =	shalt  }
0x59: {  	_ =	shalt  }
0x5a: {  	_ =	shalt  }
0x5b: {  	_ =	shalt  }
0x5c: {  	_ =	shalt  }
0x5d: {  	_ =	shalt  }
0x5e: {  	_ =	shalt  }
0x5f: {  	_ =	shalt  }
0x60: {  	_ =	shalt  }
0x61: {  	_ =	shalt  }
0x62: {  	_ =	shalt  }
0x63: {  	_ =	shalt  }
0x64: {  	_ =	shalt  }
0x65: {  	_ =	shalt  }
0x66: {  	_ =	shalt  }
0x67: {  	_ =	shalt  }
0x68: {  	_ =	shalt  }
0x69: {  	_ =	shalt  }
0x6a: {  	_ =	shalt  }
0x6b: {  	_ =	shalt  }
0x6c: {  	_ =	shalt  }
0x6d: {  	_ =	shalt  }
0x6e: {  	_ =	shalt  }
0x6f: {  	_ =	shalt  }
0x70: {  	_ =	shalt  }
0x71: {  	_ =	shalt  }
0x72: {  	_ =	shalt  }
0x73: {  	_ =	shalt  }
0x74: {  	_ =	shalt  }
0x75: {  	_ =	shalt  }
0x76: {  	_ =	shalt  }
0x77: {  	_ =	shalt  }
0x78: {  	_ =	shalt  }
0x79: {  	_ =	shalt  }
0x7a: {  	_ =	shalt  }
0x7b: {  	_ =	shalt  }
0x7c: {  	_ =	shalt  }
0x7d: {  	_ =	shalt  }
0x7e: {  	_ =	shalt  }
0x7f: {  	_ =	shalt  }
0x80: {  	_ =	shalt  }
0x81: {  	_ =	shalt  }
0x82: {  	_ =	shalt  }
0x83: {  	_ =	shalt  }
0x84: {  	_ =	shalt  }
0x85: {  	_ =	shalt  }
0x86: {  	_ =	shalt  }
0x87: {  	_ =	shalt  }
.Lfunc_end0:
.L_simem_size_0:
called_computation.1_lowered:
.L_overlay_start_0:
0x88: {  	s2 =	sld [smem:$0x3FD9]  }
0x89: {  	s3 =	sld [smem:$0x3FFE];
	_ =	sdelay $0x1  }
0x8a: {  	s1 =	srdreg.scid  }
0x8b: {  	s0 =	sand.u32 $0x1, s1  }
0x8c: {  	s17 =	sshll.u32 s0, $0xA;
	s2 =	sadd.s32 s3, s2  }
0x8d: {  	s2 =	sadd.s32 s2, s17  }
0x8e: {  	[smem:$0x3FC4] =	sst s2  }
0x8f: {  	_ = 	snop  }
0x90: {  	s2 =	sld [smem:$0x3FD0];
	(tm) =	ssettm $0x1  }
0x91: {  	s18 =	sld [smem:$0x3FFB];
	_ =	sdelay $0x3  }
0x92: {  	_ =	strace s18  }
0x93: {  	s3 =	sld [smem:$0x3FFC];
	_ =	sdelay $0x3  }
0x94: {  	_ =	strace s3  }
0x95: {  	s3 =	sld [smem:$0x3FFD];
	_ =	sdelay $0x3  }
0x96: {  	_ =	strace s3  }
0x97: {  	_ =	strace $0x8FFFFFFF  }
0x98: {  	s19 =	sld [smem:$0x3FDB];
	_ =	sdelay $0x1  }
0x99: {  	s4 =	simm.s32 $_scs_section_size  }
0x9a: {  	s5 =	simm.s32 $_size__tile_overlayer_lowered;
	s6 =	simm.s32 $_tile_overlayer_lowered  }
0x9b: {  	s22 =	simm.s32 $0x1BFF;
	s21 =	sshll.u32 s6, $0x1;
	s3 =	sadd.s32 s4, s19  }
0x9c: {  	s7 =	simm.s32 $0x0;
	s20 =	sshll.u32 s5, $0x1;
	s5 =	sadd.s32 s21, s3  }
0x9d: {  	[timem:s7], [sflag:s22] =	dma.local [hbm:s5], s20  }
0x9e: {  	_ =	swait.ge [sflag:s22], s20  }
0x9f: {  	s4 =	ssub.s32 $0x0, s20;
	[sflag:s22] =	ssyncset.done $0x0  }
0xa0: {  	[sflag:s22] =	ssyncadd.s32 s4;
	_ =	sdelay $0x1  }
0xa1: {  	s23 =	simm.s32 $0x1B8B  }
0xa2: {  	_ =	swait.ge [sflag:s23], $0x1  }
0xa3: {  	[sflag:s23] =	ssyncset.done $0x0  }
0xa4: {  	s25 =	simm.s32 $0x1B8E;
	s24 =	sld [smem:$0x3FFE];
	[sflag:s23] =	ssyncadd.s32 $0xFFFFFFFF  }
0xa5: {  	s26 =	simm.s32 $execute0_lowered;
	[smem:$0x3FD2] =	sst s25  }
0xa6: {  	s5 =	sshll.u32 s26, $0x1;
	_ =	strace $0x80000046;
	[dreg:$0x1] =	wrdreg $0xFFFFFFFF  }
0xa7: {  	s28 =	simm.s32 $_size_execute0_lowered;
	s3 =	sadd.s32 s3, s5;
	[dreg:$0x0] =	wrdreg $0x0  }
0xa8: {  	s5 =	sshll.u32 s28, $0x1;
	[dreg:$0x2] =	wrdreg s3  }
0xa9: {  	[dreg:$0x3] =	wrdreg s5  }
0xaa: {  	[dreg:$0x4] =	wrdreg $0xC0  }
0xab: {  	_ =	task [dreg:s7], $0x5FFFF  }
0xac: {  	[dreg:$0x1] =	wrdreg $0xFFFFFFFF  }
0xad: {  	[dreg:$0x0] =	wrdreg $0x60  }
0xae: {  	[dreg:$0x2] =	wrdreg s24  }
0xaf: {  	[dreg:$0x3] =	wrdreg s2  }
0xb0: {  	[dreg:$0x4] =	wrdreg $0x9  }
0xb1: {  	_ =	task.clear_ibuf [dreg:s7], $0x5FFFF;
	_ =	strace $0x90000046  }
0xb2: {  	s29 =	simm.s32 $0x9;
	_ =	strace $0x80000048  }
0xb3: {  	_ =	swait.ge [sflag:s29], $0x1  }
0xb4: {  	[sflag:s29] =	ssyncadd.s32 $0xFFFFFFFF  }
0xb5: {  	_ =	strace $0x90000048  }
0xb6: {  	_ =	sfence  }
0xb7: {  	s30 =	sld [smem:$0x0];
	_ =	sdelay $0x2  }
0xb8: {  	s31 =	sshll.u32 s1, $0xD;
	s1 =	sshrl.u32 s1, $0x2  }
0xb9: {  	s3 =	sand.u32 $0x4000, s31;
	s1 =	sadd.s32 s1, s30  }
0xba: {  	s0 =	sor.u32 s3, s0;
	s1 =	sshll.u32 s1, $0x11  }
0xbb: {  	s0 =	sor.u32 s1, s0  }
0xbc: {  	s0 =	sadd.s32 $0x8F2B, s0  }
0xbd: {  	[sflag:s0] =	ssyncadd.remote.s32 $0x1  }
0xbe: {  	_ =	sfence.sel $0xFFFF  }
0xbf: {  	[dreg:$0x0] =	wrdreg $0xFFFFFFFF;
	(pc) =	sbr.abs _section_cstart, $3  }
0xc0: {  	[dreg:$0x1] =	wrdreg $0xFFFFFFFF  }
0xc1: {  	_ =	task.clear_ibuf [dreg:s7], $0x2FFFF;
	_ =	strace $0x9FFFFFFF  }
0xc2: {  	(tm) =	ssettm $0x7FFFFFFF  }
0xc3: {  	_ =	shalt  }
tec
execute0_lowered:
.L_overlay_start_1:
0x0: {  	(tag) =	ssettag $0x1  }
0x1: {  	s0 =	rddreg [dreg:$0x0]  }
0x2: {  	s1 =	srdreg.scid;
	s3 =	stileid.u32  }
0x3: {  	s2 =	rddreg [dreg:$0x1];
	s4 =	simm.s32 $0x0;
	s12 =	simm.s32 $0x6400  }
0x4: {  	s17 =	simm.s32 $0x100;
	s28 =	simm.s32 $0x18800;
	s29 =	simm.s32 $0x4  }
0x5: {  	s31 =	simm.s32 $0x5;
	s30 =	simm.s32 $0xA;
	s16 =	simm.s32 $0xB  }
0x6: {  	s1 =	sand.u32 $0x1, s1;
	s3 =	sshll.u32 s3, $0x1;
	[smem:$0x7FF] =	sst s4  }
0x7: {  	s4 =	sadd.s32 $0x26400, s0;
	s5 =	sadd.s32 $0xC00, s0;
	s7 =	sor.u32 s1, s3  }
0x8: {  	s6 =	sadd.s32 $0x7C7600, s0;
	s1 =	ssub.s32 $0x2, s1;
	s3 =	smul.u32 $0x6400, s7  }
0x9: {  	_ =	strace $0x80000047;
	s9 =	smul.u32 $0x320000, s7;
	s18 =	sshrl.u32 s1, $0x1  }
0xa: {  	s19 =	smul.u32 $0x64000, s7;
	s7 =	simm.s32 $0x9;
	s8 =	sshrl.u32 s3, $0x3  }
0xb: {  	s20 =	sshrl.u32 s9, $0x3;
	s23 =	sor.u32 $0x100, s3;
	s9 =	simm.s32 $0x0  }
0xc: {  	s10 =	sadd.s32 s8, s0;
	s0 =	ssub.s32 s1, s18;
	s2 =	sadd.s32 s2, s8  }
0xd: {  	s22 =	sadd.s32 s6, s20;
	s1 =	sadd.s32 s6, s19;
	[dreg:$0x6] =	wrdreg s23  }
0xe: {  	s18 =	simm.s32 $0xC800;
	s19 =	simm.s32 $0x10800;
	[dreg:$0x3] =	wrdreg s2  }
0xf: {  	s23 =	simm.s32 $0x2;
	s21 =	sadd.s32 $0xD400, s10;
	[dreg:$0x5] =	wrdreg s1  }
0x10: {  	s20 =	simm.s32 $0x8;
	s24 =	sadd.s32 $0x61000, s22;
	[dreg:$0x4] =	wrdreg s21  }
0x11: {  	s8 =	simm.s32 $0xC;
	s25 =	sadd.s32 $0x62000, s22;
	[dreg:$0x7] =	wrdreg s24  }
0x12: {  	s26 =	sadd.s32 $0x63000, s22;
	s0 =	smax.u32 s0, $0x1;
	[dreg:$0x8] =	wrdreg s25  }
0x13: {  	s22 =	simm.s32 $0x1;
	s1 =	simm.s32 $0x3;
	[dreg:$0x9] =	wrdreg s26  }
0x14: {  	[dreg:$0xa] =	wrdreg s0;
	s21 =	simm.s32 $0x14800;
	s24 =	simm.s32 $0x40  }
0x15: {  	s25 =	simm.s32 $0x80;
	s0 =	simm.s32 $0x7;
	s26 =	simm.s32 $0x6  }
.LBB2_1:
0x16: {  	[dreg:$0xb] =	wrdreg s9  }
0x17: {  	s2 =	simm.s32 $0x0;
	s13 =	rddreg [dreg:$0x3];
	s10 =	simm.s32 $0xD  }
0x18: {  	[tilespmem:s2], [sflag:$0xD] =	stream.linear.gather [hbm4b:s13+s2], $0x6400, $0x38;
	[tilespmem:$0x1C800] =	vst v63  }
0x19: {  	_ =	swait.ge [sflag:s10], $0x6400  }
0x1a: {  	[sflag:s10] =	ssyncset.done $0x0  }
0x1b: {  	s14 =	rddreg [dreg:$0x4];
	[sflag:s10] =	ssyncadd.s32 $0xFFFF9C00  }
0x1c: {  	[tilespmem:s12], [sflag:$0xD] =	stream.linear.gather [hbm4b:s14+s2], $0x6400, $0x38;
	[tilespmem:$0x1C800] =	vst v63  }
0x1d: {  	_ =	swait.ge [sflag:s10], $0x6400  }
0x1e: {  	[sflag:s10] =	ssyncset.done $0x0  }
0x1f: {  	[sflag:s10] =	ssyncadd.s32 $0xFFFF9C00  }
0x20: {  	[tilespmem:s18], [sflag:$0x1] =	stream.indirect.gather [hbm4b:s4+s17], $0x40, s2, s17, $0xb8;
	[tilespmem:$0x1C800] =	vst v63  }
0x21: {  	_ = 	snop  }
0x22: {  	[tilespmem:s19], [sflag:$0x4] =	stream.indirect.gather [hbm4b:s4+s17], $0x40, s17, s17, $0xb8;
	[tilespmem:$0x1C800] =	vst v63  }
0x23: {  	s15 =	simm.s32 $0x200  }
0x24: {  	[tilespmem:s21], [sflag:$0x7] =	stream.indirect.gather [hbm4b:s4+s17], $0x40, s15, s17, $0xb8;
	[tilespmem:$0x1C800] =	vst v63  }
0x25: {  	_ =	swait.ge [sflag:s22], $0x4000  }
0x26: {  	[sflag:s22] =	ssyncset.done $0x0  }
0x27: {  	s2 =	simm.s32 $0x0;
	[sflag:s22] =	ssyncadd.s32 $0xFFFFC000  }
0x28: {  	v0 =	vld [tilespmem:s2+$0xC800]  }
0x29: {  	v1 =	vld [tilespmem:s2+$0xC810]  }
0x2a: {  	v2 =	vld [tilespmem:s2+$0xC820]  }
0x2b: {  	v3 =	vld [tilespmem:s2+$0xC830]  }
0x2c: {  	v4 =	vld [tilespmem:s2+$0xC840]  }
0x2d: {  	v5 =	vld [tilespmem:s2+$0xC850];
	v0 =	vmul.f32 $8.000000000e+00, v0  }
0x2e: {  	v6 =	vld [tilespmem:s2+$0xC860];
	v1 =	vmul.f32 $8.000000000e+00, v1  }
0x2f: {  	v7 =	vld [tilespmem:s2+$0xC870];
	[tilespmem:s2+$0xC800] =	vst v0;
	v0 =	vmul.f32 $8.000000000e+00, v2  }
0x30: {  	v8 =	vld [tilespmem:s2+$0xC880];
	[tilespmem:s2+$0xC810] =	vst v1;
	v1 =	vmul.f32 $8.000000000e+00, v3  }
0x31: {  	v9 =	vld [tilespmem:s2+$0xC890];
	[tilespmem:s2+$0xC820] =	vst v0;
	v0 =	vmul.f32 $8.000000000e+00, v4  }
0x32: {  	v2 =	vmul.f32 $8.000000000e+00, v5;
	[tilespmem:s2+$0xC830] =	vst v1;
	v1 =	vld [tilespmem:s2+$0xC8A0]  }
0x33: {  	v3 =	vmul.f32 $8.000000000e+00, v6;
	[tilespmem:s2+$0xC840] =	vst v0;
	v0 =	vld [tilespmem:s2+$0xC8B0]  }
0x34: {  	[tilespmem:s2+$0xC850] =	vst v2;
	v2 =	vld [tilespmem:s2+$0xC8C0];
	v4 =	vmul.f32 $8.000000000e+00, v7  }
0x35: {  	v6 =	vmul.f32 $8.000000000e+00, v8;
	[tilespmem:s2+$0xC860] =	vst v3;
	v3 =	vld [tilespmem:s2+$0xC8D0]  }
0x36: {  	s11 =	simm.s32 $0x400;
	v5 =	vmul.f32 $8.000000000e+00, v9;
	[tilespmem:s2+$0xC870] =	vst v4;
	v4 =	vld [tilespmem:s2+$0xC8E0]  }
.LBB2_2:
0x37: {  	s9 =	sshra.s32 s11, $0x2;
	p0 =	sne.s32 s11, $0xFC00;
	[tilespmem:s2+$0xC880] =	vst v6;
	v1 =	vmul.f32 $8.000000000e+00, v1;
	v6 =	vld [tilespmem:s2+$0xC8F0]  }
0x38: {  	v7 =	vld [tilespmem:s9+$0xC800];
	[tilespmem:s2+$0xC890] =	vst v5;
	v0 =	vmul.f32 $8.000000000e+00, v0  }
0x39: {  	v5 =	vld [tilespmem:s9+$0xC810];
	[tilespmem:s2+$0xC8A0] =	vst v1;
	v1 =	vmul.f32 $8.000000000e+00, v2  }
0x3a: {  	v2 =	vld [tilespmem:s9+$0xC820];
	[tilespmem:s2+$0xC8B0] =	vst v0;
	v0 =	vmul.f32 $8.000000000e+00, v3  }
0x3b: {  	v3 =	vld [tilespmem:s9+$0xC830];
	[tilespmem:s2+$0xC8C0] =	vst v1;
	v1 =	vmul.f32 $8.000000000e+00, v4  }
0x3c: {  	v4 =	vld [tilespmem:s9+$0xC840];
	[tilespmem:s2+$0xC8D0] =	vst v0;
	v0 =	vmul.f32 $8.000000000e+00, v6  }
0x3d: {  	v6 =	vmul.f32 $8.000000000e+00, v7;
	v7 =	vld [tilespmem:s9+$0xC850];
	[tilespmem:s2+$0xC8E0] =	vst v1  }
0x3e: {  	v1 =	vmul.f32 $8.000000000e+00, v5;
	v5 =	vld [tilespmem:s9+$0xC860];
	[tilespmem:s2+$0xC8F0] =	vst v0;
	s2 =	smov.u32 s9  }
0x3f: {  	[tilespmem:s2+$0xC800] =	vst v6;
	v0 =	vmul.f32 $8.000000000e+00, v2;
	v2 =	vld [tilespmem:s2+$0xC870]  }
0x40: {  	[tilespmem:s2+$0xC810] =	vst v1;
	v1 =	vmul.f32 $8.000000000e+00, v3;
	v3 =	vld [tilespmem:s2+$0xC880]  }
0x41: {  	[tilespmem:s2+$0xC820] =	vst v0;
	v0 =	vmul.f32 $8.000000000e+00, v4;
	v4 =	vld [tilespmem:s2+$0xC890]  }
.Ltmp0:
0x42: {  	[tilespmem:s2+$0xC830] =	vst v1;
	v6 =	vmul.f32 $8.000000000e+00, v7;
	v1 =	vld [tilespmem:s2+$0xC8A0];
	(pc) =	sbr.rel @p0 .LBB2_2-.Ltmp0, $4  }
0x43: {  	[tilespmem:s2+$0xC840] =	vst v0;
	v5 =	vmul.f32 $8.000000000e+00, v5;
	v0 =	vld [tilespmem:s2+$0xC8B0]  }
0x44: {  	[tilespmem:s2+$0xC850] =	vst v6;
	v7 =	vmul.f32 $8.000000000e+00, v2;
	v2 =	vld [tilespmem:s2+$0xC8C0]  }
0x45: {  	[tilespmem:s2+$0xC860] =	vst v5;
	v6 =	vmul.f32 $8.000000000e+00, v3;
	v3 =	vld [tilespmem:s2+$0xC8D0]  }
0x46: {  	s11 =	sadd.s32 $0x400, s11;
	[tilespmem:s2+$0xC870] =	vst v7;
	v5 =	vmul.f32 $8.000000000e+00, v4;
	v4 =	vld [tilespmem:s2+$0xC8E0]  }
0x47: {  	[tilespmem:s2+$0xC880] =	vst v6;
	v1 =	vmul.f32 $8.000000000e+00, v1;
	v6 =	vld [tilespmem:s2+$0xC8F0]  }
0x48: {  	[tilespmem:s2+$0xC890] =	vst v5;
	v0 =	vmul.f32 $8.000000000e+00, v0  }
0x49: {  	[tilespmem:s2+$0xC8A0] =	vst v1;
	v1 =	vmul.f32 $8.000000000e+00, v2  }
0x4a: {  	[tilespmem:s2+$0xC8B0] =	vst v0;
	v0 =	vmul.f32 $8.000000000e+00, v3  }
0x4b: {  	[tilespmem:s2+$0xC8C0] =	vst v1;
	v1 =	vmul.f32 $8.000000000e+00, v4  }
0x4c: {  	[tilespmem:s2+$0xC8D0] =	vst v0;
	v0 =	vmul.f32 $8.000000000e+00, v6  }
0x4d: {  	[tilespmem:s2+$0xC8E0] =	vst v1  }
0x4e: {  	[tilespmem:s2+$0xC8F0] =	vst v0  }
0x4f: {  	[tilespmem:s18], [sflag:$0x2] =	stream.indirect.gather.add.f32 [hbm:s5], $0x40, s12, s17, $0xb8;
	[tilespmem:$0x1C800] =	vst v63  }
0x50: {  	_ =	swait.ge [sflag:s23], $0x4000  }
0x51: {  	[sflag:s23] =	ssyncset.done $0x0  }
0x52: {  	s14 =	rddreg [dreg:$0x5];
	[sflag:s23] =	ssyncadd.s32 $0xFFFFC000  }
0x53: {  	[hbm4b:s14+s24] =	stream.strided.scatter [tilespmem:s18], [sflag:$0x3], $0x4000, s25, s24, $0x38;
	[tilespmem:$0x1C800] =	vst v63  }
0x54: {  	s15 =	simm.s32 $0x300  }
0x55: {  	[tilespmem:s28], [sflag:$0xA] =	stream.indirect.gather [hbm4b:s4+s17], $0x40, s15, s17, $0xb8;
	[tilespmem:$0x1C800] =	vst v63  }
0x56: {  	_ =	swait.ge [sflag:s29], $0x4000  }
0x57: {  	[sflag:s29] =	ssyncset.done $0x0  }
0x58: {  	s2 =	simm.s32 $0x0;
	[sflag:s29] =	ssyncadd.s32 $0xFFFFC000  }
0x59: {  	v0 =	vld [tilespmem:s2+$0x10800]  }
0x5a: {  	v1 =	vld [tilespmem:s2+$0x10810]  }
0x5b: {  	v2 =	vld [tilespmem:s2+$0x10820]  }
0x5c: {  	v3 =	vld [tilespmem:s2+$0x10830]  }
0x5d: {  	v4 =	vld [tilespmem:s2+$0x10840]  }
0x5e: {  	v5 =	vld [tilespmem:s2+$0x10850];
	v0 =	vmul.f32 $8.000000000e+00, v0  }
0x5f: {  	v6 =	vld [tilespmem:s2+$0x10860];
	v1 =	vmul.f32 $8.000000000e+00, v1  }
0x60: {  	v7 =	vld [tilespmem:s2+$0x10870];
	[tilespmem:s2+$0x10800] =	vst v0;
	v0 =	vmul.f32 $8.000000000e+00, v2  }
0x61: {  	v8 =	vld [tilespmem:s2+$0x10880];
	[tilespmem:s2+$0x10810] =	vst v1;
	v1 =	vmul.f32 $8.000000000e+00, v3  }
0x62: {  	v9 =	vld [tilespmem:s2+$0x10890];
	[tilespmem:s2+$0x10820] =	vst v0;
	v0 =	vmul.f32 $8.000000000e+00, v4  }
0x63: {  	v2 =	vmul.f32 $8.000000000e+00, v5;
	[tilespmem:s2+$0x10830] =	vst v1;
	v1 =	vld [tilespmem:s2+$0x108A0]  }
0x64: {  	v3 =	vmul.f32 $8.000000000e+00, v6;
	[tilespmem:s2+$0x10840] =	vst v0;
	v0 =	vld [tilespmem:s2+$0x108B0]  }
0x65: {  	[tilespmem:s2+$0x10850] =	vst v2;
	v2 =	vld [tilespmem:s2+$0x108C0];
	v4 =	vmul.f32 $8.000000000e+00, v7  }
0x66: {  	v6 =	vmul.f32 $8.000000000e+00, v8;
	[tilespmem:s2+$0x10860] =	vst v3;
	v3 =	vld [tilespmem:s2+$0x108D0]  }
0x67: {  	s11 =	simm.s32 $0x400;
	v5 =	vmul.f32 $8.000000000e+00, v9;
	[tilespmem:s2+$0x10870] =	vst v4;
	v4 =	vld [tilespmem:s2+$0x108E0]  }
.LBB2_4:
0x68: {  	s9 =	sshra.s32 s11, $0x2;
	p0 =	sne.s32 s11, $0xFC00;
	[tilespmem:s2+$0x10880] =	vst v6;
	v1 =	vmul.f32 $8.000000000e+00, v1;
	v6 =	vld [tilespmem:s2+$0x108F0]  }
0x69: {  	v7 =	vld [tilespmem:s9+$0x10800];
	[tilespmem:s2+$0x10890] =	vst v5;
	v0 =	vmul.f32 $8.000000000e+00, v0  }
0x6a: {  	v5 =	vld [tilespmem:s9+$0x10810];
	[tilespmem:s2+$0x108A0] =	vst v1;
	v1 =	vmul.f32 $8.000000000e+00, v2  }
0x6b: {  	v2 =	vld [tilespmem:s9+$0x10820];
	[tilespmem:s2+$0x108B0] =	vst v0;
	v0 =	vmul.f32 $8.000000000e+00, v3  }
0x6c: {  	v3 =	vld [tilespmem:s9+$0x10830];
	[tilespmem:s2+$0x108C0] =	vst v1;
	v1 =	vmul.f32 $8.000000000e+00, v4  }
0x6d: {  	v4 =	vld [tilespmem:s9+$0x10840];
	[tilespmem:s2+$0x108D0] =	vst v0;
	v0 =	vmul.f32 $8.000000000e+00, v6  }
0x6e: {  	v6 =	vmul.f32 $8.000000000e+00, v7;
	v7 =	vld [tilespmem:s9+$0x10850];
	[tilespmem:s2+$0x108E0] =	vst v1  }
0x6f: {  	v1 =	vmul.f32 $8.000000000e+00, v5;
	v5 =	vld [tilespmem:s9+$0x10860];
	[tilespmem:s2+$0x108F0] =	vst v0;
	s2 =	smov.u32 s9  }
0x70: {  	[tilespmem:s2+$0x10800] =	vst v6;
	v0 =	vmul.f32 $8.000000000e+00, v2;
	v2 =	vld [tilespmem:s2+$0x10870]  }
0x71: {  	[tilespmem:s2+$0x10810] =	vst v1;
	v1 =	vmul.f32 $8.000000000e+00, v3;
	v3 =	vld [tilespmem:s2+$0x10880]  }
0x72: {  	[tilespmem:s2+$0x10820] =	vst v0;
	v0 =	vmul.f32 $8.000000000e+00, v4;
	v4 =	vld [tilespmem:s2+$0x10890]  }
.Ltmp1:
0x73: {  	[tilespmem:s2+$0x10830] =	vst v1;
	v6 =	vmul.f32 $8.000000000e+00, v7;
	v1 =	vld [tilespmem:s2+$0x108A0];
	(pc) =	sbr.rel @p0 .LBB2_4-.Ltmp1, $4  }
0x74: {  	[tilespmem:s2+$0x10840] =	vst v0;
	v5 =	vmul.f32 $8.000000000e+00, v5;
	v0 =	vld [tilespmem:s2+$0x108B0]  }
0x75: {  	[tilespmem:s2+$0x10850] =	vst v6;
	v7 =	vmul.f32 $8.000000000e+00, v2;
	v2 =	vld [tilespmem:s2+$0x108C0]  }
0x76: {  	[tilespmem:s2+$0x10860] =	vst v5;
	v6 =	vmul.f32 $8.000000000e+00, v3;
	v3 =	vld [tilespmem:s2+$0x108D0]  }
0x77: {  	s11 =	sadd.s32 $0x400, s11;
	[tilespmem:s2+$0x10870] =	vst v7;
	v5 =	vmul.f32 $8.000000000e+00, v4;
	v4 =	vld [tilespmem:s2+$0x108E0]  }
0x78: {  	[tilespmem:s2+$0x10880] =	vst v6;
	v1 =	vmul.f32 $8.000000000e+00, v1;
	v59 =	vld [tilespmem:s2+$0x108F0]  }
0x79: {  	[tilespmem:s2+$0x10890] =	vst v5;
	v0 =	vmul.f32 $8.000000000e+00, v0  }
0x7a: {  	[tilespmem:s2+$0x108A0] =	vst v1;
	v60 =	vmul.f32 $8.000000000e+00, v2  }
0x7b: {  	[tilespmem:s2+$0x108B0] =	vst v0;
	v61 =	vmul.f32 $8.000000000e+00, v3  }
0x7c: {  	[tilespmem:s2+$0x108C0] =	vst v60;
	v62 =	vmul.f32 $8.000000000e+00, v4  }
0x7d: {  	[tilespmem:s2+$0x108D0] =	vst v61;
	v63 =	vmul.f32 $8.000000000e+00, v59  }
0x7e: {  	[tilespmem:s2+$0x108E0] =	vst v62  }
0x7f: {  	s15 =	simm.s32 $0x6500;
	s11 =	simm.s32 $0x0;
	[tilespmem:s2+$0x108F0] =	vst v63  }
0x80: {  	[tilespmem:s19], [sflag:$0x5] =	stream.indirect.gather.add.f32 [hbm:s5], $0x40, s15, s17, $0xb8;
	[tilespmem:$0x1C800] =	vst v63  }
.LBB2_6:
0x81: {  	s14 =	sshll.u32 s11, $0xA;
	s2 =	rddreg [dreg:$0x6]  }
0x82: {  	s2 =	sadd.s32 s14, s2  }
0x83: {  	_ =	swait.ge [sflag:s31], $0x4000;
	s2 =	sshll.u32 s2, $0x4  }
0x84: {  	[sflag:s31] =	ssyncset.done $0x0;
	s2 =	sand.u32 $0x1FFFD000, s2  }
0x85: {  	[sflag:s31] =	ssyncadd.s32 $0xFFFFC000;
	s2 =	sadd.s32 s6, s2  }
0x86: {  	[hbm4b:s2+s24] =	stream.strided.scatter [tilespmem:s19], [sflag:$0x6], $0x4000, s25, s24, $0x38;
	[tilespmem:$0x1C800] =	vst v63  }
0x87: {  	_ =	swait.ge [sflag:s1], $0x4000  }
0x88: {  	[sflag:s1] =	ssyncset.done $0x0  }
0x89: {  	s12 =	sadd.s32 $0x400, s14;
	[sflag:s1] =	ssyncadd.s32 $0xFFFFC000  }
0x8a: {  	[tilespmem:s18], [sflag:$0x1] =	stream.indirect.gather [hbm4b:s4+s17], $0x40, s12, s17, $0xb8;
	[tilespmem:$0x1C800] =	vst v63  }
0x8b: {  	_ =	swait.ge [sflag:s0], $0x4000  }
0x8c: {  	[sflag:s0] =	ssyncset.done $0x0  }
0x8d: {  	s2 =	simm.s32 $0x0;
	[sflag:s0] =	ssyncadd.s32 $0xFFFFC000  }
0x8e: {  	v0 =	vld [tilespmem:s2+$0x14800]  }
0x8f: {  	v1 =	vld [tilespmem:s2+$0x14810]  }
0x90: {  	v2 =	vld [tilespmem:s2+$0x14820]  }
0x91: {  	v3 =	vld [tilespmem:s2+$0x14830]  }
0x92: {  	v4 =	vld [tilespmem:s2+$0x14840]  }
0x93: {  	v5 =	vld [tilespmem:s2+$0x14850];
	v0 =	vmul.f32 $8.000000000e+00, v0  }
0x94: {  	v6 =	vld [tilespmem:s2+$0x14860];
	v1 =	vmul.f32 $8.000000000e+00, v1  }
0x95: {  	v7 =	vld [tilespmem:s2+$0x14870];
	[tilespmem:s2+$0x14800] =	vst v0;
	v0 =	vmul.f32 $8.000000000e+00, v2  }
0x96: {  	v8 =	vld [tilespmem:s2+$0x14880];
	[tilespmem:s2+$0x14810] =	vst v1;
	v1 =	vmul.f32 $8.000000000e+00, v3  }
0x97: {  	v9 =	vld [tilespmem:s2+$0x14890];
	[tilespmem:s2+$0x14820] =	vst v0;
	v0 =	vmul.f32 $8.000000000e+00, v4  }
0x98: {  	v2 =	vmul.f32 $8.000000000e+00, v5;
	[tilespmem:s2+$0x14830] =	vst v1;
	v1 =	vld [tilespmem:s2+$0x148A0]  }
0x99: {  	v3 =	vmul.f32 $8.000000000e+00, v6;
	[tilespmem:s2+$0x14840] =	vst v0;
	v0 =	vld [tilespmem:s2+$0x148B0]  }
0x9a: {  	[tilespmem:s2+$0x14850] =	vst v2;
	v2 =	vld [tilespmem:s2+$0x148C0];
	v4 =	vmul.f32 $8.000000000e+00, v7  }
0x9b: {  	v6 =	vmul.f32 $8.000000000e+00, v8;
	[tilespmem:s2+$0x14860] =	vst v3;
	v3 =	vld [tilespmem:s2+$0x148D0]  }
0x9c: {  	s13 =	simm.s32 $0x400;
	v5 =	vmul.f32 $8.000000000e+00, v9;
	[tilespmem:s2+$0x14870] =	vst v4;
	v4 =	vld [tilespmem:s2+$0x148E0]  }
.LBB2_7:
0x9d: {  	s9 =	sshra.s32 s13, $0x2;
	p0 =	sne.s32 s13, $0xFC00;
	[tilespmem:s2+$0x14880] =	vst v6;
	v1 =	vmul.f32 $8.000000000e+00, v1;
	v6 =	vld [tilespmem:s2+$0x148F0]  }
0x9e: {  	v7 =	vld [tilespmem:s9+$0x14800];
	[tilespmem:s2+$0x14890] =	vst v5;
	v0 =	vmul.f32 $8.000000000e+00, v0  }
0x9f: {  	v5 =	vld [tilespmem:s9+$0x14810];
	[tilespmem:s2+$0x148A0] =	vst v1;
	v1 =	vmul.f32 $8.000000000e+00, v2  }
0xa0: {  	v2 =	vld [tilespmem:s9+$0x14820];
	[tilespmem:s2+$0x148B0] =	vst v0;
	v0 =	vmul.f32 $8.000000000e+00, v3  }
0xa1: {  	v3 =	vld [tilespmem:s9+$0x14830];
	[tilespmem:s2+$0x148C0] =	vst v1;
	v1 =	vmul.f32 $8.000000000e+00, v4  }
0xa2: {  	v4 =	vld [tilespmem:s9+$0x14840];
	[tilespmem:s2+$0x148D0] =	vst v0;
	v0 =	vmul.f32 $8.000000000e+00, v6  }
0xa3: {  	v6 =	vmul.f32 $8.000000000e+00, v7;
	v7 =	vld [tilespmem:s9+$0x14850];
	[tilespmem:s2+$0x148E0] =	vst v1  }
0xa4: {  	v1 =	vmul.f32 $8.000000000e+00, v5;
	v5 =	vld [tilespmem:s9+$0x14860];
	[tilespmem:s2+$0x148F0] =	vst v0;
	s2 =	smov.u32 s9  }
0xa5: {  	[tilespmem:s2+$0x14800] =	vst v6;
	v0 =	vmul.f32 $8.000000000e+00, v2;
	v2 =	vld [tilespmem:s2+$0x14870]  }
0xa6: {  	[tilespmem:s2+$0x14810] =	vst v1;
	v1 =	vmul.f32 $8.000000000e+00, v3;
	v3 =	vld [tilespmem:s2+$0x14880]  }
0xa7: {  	[tilespmem:s2+$0x14820] =	vst v0;
	v0 =	vmul.f32 $8.000000000e+00, v4;
	v4 =	vld [tilespmem:s2+$0x14890]  }
.Ltmp2:
0xa8: {  	[tilespmem:s2+$0x14830] =	vst v1;
	v6 =	vmul.f32 $8.000000000e+00, v7;
	v1 =	vld [tilespmem:s2+$0x148A0];
	(pc) =	sbr.rel @p0 .LBB2_7-.Ltmp2, $4  }
0xa9: {  	[tilespmem:s2+$0x14840] =	vst v0;
	v5 =	vmul.f32 $8.000000000e+00, v5;
	v0 =	vld [tilespmem:s2+$0x148B0]  }
0xaa: {  	[tilespmem:s2+$0x14850] =	vst v6;
	v7 =	vmul.f32 $8.000000000e+00, v2;
	v2 =	vld [tilespmem:s2+$0x148C0]  }
0xab: {  	[tilespmem:s2+$0x14860] =	vst v5;
	v6 =	vmul.f32 $8.000000000e+00, v3;
	v3 =	vld [tilespmem:s2+$0x148D0]  }
0xac: {  	s13 =	sadd.s32 $0x400, s13;
	[tilespmem:s2+$0x14870] =	vst v7;
	v5 =	vmul.f32 $8.000000000e+00, v4;
	v4 =	vld [tilespmem:s2+$0x148E0]  }
0xad: {  	[tilespmem:s2+$0x14880] =	vst v6;
	v1 =	vmul.f32 $8.000000000e+00, v1;
	v6 =	vld [tilespmem:s2+$0x148F0]  }
0xae: {  	[tilespmem:s2+$0x14890] =	vst v5;
	v0 =	vmul.f32 $8.000000000e+00, v0  }
0xaf: {  	[tilespmem:s2+$0x148A0] =	vst v1;
	v1 =	vmul.f32 $8.000000000e+00, v2  }
0xb0: {  	[tilespmem:s2+$0x148B0] =	vst v0;
	v0 =	vmul.f32 $8.000000000e+00, v3  }
0xb1: {  	[tilespmem:s2+$0x148C0] =	vst v1;
	v1 =	vmul.f32 $8.000000000e+00, v4  }
0xb2: {  	[tilespmem:s2+$0x148D0] =	vst v0;
	v0 =	vmul.f32 $8.000000000e+00, v6  }
0xb3: {  	s15 =	sadd.s32 s14, s3;
	[tilespmem:s2+$0x148E0] =	vst v1  }
0xb4: {  	s13 =	sadd.s32 $0x6600, s14;
	[tilespmem:s2+$0x148F0] =	vst v0;
	s2 =	sshll.u32 s15, $0x4  }
0xb5: {  	[tilespmem:s21], [sflag:$0x8] =	stream.indirect.gather.add.f32 [hbm:s5], $0x40, s13, s17, $0xb8;
	[tilespmem:$0x1C800] =	vst v63  }
0xb6: {  	s9 =	sadd.s32 $0x2000, s2;
	_ =	swait.ge [sflag:s20], $0x4000  }
0xb7: {  	s9 =	sand.u32 $0x1FFFE000, s9;
	[sflag:s20] =	ssyncset.done $0x0  }
0xb8: {  	s9 =	sadd.s32 s6, s9;
	[sflag:s20] =	ssyncadd.s32 $0xFFFFC000  }
0xb9: {  	[hbm4b:s9+s24] =	stream.strided.scatter [tilespmem:s21], [sflag:$0x9], $0x4000, s25, s24, $0x38;
	[tilespmem:$0x1C800] =	vst v63  }
0xba: {  	_ =	swait.ge [sflag:s26], $0x4000  }
0xbb: {  	[sflag:s26] =	ssyncset.done $0x0  }
0xbc: {  	s13 =	sadd.s32 $0x500, s14;
	[sflag:s26] =	ssyncadd.s32 $0xFFFFC000  }
0xbd: {  	[tilespmem:s19], [sflag:$0x4] =	stream.indirect.gather [hbm4b:s4+s17], $0x40, s13, s17, $0xb8;
	[tilespmem:$0x1C800] =	vst v63  }
0xbe: {  	_ =	swait.ge [sflag:s30], $0x4000  }
0xbf: {  	[sflag:s30] =	ssyncset.done $0x0  }
0xc0: {  	s15 =	simm.s32 $0x0;
	[sflag:s30] =	ssyncadd.s32 $0xFFFFC000  }
0xc1: {  	v0 =	vld [tilespmem:s15+$0x18800]  }
0xc2: {  	v1 =	vld [tilespmem:s15+$0x18810]  }
0xc3: {  	v2 =	vld [tilespmem:s15+$0x18820]  }
0xc4: {  	v3 =	vld [tilespmem:s15+$0x18830]  }
0xc5: {  	v4 =	vld [tilespmem:s15+$0x18840]  }
0xc6: {  	v5 =	vld [tilespmem:s15+$0x18850];
	v0 =	vmul.f32 $8.000000000e+00, v0  }
0xc7: {  	v6 =	vld [tilespmem:s15+$0x18860];
	v1 =	vmul.f32 $8.000000000e+00, v1  }
0xc8: {  	v7 =	vld [tilespmem:s15+$0x18870];
	[tilespmem:s15+$0x18800] =	vst v0;
	v0 =	vmul.f32 $8.000000000e+00, v2  }
0xc9: {  	v8 =	vld [tilespmem:s15+$0x18880];
	[tilespmem:s15+$0x18810] =	vst v1;
	v1 =	vmul.f32 $8.000000000e+00, v3  }
0xca: {  	v9 =	vld [tilespmem:s15+$0x18890];
	[tilespmem:s15+$0x18820] =	vst v0;
	v0 =	vmul.f32 $8.000000000e+00, v4  }
0xcb: {  	v2 =	vmul.f32 $8.000000000e+00, v5;
	[tilespmem:s15+$0x18830] =	vst v1;
	v1 =	vld [tilespmem:s15+$0x188A0]  }
0xcc: {  	v3 =	vmul.f32 $8.000000000e+00, v6;
	[tilespmem:s15+$0x18840] =	vst v0;
	v0 =	vld [tilespmem:s15+$0x188B0]  }
0xcd: {  	[tilespmem:s15+$0x18850] =	vst v2;
	v2 =	vld [tilespmem:s15+$0x188C0];
	v4 =	vmul.f32 $8.000000000e+00, v7  }
0xce: {  	v6 =	vmul.f32 $8.000000000e+00, v8;
	[tilespmem:s15+$0x18860] =	vst v3;
	v3 =	vld [tilespmem:s15+$0x188D0]  }
0xcf: {  	s9 =	simm.s32 $0x400;
	v5 =	vmul.f32 $8.000000000e+00, v9;
	[tilespmem:s15+$0x18870] =	vst v4;
	v4 =	vld [tilespmem:s15+$0x188E0]  }
.LBB2_9:
0xd0: {  	s10 =	sshra.s32 s9, $0x2;
	p0 =	sne.s32 s9, $0xFC00;
	[tilespmem:s15+$0x18880] =	vst v6;
	v1 =	vmul.f32 $8.000000000e+00, v1;
	v6 =	vld [tilespmem:s15+$0x188F0]  }
0xd1: {  	v7 =	vld [tilespmem:s10+$0x18800];
	[tilespmem:s15+$0x18890] =	vst v5;
	v0 =	vmul.f32 $8.000000000e+00, v0  }
0xd2: {  	v5 =	vld [tilespmem:s10+$0x18810];
	[tilespmem:s15+$0x188A0] =	vst v1;
	v1 =	vmul.f32 $8.000000000e+00, v2  }
0xd3: {  	v2 =	vld [tilespmem:s10+$0x18820];
	[tilespmem:s15+$0x188B0] =	vst v0;
	v0 =	vmul.f32 $8.000000000e+00, v3  }
0xd4: {  	v3 =	vld [tilespmem:s10+$0x18830];
	[tilespmem:s15+$0x188C0] =	vst v1;
	v1 =	vmul.f32 $8.000000000e+00, v4  }
0xd5: {  	v4 =	vld [tilespmem:s10+$0x18840];
	[tilespmem:s15+$0x188D0] =	vst v0;
	v0 =	vmul.f32 $8.000000000e+00, v6  }
0xd6: {  	v6 =	vmul.f32 $8.000000000e+00, v7;
	v7 =	vld [tilespmem:s10+$0x18850];
	[tilespmem:s15+$0x188E0] =	vst v1  }
0xd7: {  	v1 =	vmul.f32 $8.000000000e+00, v5;
	v5 =	vld [tilespmem:s10+$0x18860];
	[tilespmem:s15+$0x188F0] =	vst v0;
	s15 =	smov.u32 s10  }
0xd8: {  	[tilespmem:s15+$0x18800] =	vst v6;
	v0 =	vmul.f32 $8.000000000e+00, v2;
	v2 =	vld [tilespmem:s15+$0x18870]  }
0xd9: {  	[tilespmem:s15+$0x18810] =	vst v1;
	v1 =	vmul.f32 $8.000000000e+00, v3;
	v3 =	vld [tilespmem:s15+$0x18880]  }
0xda: {  	[tilespmem:s15+$0x18820] =	vst v0;
	v0 =	vmul.f32 $8.000000000e+00, v4;
	v4 =	vld [tilespmem:s15+$0x18890]  }
.Ltmp3:
0xdb: {  	[tilespmem:s15+$0x18830] =	vst v1;
	v6 =	vmul.f32 $8.000000000e+00, v7;
	v1 =	vld [tilespmem:s15+$0x188A0];
	(pc) =	sbr.rel @p0 .LBB2_9-.Ltmp3, $4  }
0xdc: {  	[tilespmem:s15+$0x18840] =	vst v0;
	v5 =	vmul.f32 $8.000000000e+00, v5;
	v0 =	vld [tilespmem:s15+$0x188B0]  }
0xdd: {  	[tilespmem:s15+$0x18850] =	vst v6;
	v7 =	vmul.f32 $8.000000000e+00, v2;
	v2 =	vld [tilespmem:s15+$0x188C0]  }
0xde: {  	[tilespmem:s15+$0x18860] =	vst v5;
	v6 =	vmul.f32 $8.000000000e+00, v3;
	v3 =	vld [tilespmem:s15+$0x188D0]  }
0xdf: {  	s9 =	sadd.s32 $0x400, s9;
	[tilespmem:s15+$0x18870] =	vst v7;
	v5 =	vmul.f32 $8.000000000e+00, v4;
	v4 =	vld [tilespmem:s15+$0x188E0]  }
0xe0: {  	[tilespmem:s15+$0x18880] =	vst v6;
	v1 =	vmul.f32 $8.000000000e+00, v1;
	v6 =	vld [tilespmem:s15+$0x188F0]  }
0xe1: {  	[tilespmem:s15+$0x18890] =	vst v5;
	v0 =	vmul.f32 $8.000000000e+00, v0  }
0xe2: {  	[tilespmem:s15+$0x188A0] =	vst v1;
	v1 =	vmul.f32 $8.000000000e+00, v2  }
0xe3: {  	[tilespmem:s15+$0x188B0] =	vst v0;
	v0 =	vmul.f32 $8.000000000e+00, v3  }
0xe4: {  	[tilespmem:s15+$0x188C0] =	vst v1;
	v1 =	vmul.f32 $8.000000000e+00, v4  }
0xe5: {  	[tilespmem:s15+$0x188D0] =	vst v0;
	v0 =	vmul.f32 $8.000000000e+00, v6  }
0xe6: {  	[tilespmem:s15+$0x188E0] =	vst v1  }
0xe7: {  	s9 =	sadd.s32 $0x6700, s14;
	[tilespmem:s15+$0x188F0] =	vst v0  }
0xe8: {  	[tilespmem:s28], [sflag:$0xB] =	stream.indirect.gather.add.f32 [hbm:s5], $0x40, s9, s17, $0xb8;
	[tilespmem:$0x1C800] =	vst v63  }
0xe9: {  	s2 =	sadd.s32 $0x3000, s2;
	_ =	swait.ge [sflag:s16], $0x4000  }
0xea: {  	s2 =	sand.u32 $0x1FFFF000, s2;
	[sflag:s16] =	ssyncset.done $0x0  }
0xeb: {  	s2 =	sadd.s32 s6, s2;
	[sflag:s16] =	ssyncadd.s32 $0xFFFFC000  }
0xec: {  	[hbm4b:s2+s24] =	stream.strided.scatter [tilespmem:s28], [sflag:$0xC], $0x4000, s25, s24, $0x38;
	[tilespmem:$0x1C800] =	vst v63  }
0xed: {  	_ =	swait.ge [sflag:s7], $0x4000  }
0xee: {  	s14 =	sand.u32 $0x3FFFFC00, s14;
	[sflag:s7] =	ssyncset.done $0x0  }
0xef: {  	s15 =	sadd.s32 $0x600, s14;
	[sflag:s7] =	ssyncadd.s32 $0xFFFFC000  }
0xf0: {  	[tilespmem:s21], [sflag:$0x7] =	stream.indirect.gather [hbm4b:s4+s17], $0x40, s15, s17, $0xb8;
	[tilespmem:$0x1C800] =	vst v63  }
0xf1: {  	_ =	swait.ge [sflag:s22], $0x4000  }
0xf2: {  	[sflag:s22] =	ssyncset.done $0x0  }
0xf3: {  	s2 =	simm.s32 $0x0;
	[sflag:s22] =	ssyncadd.s32 $0xFFFFC000  }
0xf4: {  	v0 =	vld [tilespmem:s2+$0xC800]  }
0xf5: {  	v1 =	vld [tilespmem:s2+$0xC810]  }
0xf6: {  	v2 =	vld [tilespmem:s2+$0xC820]  }
0xf7: {  	v3 =	vld [tilespmem:s2+$0xC830]  }
0xf8: {  	v4 =	vld [tilespmem:s2+$0xC840]  }
0xf9: {  	v5 =	vld [tilespmem:s2+$0xC850];
	v0 =	vmul.f32 $8.000000000e+00, v0  }
0xfa: {  	v6 =	vld [tilespmem:s2+$0xC860];
	v1 =	vmul.f32 $8.000000000e+00, v1  }
0xfb: {  	v7 =	vld [tilespmem:s2+$0xC870];
	[tilespmem:s2+$0xC800] =	vst v0;
	v0 =	vmul.f32 $8.000000000e+00, v2  }
0xfc: {  	v8 =	vld [tilespmem:s2+$0xC880];
	[tilespmem:s2+$0xC810] =	vst v1;
	v1 =	vmul.f32 $8.000000000e+00, v3  }
0xfd: {  	v9 =	vld [tilespmem:s2+$0xC890];
	[tilespmem:s2+$0xC820] =	vst v0;
	v0 =	vmul.f32 $8.000000000e+00, v4  }
0xfe: {  	v2 =	vmul.f32 $8.000000000e+00, v5;
	[tilespmem:s2+$0xC830] =	vst v1;
	v1 =	vld [tilespmem:s2+$0xC8A0]  }
0xff: {  	v3 =	vmul.f32 $8.000000000e+00, v6;
	[tilespmem:s2+$0xC840] =	vst v0;
	v0 =	vld [tilespmem:s2+$0xC8B0]  }
0x100: {  	[tilespmem:s2+$0xC850] =	vst v2;
	v2 =	vld [tilespmem:s2+$0xC8C0];
	v4 =	vmul.f32 $8.000000000e+00, v7  }
0x101: {  	v6 =	vmul.f32 $8.000000000e+00, v8;
	[tilespmem:s2+$0xC860] =	vst v3;
	v3 =	vld [tilespmem:s2+$0xC8D0]  }
0x102: {  	s9 =	simm.s32 $0x400;
	v5 =	vmul.f32 $8.000000000e+00, v9;
	[tilespmem:s2+$0xC870] =	vst v4;
	v4 =	vld [tilespmem:s2+$0xC8E0]  }
.LBB2_11:
0x103: {  	s10 =	sshra.s32 s9, $0x2;
	p0 =	sne.s32 s9, $0xFC00;
	[tilespmem:s2+$0xC880] =	vst v6;
	v1 =	vmul.f32 $8.000000000e+00, v1;
	v6 =	vld [tilespmem:s2+$0xC8F0]  }
0x104: {  	v7 =	vld [tilespmem:s10+$0xC800];
	[tilespmem:s2+$0xC890] =	vst v5;
	v0 =	vmul.f32 $8.000000000e+00, v0  }
0x105: {  	v5 =	vld [tilespmem:s10+$0xC810];
	[tilespmem:s2+$0xC8A0] =	vst v1;
	v1 =	vmul.f32 $8.000000000e+00, v2  }
0x106: {  	v2 =	vld [tilespmem:s10+$0xC820];
	[tilespmem:s2+$0xC8B0] =	vst v0;
	v0 =	vmul.f32 $8.000000000e+00, v3  }
0x107: {  	v3 =	vld [tilespmem:s10+$0xC830];
	[tilespmem:s2+$0xC8C0] =	vst v1;
	v1 =	vmul.f32 $8.000000000e+00, v4  }
0x108: {  	v4 =	vld [tilespmem:s10+$0xC840];
	[tilespmem:s2+$0xC8D0] =	vst v0;
	v0 =	vmul.f32 $8.000000000e+00, v6  }
0x109: {  	v6 =	vmul.f32 $8.000000000e+00, v7;
	v7 =	vld [tilespmem:s10+$0xC850];
	[tilespmem:s2+$0xC8E0] =	vst v1  }
0x10a: {  	v1 =	vmul.f32 $8.000000000e+00, v5;
	v5 =	vld [tilespmem:s10+$0xC860];
	[tilespmem:s2+$0xC8F0] =	vst v0;
	s2 =	smov.u32 s10  }
0x10b: {  	[tilespmem:s2+$0xC800] =	vst v6;
	v0 =	vmul.f32 $8.000000000e+00, v2;
	v2 =	vld [tilespmem:s2+$0xC870]  }
0x10c: {  	[tilespmem:s2+$0xC810] =	vst v1;
	v1 =	vmul.f32 $8.000000000e+00, v3;
	v3 =	vld [tilespmem:s2+$0xC880]  }
0x10d: {  	[tilespmem:s2+$0xC820] =	vst v0;
	v0 =	vmul.f32 $8.000000000e+00, v4;
	v4 =	vld [tilespmem:s2+$0xC890]  }
.Ltmp4:
0x10e: {  	[tilespmem:s2+$0xC830] =	vst v1;
	v6 =	vmul.f32 $8.000000000e+00, v7;
	v1 =	vld [tilespmem:s2+$0xC8A0];
	(pc) =	sbr.rel @p0 .LBB2_11-.Ltmp4, $4  }
0x10f: {  	[tilespmem:s2+$0xC840] =	vst v0;
	v5 =	vmul.f32 $8.000000000e+00, v5;
	v0 =	vld [tilespmem:s2+$0xC8B0]  }
0x110: {  	[tilespmem:s2+$0xC850] =	vst v6;
	v7 =	vmul.f32 $8.000000000e+00, v2;
	v2 =	vld [tilespmem:s2+$0xC8C0]  }
0x111: {  	[tilespmem:s2+$0xC860] =	vst v5;
	v6 =	vmul.f32 $8.000000000e+00, v3;
	v3 =	vld [tilespmem:s2+$0xC8D0]  }
0x112: {  	s9 =	sadd.s32 $0x400, s9;
	[tilespmem:s2+$0xC870] =	vst v7;
	v5 =	vmul.f32 $8.000000000e+00, v4;
	v4 =	vld [tilespmem:s2+$0xC8E0]  }
0x113: {  	[tilespmem:s2+$0xC880] =	vst v6;
	v1 =	vmul.f32 $8.000000000e+00, v1;
	v6 =	vld [tilespmem:s2+$0xC8F0]  }
0x114: {  	[tilespmem:s2+$0xC890] =	vst v5;
	v0 =	vmul.f32 $8.000000000e+00, v0  }
0x115: {  	[tilespmem:s2+$0xC8A0] =	vst v1;
	v1 =	vmul.f32 $8.000000000e+00, v2  }
0x116: {  	[tilespmem:s2+$0xC8B0] =	vst v0;
	v0 =	vmul.f32 $8.000000000e+00, v3  }
0x117: {  	[tilespmem:s2+$0xC8C0] =	vst v1;
	v1 =	vmul.f32 $8.000000000e+00, v4  }
0x118: {  	[tilespmem:s2+$0xC8D0] =	vst v0;
	v0 =	vmul.f32 $8.000000000e+00, v6  }
0x119: {  	[tilespmem:s2+$0xC8E0] =	vst v1  }
0x11a: {  	s10 =	sadd.s32 $0x6400, s12;
	s12 =	sadd.s32 s3, s12;
	[tilespmem:s2+$0xC8F0] =	vst v0  }
0x11b: {  	[tilespmem:s18], [sflag:$0x2] =	stream.indirect.gather.add.f32 [hbm:s5], $0x40, s10, s17, $0xb8;
	[tilespmem:$0x1C800] =	vst v63  }
0x11c: {  	s2 =	sshll.u32 s12, $0x4;
	_ =	swait.ge [sflag:s23], $0x4000  }
0x11d: {  	s2 =	sand.u32 $0x1FFFC000, s2;
	[sflag:s23] =	ssyncset.done $0x0  }
0x11e: {  	s2 =	sadd.s32 s6, s2;
	[sflag:s23] =	ssyncadd.s32 $0xFFFFC000  }
0x11f: {  	[hbm4b:s2+s24] =	stream.strided.scatter [tilespmem:s18], [sflag:$0x3], $0x4000, s25, s24, $0x38;
	[tilespmem:$0x1C800] =	vst v63  }
0x120: {  	_ =	swait.ge [sflag:s8], $0x4000  }
0x121: {  	[sflag:s8] =	ssyncset.done $0x0  }
0x122: {  	s15 =	sadd.s32 $0x700, s14;
	[sflag:s8] =	ssyncadd.s32 $0xFFFFC000  }
0x123: {  	[tilespmem:s28], [sflag:$0xA] =	stream.indirect.gather [hbm4b:s4+s17], $0x40, s15, s17, $0xb8;
	[tilespmem:$0x1C800] =	vst v63  }
0x124: {  	_ =	swait.ge [sflag:s29], $0x4000  }
0x125: {  	[sflag:s29] =	ssyncset.done $0x0  }
0x126: {  	s2 =	simm.s32 $0x0;
	[sflag:s29] =	ssyncadd.s32 $0xFFFFC000  }
0x127: {  	v0 =	vld [tilespmem:s2+$0x10800]  }
0x128: {  	v1 =	vld [tilespmem:s2+$0x10810]  }
0x129: {  	v2 =	vld [tilespmem:s2+$0x10820]  }
0x12a: {  	v3 =	vld [tilespmem:s2+$0x10830]  }
0x12b: {  	v4 =	vld [tilespmem:s2+$0x10840]  }
0x12c: {  	v5 =	vld [tilespmem:s2+$0x10850];
	v0 =	vmul.f32 $8.000000000e+00, v0  }
0x12d: {  	v6 =	vld [tilespmem:s2+$0x10860];
	v1 =	vmul.f32 $8.000000000e+00, v1  }
0x12e: {  	v7 =	vld [tilespmem:s2+$0x10870];
	[tilespmem:s2+$0x10800] =	vst v0;
	v0 =	vmul.f32 $8.000000000e+00, v2  }
0x12f: {  	v8 =	vld [tilespmem:s2+$0x10880];
	[tilespmem:s2+$0x10810] =	vst v1;
	v1 =	vmul.f32 $8.000000000e+00, v3  }
0x130: {  	v9 =	vld [tilespmem:s2+$0x10890];
	[tilespmem:s2+$0x10820] =	vst v0;
	v0 =	vmul.f32 $8.000000000e+00, v4  }
0x131: {  	v2 =	vmul.f32 $8.000000000e+00, v5;
	[tilespmem:s2+$0x10830] =	vst v1;
	v1 =	vld [tilespmem:s2+$0x108A0]  }
0x132: {  	v3 =	vmul.f32 $8.000000000e+00, v6;
	[tilespmem:s2+$0x10840] =	vst v0;
	v0 =	vld [tilespmem:s2+$0x108B0]  }
0x133: {  	[tilespmem:s2+$0x10850] =	vst v2;
	v2 =	vld [tilespmem:s2+$0x108C0];
	v4 =	vmul.f32 $8.000000000e+00, v7  }
0x134: {  	v6 =	vmul.f32 $8.000000000e+00, v8;
	[tilespmem:s2+$0x10860] =	vst v3;
	v3 =	vld [tilespmem:s2+$0x108D0]  }
0x135: {  	s9 =	simm.s32 $0x400;
	v5 =	vmul.f32 $8.000000000e+00, v9;
	[tilespmem:s2+$0x10870] =	vst v4;
	v4 =	vld [tilespmem:s2+$0x108E0]  }
.LBB2_13:
0x136: {  	s10 =	sshra.s32 s9, $0x2;
	p0 =	sne.s32 s9, $0xFC00;
	[tilespmem:s2+$0x10880] =	vst v6;
	v1 =	vmul.f32 $8.000000000e+00, v1;
	v6 =	vld [tilespmem:s2+$0x108F0]  }
0x137: {  	v7 =	vld [tilespmem:s10+$0x10800];
	[tilespmem:s2+$0x10890] =	vst v5;
	v0 =	vmul.f32 $8.000000000e+00, v0  }
0x138: {  	v5 =	vld [tilespmem:s10+$0x10810];
	[tilespmem:s2+$0x108A0] =	vst v1;
	v1 =	vmul.f32 $8.000000000e+00, v2  }
0x139: {  	v2 =	vld [tilespmem:s10+$0x10820];
	[tilespmem:s2+$0x108B0] =	vst v0;
	v0 =	vmul.f32 $8.000000000e+00, v3  }
0x13a: {  	v3 =	vld [tilespmem:s10+$0x10830];
	[tilespmem:s2+$0x108C0] =	vst v1;
	v1 =	vmul.f32 $8.000000000e+00, v4  }
0x13b: {  	v4 =	vld [tilespmem:s10+$0x10840];
	[tilespmem:s2+$0x108D0] =	vst v0;
	v0 =	vmul.f32 $8.000000000e+00, v6  }
0x13c: {  	v6 =	vmul.f32 $8.000000000e+00, v7;
	v7 =	vld [tilespmem:s10+$0x10850];
	[tilespmem:s2+$0x108E0] =	vst v1  }
0x13d: {  	v1 =	vmul.f32 $8.000000000e+00, v5;
	v5 =	vld [tilespmem:s10+$0x10860];
	[tilespmem:s2+$0x108F0] =	vst v0;
	s2 =	smov.u32 s10  }
0x13e: {  	[tilespmem:s2+$0x10800] =	vst v6;
	v0 =	vmul.f32 $8.000000000e+00, v2;
	v2 =	vld [tilespmem:s2+$0x10870]  }
0x13f: {  	[tilespmem:s2+$0x10810] =	vst v1;
	v1 =	vmul.f32 $8.000000000e+00, v3;
	v3 =	vld [tilespmem:s2+$0x10880]  }
0x140: {  	[tilespmem:s2+$0x10820] =	vst v0;
	v0 =	vmul.f32 $8.000000000e+00, v4;
	v4 =	vld [tilespmem:s2+$0x10890]  }
.Ltmp5:
0x141: {  	[tilespmem:s2+$0x10830] =	vst v1;
	v6 =	vmul.f32 $8.000000000e+00, v7;
	v1 =	vld [tilespmem:s2+$0x108A0];
	(pc) =	sbr.rel @p0 .LBB2_13-.Ltmp5, $4  }
0x142: {  	[tilespmem:s2+$0x10840] =	vst v0;
	v5 =	vmul.f32 $8.000000000e+00, v5;
	v0 =	vld [tilespmem:s2+$0x108B0]  }
0x143: {  	[tilespmem:s2+$0x10850] =	vst v6;
	v7 =	vmul.f32 $8.000000000e+00, v2;
	v2 =	vld [tilespmem:s2+$0x108C0]  }
0x144: {  	[tilespmem:s2+$0x10860] =	vst v5;
	v6 =	vmul.f32 $8.000000000e+00, v3;
	v3 =	vld [tilespmem:s2+$0x108D0]  }
0x145: {  	s9 =	sadd.s32 $0x400, s9;
	[tilespmem:s2+$0x10870] =	vst v7;
	v5 =	vmul.f32 $8.000000000e+00, v4;
	v4 =	vld [tilespmem:s2+$0x108E0]  }
0x146: {  	[tilespmem:s2+$0x10880] =	vst v6;
	v1 =	vmul.f32 $8.000000000e+00, v1;
	v59 =	vld [tilespmem:s2+$0x108F0]  }
0x147: {  	[tilespmem:s2+$0x10890] =	vst v5;
	v0 =	vmul.f32 $8.000000000e+00, v0  }
0x148: {  	s11 =	sadd.s32 $0x1, s11;
	[tilespmem:s2+$0x108A0] =	vst v1;
	v60 =	vmul.f32 $8.000000000e+00, v2  }
0x149: {  	p0 =	sne.s32 s11, $0x18;
	[tilespmem:s2+$0x108B0] =	vst v0;
	v61 =	vmul.f32 $8.000000000e+00, v3  }
.Ltmp6:
0x14a: {  	[tilespmem:s2+$0x108C0] =	vst v60;
	v62 =	vmul.f32 $8.000000000e+00, v4;
	(pc) =	sbr.rel @p0 .LBB2_6-.Ltmp6, $4  }
0x14b: {  	[tilespmem:s2+$0x108D0] =	vst v61;
	v63 =	vmul.f32 $8.000000000e+00, v59  }
0x14c: {  	[tilespmem:s2+$0x108E0] =	vst v62  }
0x14d: {  	s15 =	sadd.s32 $0x6400, s13;
	[tilespmem:s2+$0x108F0] =	vst v63  }
0x14e: {  	[tilespmem:s19], [sflag:$0x5] =	stream.indirect.gather.add.f32 [hbm:s5], $0x40, s15, s17, $0xb8;
	[tilespmem:$0x1C800] =	vst v63  }
0x14f: {  	_ =	swait.ge [sflag:s31], $0x4000  }
0x150: {  	[sflag:s31] =	ssyncset.done $0x0  }
0x151: {  	s2 =	rddreg [dreg:$0x7];
	[sflag:s31] =	ssyncadd.s32 $0xFFFFC000  }
0x152: {  	[hbm4b:s2+s24] =	stream.strided.scatter [tilespmem:s19], [sflag:$0x6], $0x4000, s25, s24, $0x38;
	[tilespmem:$0x1C800] =	vst v63  }
0x153: {  	_ =	swait.ge [sflag:s0], $0x4000  }
0x154: {  	[sflag:s0] =	ssyncset.done $0x0  }
0x155: {  	s2 =	simm.s32 $0x0;
	[sflag:s0] =	ssyncadd.s32 $0xFFFFC000  }
0x156: {  	v0 =	vld [tilespmem:s2+$0x14800]  }
0x157: {  	v1 =	vld [tilespmem:s2+$0x14810]  }
0x158: {  	v2 =	vld [tilespmem:s2+$0x14820]  }
0x159: {  	v3 =	vld [tilespmem:s2+$0x14830]  }
0x15a: {  	v4 =	vld [tilespmem:s2+$0x14840]  }
0x15b: {  	v5 =	vld [tilespmem:s2+$0x14850];
	v0 =	vmul.f32 $8.000000000e+00, v0  }
0x15c: {  	v6 =	vld [tilespmem:s2+$0x14860];
	v1 =	vmul.f32 $8.000000000e+00, v1  }
0x15d: {  	v7 =	vld [tilespmem:s2+$0x14870];
	[tilespmem:s2+$0x14800] =	vst v0;
	v0 =	vmul.f32 $8.000000000e+00, v2  }
0x15e: {  	v8 =	vld [tilespmem:s2+$0x14880];
	[tilespmem:s2+$0x14810] =	vst v1;
	v1 =	vmul.f32 $8.000000000e+00, v3  }
0x15f: {  	v9 =	vld [tilespmem:s2+$0x14890];
	[tilespmem:s2+$0x14820] =	vst v0;
	v0 =	vmul.f32 $8.000000000e+00, v4  }
0x160: {  	v2 =	vmul.f32 $8.000000000e+00, v5;
	[tilespmem:s2+$0x14830] =	vst v1;
	v1 =	vld [tilespmem:s2+$0x148A0]  }
0x161: {  	v3 =	vmul.f32 $8.000000000e+00, v6;
	[tilespmem:s2+$0x14840] =	vst v0;
	v0 =	vld [tilespmem:s2+$0x148B0]  }
0x162: {  	[tilespmem:s2+$0x14850] =	vst v2;
	v2 =	vld [tilespmem:s2+$0x148C0];
	v4 =	vmul.f32 $8.000000000e+00, v7  }
0x163: {  	v6 =	vmul.f32 $8.000000000e+00, v8;
	[tilespmem:s2+$0x14860] =	vst v3;
	v3 =	vld [tilespmem:s2+$0x148D0]  }
0x164: {  	s9 =	simm.s32 $0x400;
	v5 =	vmul.f32 $8.000000000e+00, v9;
	[tilespmem:s2+$0x14870] =	vst v4;
	v4 =	vld [tilespmem:s2+$0x148E0]  }
.LBB2_16:
0x165: {  	s10 =	sshra.s32 s9, $0x2;
	p0 =	sne.s32 s9, $0xFC00;
	[tilespmem:s2+$0x14880] =	vst v6;
	v1 =	vmul.f32 $8.000000000e+00, v1;
	v6 =	vld [tilespmem:s2+$0x148F0]  }
0x166: {  	v7 =	vld [tilespmem:s10+$0x14800];
	[tilespmem:s2+$0x14890] =	vst v5;
	v0 =	vmul.f32 $8.000000000e+00, v0  }
0x167: {  	v5 =	vld [tilespmem:s10+$0x14810];
	[tilespmem:s2+$0x148A0] =	vst v1;
	v1 =	vmul.f32 $8.000000000e+00, v2  }
0x168: {  	v2 =	vld [tilespmem:s10+$0x14820];
	[tilespmem:s2+$0x148B0] =	vst v0;
	v0 =	vmul.f32 $8.000000000e+00, v3  }
0x169: {  	v3 =	vld [tilespmem:s10+$0x14830];
	[tilespmem:s2+$0x148C0] =	vst v1;
	v1 =	vmul.f32 $8.000000000e+00, v4  }
0x16a: {  	v4 =	vld [tilespmem:s10+$0x14840];
	[tilespmem:s2+$0x148D0] =	vst v0;
	v0 =	vmul.f32 $8.000000000e+00, v6  }
0x16b: {  	v6 =	vmul.f32 $8.000000000e+00, v7;
	v7 =	vld [tilespmem:s10+$0x14850];
	[tilespmem:s2+$0x148E0] =	vst v1  }
0x16c: {  	v1 =	vmul.f32 $8.000000000e+00, v5;
	v5 =	vld [tilespmem:s10+$0x14860];
	[tilespmem:s2+$0x148F0] =	vst v0;
	s2 =	smov.u32 s10  }
0x16d: {  	[tilespmem:s2+$0x14800] =	vst v6;
	v0 =	vmul.f32 $8.000000000e+00, v2;
	v2 =	vld [tilespmem:s2+$0x14870]  }
0x16e: {  	[tilespmem:s2+$0x14810] =	vst v1;
	v1 =	vmul.f32 $8.000000000e+00, v3;
	v3 =	vld [tilespmem:s2+$0x14880]  }
0x16f: {  	[tilespmem:s2+$0x14820] =	vst v0;
	v0 =	vmul.f32 $8.000000000e+00, v4;
	v4 =	vld [tilespmem:s2+$0x14890]  }
.Ltmp7:
0x170: {  	[tilespmem:s2+$0x14830] =	vst v1;
	v6 =	vmul.f32 $8.000000000e+00, v7;
	v1 =	vld [tilespmem:s2+$0x148A0];
	(pc) =	sbr.rel @p0 .LBB2_16-.Ltmp7, $4  }
0x171: {  	[tilespmem:s2+$0x14840] =	vst v0;
	v5 =	vmul.f32 $8.000000000e+00, v5;
	v0 =	vld [tilespmem:s2+$0x148B0]  }
0x172: {  	[tilespmem:s2+$0x14850] =	vst v6;
	v7 =	vmul.f32 $8.000000000e+00, v2;
	v2 =	vld [tilespmem:s2+$0x148C0]  }
0x173: {  	[tilespmem:s2+$0x14860] =	vst v5;
	v6 =	vmul.f32 $8.000000000e+00, v3;
	v3 =	vld [tilespmem:s2+$0x148D0]  }
0x174: {  	s9 =	sadd.s32 $0x400, s9;
	[tilespmem:s2+$0x14870] =	vst v7;
	v5 =	vmul.f32 $8.000000000e+00, v4;
	v4 =	vld [tilespmem:s2+$0x148E0]  }
0x175: {  	[tilespmem:s2+$0x14880] =	vst v6;
	v1 =	vmul.f32 $8.000000000e+00, v1;
	v6 =	vld [tilespmem:s2+$0x148F0]  }
0x176: {  	[tilespmem:s2+$0x14890] =	vst v5;
	v0 =	vmul.f32 $8.000000000e+00, v0  }
0x177: {  	[tilespmem:s2+$0x148A0] =	vst v1;
	v1 =	vmul.f32 $8.000000000e+00, v2  }
0x178: {  	[tilespmem:s2+$0x148B0] =	vst v0;
	v0 =	vmul.f32 $8.000000000e+00, v3  }
0x179: {  	[tilespmem:s2+$0x148C0] =	vst v1;
	v1 =	vmul.f32 $8.000000000e+00, v4  }
0x17a: {  	[tilespmem:s2+$0x148D0] =	vst v0;
	v0 =	vmul.f32 $8.000000000e+00, v6  }
0x17b: {  	[tilespmem:s2+$0x148E0] =	vst v1  }
0x17c: {  	s14 =	simm.s32 $0xC600;
	[tilespmem:s2+$0x148F0] =	vst v0  }
0x17d: {  	[tilespmem:s21], [sflag:$0x8] =	stream.indirect.gather.add.f32 [hbm:s5], $0x40, s14, s17, $0xb8;
	[tilespmem:$0x1C800] =	vst v63  }
0x17e: {  	_ =	swait.ge [sflag:s20], $0x4000  }
0x17f: {  	[sflag:s20] =	ssyncset.done $0x0  }
0x180: {  	s15 =	rddreg [dreg:$0x8];
	[sflag:s20] =	ssyncadd.s32 $0xFFFFC000  }
0x181: {  	[hbm4b:s15+s24] =	stream.strided.scatter [tilespmem:s21], [sflag:$0x9], $0x4000, s25, s24, $0x38;
	[tilespmem:$0x1C800] =	vst v63  }
0x182: {  	_ =	swait.ge [sflag:s30], $0x4000  }
0x183: {  	[sflag:s30] =	ssyncset.done $0x0  }
0x184: {  	s2 =	simm.s32 $0x0;
	[sflag:s30] =	ssyncadd.s32 $0xFFFFC000  }
0x185: {  	v0 =	vld [tilespmem:s2+$0x18800]  }
0x186: {  	v1 =	vld [tilespmem:s2+$0x18810]  }
0x187: {  	v2 =	vld [tilespmem:s2+$0x18820]  }
0x188: {  	v3 =	vld [tilespmem:s2+$0x18830]  }
0x189: {  	v4 =	vld [tilespmem:s2+$0x18840]  }
0x18a: {  	v5 =	vld [tilespmem:s2+$0x18850];
	v0 =	vmul.f32 $8.000000000e+00, v0  }
0x18b: {  	v6 =	vld [tilespmem:s2+$0x18860];
	v1 =	vmul.f32 $8.000000000e+00, v1  }
0x18c: {  	v7 =	vld [tilespmem:s2+$0x18870];
	[tilespmem:s2+$0x18800] =	vst v0;
	v0 =	vmul.f32 $8.000000000e+00, v2  }
0x18d: {  	v8 =	vld [tilespmem:s2+$0x18880];
	[tilespmem:s2+$0x18810] =	vst v1;
	v1 =	vmul.f32 $8.000000000e+00, v3  }
0x18e: {  	v9 =	vld [tilespmem:s2+$0x18890];
	[tilespmem:s2+$0x18820] =	vst v0;
	v0 =	vmul.f32 $8.000000000e+00, v4  }
0x18f: {  	v2 =	vmul.f32 $8.000000000e+00, v5;
	[tilespmem:s2+$0x18830] =	vst v1;
	v1 =	vld [tilespmem:s2+$0x188A0]  }
0x190: {  	v3 =	vmul.f32 $8.000000000e+00, v6;
	[tilespmem:s2+$0x18840] =	vst v0;
	v0 =	vld [tilespmem:s2+$0x188B0]  }
0x191: {  	[tilespmem:s2+$0x18850] =	vst v2;
	v2 =	vld [tilespmem:s2+$0x188C0];
	v4 =	vmul.f32 $8.000000000e+00, v7  }
0x192: {  	v6 =	vmul.f32 $8.000000000e+00, v8;
	[tilespmem:s2+$0x18860] =	vst v3;
	v3 =	vld [tilespmem:s2+$0x188D0]  }
0x193: {  	s9 =	simm.s32 $0x400;
	s12 =	simm.s32 $0x6400;
	v5 =	vmul.f32 $8.000000000e+00, v9;
	[tilespmem:s2+$0x18870] =	vst v4;
	v4 =	vld [tilespmem:s2+$0x188E0]  }
.LBB2_18:
0x194: {  	s10 =	sshra.s32 s9, $0x2;
	p0 =	sne.s32 s9, $0xFC00;
	[tilespmem:s2+$0x18880] =	vst v6;
	v1 =	vmul.f32 $8.000000000e+00, v1;
	v6 =	vld [tilespmem:s2+$0x188F0]  }
0x195: {  	v7 =	vld [tilespmem:s10+$0x18800];
	[tilespmem:s2+$0x18890] =	vst v5;
	v0 =	vmul.f32 $8.000000000e+00, v0  }
0x196: {  	v5 =	vld [tilespmem:s10+$0x18810];
	[tilespmem:s2+$0x188A0] =	vst v1;
	v1 =	vmul.f32 $8.000000000e+00, v2  }
0x197: {  	v2 =	vld [tilespmem:s10+$0x18820];
	[tilespmem:s2+$0x188B0] =	vst v0;
	v0 =	vmul.f32 $8.000000000e+00, v3  }
0x198: {  	v3 =	vld [tilespmem:s10+$0x18830];
	[tilespmem:s2+$0x188C0] =	vst v1;
	v1 =	vmul.f32 $8.000000000e+00, v4  }
0x199: {  	v4 =	vld [tilespmem:s10+$0x18840];
	[tilespmem:s2+$0x188D0] =	vst v0;
	v0 =	vmul.f32 $8.000000000e+00, v6  }
0x19a: {  	v6 =	vmul.f32 $8.000000000e+00, v7;
	v7 =	vld [tilespmem:s10+$0x18850];
	[tilespmem:s2+$0x188E0] =	vst v1  }
0x19b: {  	v1 =	vmul.f32 $8.000000000e+00, v5;
	v5 =	vld [tilespmem:s10+$0x18860];
	[tilespmem:s2+$0x188F0] =	vst v0;
	s2 =	smov.u32 s10  }
0x19c: {  	[tilespmem:s2+$0x18800] =	vst v6;
	v0 =	vmul.f32 $8.000000000e+00, v2;
	v2 =	vld [tilespmem:s2+$0x18870]  }
0x19d: {  	[tilespmem:s2+$0x18810] =	vst v1;
	v1 =	vmul.f32 $8.000000000e+00, v3;
	v3 =	vld [tilespmem:s2+$0x18880]  }
0x19e: {  	[tilespmem:s2+$0x18820] =	vst v0;
	v0 =	vmul.f32 $8.000000000e+00, v4;
	v4 =	vld [tilespmem:s2+$0x18890]  }
.Ltmp8:
0x19f: {  	[tilespmem:s2+$0x18830] =	vst v1;
	v6 =	vmul.f32 $8.000000000e+00, v7;
	v1 =	vld [tilespmem:s2+$0x188A0];
	(pc) =	sbr.rel @p0 .LBB2_18-.Ltmp8, $4  }
0x1a0: {  	[tilespmem:s2+$0x18840] =	vst v0;
	v5 =	vmul.f32 $8.000000000e+00, v5;
	v0 =	vld [tilespmem:s2+$0x188B0]  }
0x1a1: {  	[tilespmem:s2+$0x18850] =	vst v6;
	v7 =	vmul.f32 $8.000000000e+00, v2;
	v2 =	vld [tilespmem:s2+$0x188C0]  }
0x1a2: {  	[tilespmem:s2+$0x18860] =	vst v5;
	v6 =	vmul.f32 $8.000000000e+00, v3;
	v3 =	vld [tilespmem:s2+$0x188D0]  }
0x1a3: {  	s9 =	sadd.s32 $0x400, s9;
	[tilespmem:s2+$0x18870] =	vst v7;
	v5 =	vmul.f32 $8.000000000e+00, v4;
	v4 =	vld [tilespmem:s2+$0x188E0]  }
0x1a4: {  	[tilespmem:s2+$0x18880] =	vst v6;
	v1 =	vmul.f32 $8.000000000e+00, v1;
	v59 =	vld [tilespmem:s2+$0x188F0]  }
0x1a5: {  	[tilespmem:s2+$0x18890] =	vst v5;
	v0 =	vmul.f32 $8.000000000e+00, v0  }
0x1a6: {  	[tilespmem:s2+$0x188A0] =	vst v1;
	v60 =	vmul.f32 $8.000000000e+00, v2  }
0x1a7: {  	[tilespmem:s2+$0x188B0] =	vst v0;
	v61 =	vmul.f32 $8.000000000e+00, v3  }
0x1a8: {  	[tilespmem:s2+$0x188C0] =	vst v60;
	v62 =	vmul.f32 $8.000000000e+00, v4  }
0x1a9: {  	[tilespmem:s2+$0x188D0] =	vst v61;
	v63 =	vmul.f32 $8.000000000e+00, v59  }
0x1aa: {  	[tilespmem:s2+$0x188E0] =	vst v62  }
0x1ab: {  	s13 =	simm.s32 $0xC700;
	[tilespmem:s2+$0x188F0] =	vst v63  }
0x1ac: {  	[tilespmem:s28], [sflag:$0xB] =	stream.indirect.gather.add.f32 [hbm:s5], $0x40, s13, s17, $0xb8;
	[tilespmem:$0x1C800] =	vst v63  }
0x1ad: {  	_ =	swait.ge [sflag:s16], $0x4000  }
0x1ae: {  	[sflag:s16] =	ssyncset.done $0x0  }
0x1af: {  	s14 =	rddreg [dreg:$0x9];
	[sflag:s16] =	ssyncadd.s32 $0xFFFFC000  }
0x1b0: {  	[hbm4b:s14+s24] =	stream.strided.scatter [tilespmem:s28], [sflag:$0xC], $0x4000, s25, s24, $0x38;
	[tilespmem:$0x1C800] =	vst v63  }
0x1b1: {  	_ =	swait.ge [sflag:s1], $0x4000  }
0x1b2: {  	[sflag:s1] =	ssyncset.done $0x0  }
0x1b3: {  	[sflag:s1] =	ssyncadd.s32 $0xFFFFC000  }
0x1b4: {  	_ =	swait.ge [sflag:s26], $0x4000  }
0x1b5: {  	[sflag:s26] =	ssyncset.done $0x0  }
0x1b6: {  	[sflag:s26] =	ssyncadd.s32 $0xFFFFC000  }
0x1b7: {  	_ =	swait.ge [sflag:s7], $0x4000  }
0x1b8: {  	[sflag:s7] =	ssyncset.done $0x0  }
0x1b9: {  	[sflag:s7] =	ssyncadd.s32 $0xFFFFC000  }
0x1ba: {  	_ =	swait.ge [sflag:s8], $0x4000  }
0x1bb: {  	s9 =	rddreg [dreg:$0xb]  }
0x1bc: {  	s15 =	rddreg [dreg:$0xa];
	s9 =	sadd.s32 $0x1, s9  }
0x1bd: {  	p0 =	sne.s32 s9, s15  }
.Ltmp9:
0x1be: {  	_ = 	snop;
	(pc) =	sbr.rel @p0 .LBB2_1-.Ltmp9, $3  }
0x1bf: {  	_ =	sdelay $0x1  }
0x1c0: {  	[sflag:s8] =	ssyncset.done $0x0  }
0x1c1: {  	[sflag:s8] =	ssyncadd.s32 $0xFFFFC000  }
0x1c2: {  	_ =	sfence.sel $0x180000  }
0x1c3: {  	[bflag:$0x0] =	sbarrier.arrive $0xFFFF  }
0x1c4: {  	_ =	strace $0x90000047  }
0x1c5: {  	s0 =	stileid.u32;
	[bflag:$0x2] =	sbarrier.arrive $0xFFFF  }
0x1c6: {  	p0 =	sne.s32 s0, $0x0;
	s0 =	rddreg [dreg:$0x2]  }
0x1c7: {  	s0 =	sadd.s32 @!p0 $0x100000, s0  }
0x1c8: {  	[sflag:s0] =	ssyncadd.tile.s32 @!p0 $0x1;
	_ =	shalt  }
.Lfunc_end2:
_tile_overlayer_lowered:
.L_overlay_start_2:
0x1c9: {  	(tag) =	ssettag $0x2  }
0x1ca: {  	s0 =	rddreg [dreg:$0x0];
	s2 =	stileid.u32  }
0x1cb: {  	s1 =	rddreg [dreg:$0x1];
	p0 =	sne.s32 s2, $0x0  }
0x1cc: {  	s3 =	rddreg [dreg:$0x2];
	[bflag:$0x3] =	sbarrier.arrive $0xFFFF;
	s2 =	simm.s32 @!p0 $0x1C0D  }
0x1cd: {  	[timem:s3], [sflag:s2] =	dma.local @!p0 [hbm:s0], s1  }
0x1ce: {  	s0 =	simm.s32 @!p0 $0xD  }
0x1cf: {  	_ =	swait.ge @!p0 [sflag:s0], s1  }
0x1d0: {  	s1 =	ssub.s32 @!p0 $0x0, s1;
	[sflag:s0] =	ssyncset.done @!p0 $0x0  }
0x1d1: {  	[sflag:s0] =	ssyncadd.s32 @!p0 s1  }
0x1d2: {  	[bflag:$0x3] =	sbarrier.arrive $0xFFFF  }
0x1d3: {  	_ =	shalt  }

// kernel: sparse-core-data-format-call.cloned.1.call-start
scs
called_computation_lowered:
.L_overlay_start_0:
0x0: {  	s2 =	sld [smem:$0x3FD9]  }
0x1: {  	s3 =	sld [smem:$0x3FFE];
	_ =	sdelay $0x1  }
0x2: {  	s1 =	srdreg.scid  }
0x3: {  	s0 =	sand.u32 $0x1, s1  }
0x4: {  	s18 =	sshll.u32 s0, $0xA;
	s2 =	sadd.s32 s3, s2  }
0x5: {  	s2 =	sadd.s32 s2, s18  }
0x6: {  	[smem:$0x3FC4] =	sst s2  }
0x7: {  	_ = 	snop  }
0x8: {  	s2 =	sld [smem:$0x3FD0];
	(tm) =	ssettm $0x1  }
0x9: {  	s19 =	sld [smem:$0x3FFB];
	_ =	sdelay $0x3  }
0xa: {  	_ =	strace s19  }
0xb: {  	s3 =	sld [smem:$0x3FFC];
	_ =	sdelay $0x3  }
0xc: {  	_ =	strace s3  }
0xd: {  	s3 =	sld [smem:$0x3FFD];
	_ =	sdelay $0x3  }
0xe: {  	_ =	strace s3  }
0xf: {  	_ =	strace $0x8FFFFFFF  }
0x10: {  	s20 =	sld [smem:$0x3FDB];
	_ =	sdelay $0x1  }
0x11: {  	s4 =	simm.s32 $_scs_section_size  }
0x12: {  	s5 =	simm.s32 $_size__tile_overlayer_lowered;
	s6 =	simm.s32 $_tile_overlayer_lowered  }
0x13: {  	s23 =	simm.s32 $0x1BFF;
	s22 =	sshll.u32 s6, $0x1;
	s3 =	sadd.s32 s4, s20  }
0x14: {  	s7 =	simm.s32 $0x0;
	s21 =	sshll.u32 s5, $0x1;
	s5 =	sadd.s32 s22, s3  }
0x15: {  	[timem:s7], [sflag:s23] =	dma.local [hbm:s5], s21  }
0x16: {  	_ =	swait.ge [sflag:s23], s21  }
0x17: {  	s4 =	ssub.s32 $0x0, s21;
	[sflag:s23] =	ssyncset.done $0x0  }
0x18: {  	[sflag:s23] =	ssyncadd.s32 s4;
	_ =	sdelay $0x1  }
0x19: {  	s24 =	simm.s32 $0x1B8B  }
0x1a: {  	_ =	swait.ge [sflag:s24], $0x1  }
0x1b: {  	[sflag:s24] =	ssyncset.done $0x0  }
0x1c: {  	s26 =	simm.s32 $0x1B8E;
	s25 =	sld [smem:$0x3FFE];
	[sflag:s24] =	ssyncadd.s32 $0xFFFFFFFF  }
0x1d: {  	s27 =	simm.s32 $execute0_lowered;
	[smem:$0x3FD2] =	sst s26  }
0x1e: {  	s5 =	sshll.u32 s27, $0x1;
	_ =	strace $0x80000049;
	[dreg:$0x1] =	wrdreg $0xFFFFFFFF  }
0x1f: {  	s28 =	simm.s32 $_size_execute0_lowered;
	s3 =	sadd.s32 s3, s5;
	[dreg:$0x0] =	wrdreg $0x0  }
0x20: {  	s5 =	sshll.u32 s28, $0x1;
	[dreg:$0x2] =	wrdreg s3  }
0x21: {  	[dreg:$0x3] =	wrdreg s5  }
0x22: {  	[dreg:$0x4] =	wrdreg $0xC0  }
0x23: {  	_ =	task [dreg:s7], $0x5FFFF  }
0x24: {  	[dreg:$0x1] =	wrdreg $0xFFFFFFFF  }
0x25: {  	[dreg:$0x0] =	wrdreg $0x60  }
0x26: {  	[dreg:$0x2] =	wrdreg s25  }
0x27: {  	[dreg:$0x3] =	wrdreg s2  }
0x28: {  	[dreg:$0x4] =	wrdreg $0x9  }
0x29: {  	_ =	task.clear_ibuf [dreg:s7], $0x5FFFF;
	_ =	strace $0x90000049  }
0x2a: {  	s29 =	simm.s32 $0x9;
	_ =	strace $0x8000004B  }
0x2b: {  	_ =	swait.ge [sflag:s29], $0x1  }
0x2c: {  	[sflag:s29] =	ssyncadd.s32 $0xFFFFFFFF  }
0x2d: {  	_ =	strace $0x9000004B  }
0x2e: {  	_ =	sfence  }
0x2f: {  	s30 =	sld [smem:$0x0];
	_ =	sdelay $0x2  }
0x30: {  	s31 =	sshll.u32 s1, $0xD;
	s1 =	sshrl.u32 s1, $0x2  }
0x31: {  	s3 =	sand.u32 $0x4000, s31;
	s1 =	sadd.s32 s1, s30  }
0x32: {  	s0 =	sor.u32 s3, s0;
	s1 =	sshll.u32 s1, $0x11  }
0x33: {  	s0 =	sor.u32 s1, s0  }
0x34: {  	s0 =	sadd.s32 $0x8F2B, s0  }
0x35: {  	[sflag:s0] =	ssyncadd.remote.s32 $0x1  }
0x36: {  	_ =	sfence.sel $0xFFFF  }
0x37: {  	[dreg:$0x0] =	wrdreg $0xFFFFFFFF;
	(pc) =	sbr.abs _section_cstart, $3  }
0x38: {  	[dreg:$0x1] =	wrdreg $0xFFFFFFFF  }
0x39: {  	_ =	task.clear_ibuf [dreg:s7], $0x2FFFF;
	_ =	strace $0x9FFFFFFF  }
0x3a: {  	(tm) =	ssettm $0x7FFFFFFF  }
0x3b: {  	_ =	shalt  }
tec
execute0_lowered:
.L_overlay_start_1:
0x0: {  	(tag) =	ssettag $0x1  }
0x1: {  	s0 =	srdreg.scid  }
0x2: {  	s1 =	sshll.u32 s0, $0x4  }
0x3: {  	s0 =	stileid.u32;
	s1 =	sand.u32 $0x10, s1  }
0x4: {  	s1 =	sor.u32 s0, s1  }
0x5: {  	s6 =	rddreg [dreg:$0x0];
	s4 =	simm.s32 $0x1;
	s2 =	sshll.u32 s1, $0x7  }
0x6: {  	s7 =	simm.s32 $0x2;
	s12 =	simm.s32 $0x0;
	s1 =	ssub.s32 $0x1000, s2  }
0x7: {  	s8 =	simm.s32 $0x8000;
	s13 =	simm.s32 $0x0;
	s3 =	sand.u32 $0xF80, s1  }
0x8: {  	s9 =	simm.s32 $0x0;
	s5 =	sshrl.u32 s1, $0xC;
	p0 =	sne.s32 s3, $0x0  }
.Ltmp0:
0x9: {  	s1 =	rddreg [dreg:$0x2];
	s4 =	simm.s32 @!p0 $0x0;
	(pc) =	sbr.rel .LBB1_1-.Ltmp0, $4  }
0xa: {  	s11 =	simm.s32 $0x0;
	s3 =	rddreg [dreg:$0x1];
	s5 =	sadd.s32 s4, s5  }
0xb: {  	_ =	strace $0x8000004A;
	s4 =	simm.s32 $0x1;
	s5 =	smul.u32 $0xC8, s5  }
0xc: {  	s6 =	sadd.s32 $0x7C7600, s6;
	s10 =	smov.u32 s2;
	[sflag:s4] =	ssyncpa.u1 $0x0  }
0xd: {  	p0 =	por $0x0, $0x0;
	[sflag:s7] =	ssyncpa.u1 $0x0;
	s7 =	sor.u32 $0x1, s5  }
.LBB1_4:
0xe: {  	s16 =	sshll.u32 s13, $0x3;
	s17 =	sand.u32 $0x78, s13  }
0xf: {  	s30 =	sand.u32 $0x7E00, s13;
	s12 =	sshll.u32 s12, $0xF;
	s16 =	sand.u32 $0xC00, s16  }
0x10: {  	[tilespmem:s15+$0x810 ss:$0x81] =	vst.msk $0xffff, v2;
	s31 =	sand.u32 $0x7, s13;
	s16 =	sor.u32 s17, s16;
	s17 =	sadd.s32 s3, s30  }
0x11: {  	[tilespmem:s15+$0x1020 ss:$0x81] =	vst.msk $0xffff, v0;
	s13 =	sshll.u32 s31, $0x12;
	s12 =	sadd.s32 s12, s17;
	s16 =	sshrl.u32 s16, $0x3  }
0x12: {  	[tilespmem:s15+$0x0 ss:$0x81] =	vst.msk $0xffff, v1;
	s13 =	sor.u32 $0x400, s13;
	s12 =	sadd.s32 s16, s12  }
0x13: {  	[hbm4b:s12+s13] =	stream.strided.scatter [tilespmem:s14], [sflag:$0x2], $0x2000, s8, s13, $0x20;
	[tilespmem:$0x8080] =	vst v63  }
.LBB1_5:
0x14: {  	s14 =	sadd.s32 $0x1, s9  }
0x15: {  	s12 =	sadd.s32 $0x1000, s10;
	s16 =	smov.u32 s10;
	p2 =	sgt.s32 s14, $0xC7  }
0x16: {  	s16 =	smov.u32 @p2 s12  }
0x17: {  	s14 =	simm.s32 @p2 $0x0;
	p2 =	sgt.s32 s16, $0xFFF  }
0x18: {  	s16 =	smov.u32 @p2 s2;
	p2 =	sne.s32 s11, s7  }
.Ltmp1:
0x19: {  	p1 =	slt.u32 s11, $0x2;
	(pc) =	sbr.rel @!p2 .LBB1_6-.Ltmp1, $4  }
0x1a: {  	s15 =	simm.s32 @!p1 $0x2  }
0x1b: {  	s13 =	smov.u32 s10;
	p0 =	por !p0, !p0;
	_ =	swait.ge @!p1 [sflag:s15], $0x2000  }
0x1c: {  	s12 =	smov.u32 s9;
	[sflag:s15] =	ssyncset.done @!p1 $0x0;
	s9 =	smov.u32 s14  }
0x1d: {  	s11 =	sadd.s32 $0x1, s11;
	[sflag:s15] =	ssyncadd.s32 @!p1 $0xFFFFE000;
	s10 =	smov.u32 s16  }
.LBB1_1:
0x1e: {  	p1 =	sge.u32 s11, s5  }
0x1f: {  	s14 =	sand.u32 @!p1 $0x1FFFFFF, s9  }
0x20: {  	s15 =	smulhi.u32 @!p1 $0x147AE15, s14;
	_ =	sdelay $0x1  }
0x21: {  	s15 =	smul.u32 @!p1 $0xC8, s15  }
0x22: {  	s16 =	sxor.u32 @!p1 $0xFFFFFFFF, s11;
	s17 =	smul.u32 @!p1 $0xC80, s10  }
0x23: {  	s31 =	sadd.s32 $0xFFFFFFFF, s11;
	s16 =	sshll.u32 @!p1 s16, $0xD;
	s14 =	ssub.s32 @!p1 s14, s15  }
0x24: {  	s15 =	sand.u32 @!p1 $0x2000, s16;
	s16 =	sadd.s32 @!p1 s6, s17;
	s14 =	sshll.u32 @!p1 s14, $0x4  }
0x25: {  	s17 =	simm.s32 @!p1 $0x6400;
	s14 =	sadd.s32 @!p1 s14, s16;
	s16 =	simm.s32 @!p1 $0x40  }
0x26: {  	[tilespmem:s15], [sflag:$0x1] =	stream.strided.gather @!p1 [hbm4b:s14+s16], $0x2000, s17, s16, $0x38;
	[tilespmem:$0x8080] =	vst v63  }
0x27: {  	p1 =	sge.u32 s31, s5  }
.Ltmp2:
0x28: {  	_ = 	snop;
	(pc) =	sbr.rel @p1 .LBB1_5-.Ltmp2, $1  }
0x29: {  	_ =	sdelay $0x3  }
0x2a: {  	s14 =	simm.s32 $0x1  }
0x2b: {  	_ =	swait.ge [sflag:s4], $0x2000;
	s14 =	simm.s32 @!p0 $0x0  }
0x2c: {  	[sflag:s4] =	ssyncset.done $0x0;
	s15 =	sshll.u32 s14, $0xD  }
0x2d: {  	[sflag:s4] =	ssyncadd.s32 $0xFFFFE000;
	s18 =	sor.u32 $0x20, s15  }
0x2e: {  	s14 =	smul.u32 $0x8100, s14;
	v3 =	vld [tilespmem:s18+$0x10]  }
0x2f: {  	s30 =	sand.u32 $0x1, s11;
	v2 =	vld [tilespmem:s18+$0xFFFFFFF0]  }
0x30: {  	s15 =	smul.u32 $0x8100, s30;
	s14 =	sshrl.u32 s14, $0x2;
	v0 =	vld [tilespmem:s18+$0x0]  }
0x31: {  	v1 =	vld [tilespmem:s18+$0xFFFFFFE0];
	s16 =	sor.u32 $0x4000, s14  }
0x32: {  	s31 =	sshrl.u32 s15, $0x2;
	s15 =	sadd.s32 $0x0, s16  }
0x33: {  	s17 =	simm.s32 $0x4;
	s18 =	sadd.s32 $0x40, s18;
	s14 =	sor.u32 $0x4000, s31;
	[tilespmem:s15+$0x1830 ss:$0x81] =	vst.msk $0xffff, v3  }
.LBB1_3:
0x34: {  	v3 =	vld [tilespmem:s18+$0x10];
	p1 =	sne.s32 s17, $0x1FC;
	[tilespmem:s15+$0x810 ss:$0x81] =	vst.msk $0xffff, v2;
	s19 =	smov.u32 s17;
	s17 =	sadd.s32 $0x4, s17  }
.Ltmp3:
0x35: {  	v2 =	vld [tilespmem:s18+$0xFFFFFFF0];
	[tilespmem:s15+$0x1020 ss:$0x81] =	vst.msk $0xffff, v0;
	(pc) =	sbr.rel @p1 .LBB1_3-.Ltmp3, $4  }
0x36: {  	v0 =	vld [tilespmem:s18+$0x0];
	[tilespmem:s15+$0x0 ss:$0x81] =	vst.msk $0xffff, v1  }
0x37: {  	s15 =	sshra.s32 s19, $0x2;
	v1 =	vld [tilespmem:s18+$0xFFFFFFE0]  }
0x38: {  	s15 =	sadd.s32 s15, s16  }
0x39: {  	s18 =	sadd.s32 $0x40, s18;
	[tilespmem:s15+$0x1830 ss:$0x81] =	vst.msk $0xffff, v3  }
.Ltmp4:
0x3a: {  	_ = 	snop;
	(pc) =	sbr.rel .LBB1_4-.Ltmp4, $1  }
0x3b: {  	_ =	sdelay $0x3  }
.LBB1_6:
0x3c: {  	_ =	sfence.sel $0x180000  }
0x3d: {  	s2 =	simm.s32 $0x1;
	[bflag:$0x0] =	sbarrier.arrive $0xFFFF  }
0x3e: {  	s31 =	simm.s32 $0x2;
	[sflag:s2] =	ssyncpa.u1 $0x1  }
0x3f: {  	[sflag:s31] =	ssyncpa.u1 $0x1  }
0x40: {  	p0 =	sne.s32 s0, $0x0;
	_ =	strace $0x9000004A  }
0x41: {  	s0 =	sadd.s32 @!p0 $0x100000, s1;
	[bflag:$0x2] =	sbarrier.arrive $0xFFFF  }
0x42: {  	[sflag:s0] =	ssyncadd.tile.s32 @!p0 $0x1;
	_ =	shalt  }
.Lfunc_end1:
_tile_overlayer_lowered:
.L_overlay_start_2:
0x43: {  	(tag) =	ssettag $0x2  }
0x44: {  	s0 =	rddreg [dreg:$0x0];
	s2 =	stileid.u32  }
0x45: {  	s1 =	rddreg [dreg:$0x1];
	p0 =	sne.s32 s2, $0x0  }
0x46: {  	s3 =	rddreg [dreg:$0x2];
	[bflag:$0x3] =	sbarrier.arrive $0xFFFF;
	s2 =	simm.s32 @!p0 $0x1C01  }
0x47: {  	[timem:s3], [sflag:s2] =	dma.local @!p0 [hbm:s0], s1  }
0x48: {  	s0 =	simm.s32 @!p0 $0x1  }
0x49: {  	_ =	swait.ge @!p0 [sflag:s0], s1  }
0x4a: {  	s1 =	ssub.s32 @!p0 $0x0, s1;
	[sflag:s0] =	ssyncset.done @!p0 $0x0  }
0x4b: {  	[sflag:s0] =	ssyncadd.s32 @!p0 s1  }
0x4c: {  	[bflag:$0x3] =	sbarrier.arrive $0xFFFF  }
0x4d: {  	_ =	shalt  }

</sc_bundles>
